<compile_context>
chip_gen: v7x
topology: tpu7x:2x2x1
jax: 0.10.2.dev20260603
libtpu: 0.0.44.dev20260713+nightly
codegen_flags: <defaults>
</compile_context>

<pallas_src>
import functools

import jax
import jax.numpy as jnp
from jax import lax
from jax.experimental import pallas as pl
from jax.experimental.pallas import tpu as pltpu
from jax.experimental.pallas import tpu_sc as plsc

B = 4096
S = 50
D = 64
P = 20
T = P + S

NC = 2
NS = 16
NW = NC * NS
L = 16
DT = D // 8
LB = 128
NBUF = 4


def _splat(val):
    return jnp.full((L,), val, dtype=jnp.int32)


def _soft_embed(ids_hbm, table_hbm, learned_hbm, out_hbm,
                idx_v, lrn_v, rows_v, slab_v, pslab_v, gsem, wsem, psem):
    wid = lax.axis_index("s") * NC + lax.axis_index("c")
    pltpu.sync_copy(ids_hbm.at[:, pl.ds(wid * LB, LB)], idx_v)
    pltpu.sync_copy(learned_hbm, lrn_v)

    def fire(s, p4):
        pltpu.async_copy(table_hbm.at[idx_v.at[s]], rows_v.at[p4], gsem.at[p4])

    def drain_gather(s, p4):
        pltpu.make_async_copy(
            table_hbm.at[idx_v.at[s]], rows_v.at[p4], gsem.at[p4]
        ).wait()

    def write_slab(t, p, sem):
        pltpu.async_copy(slab_v.at[p], out_hbm.at[t, :, wid], sem)

    def drain_slab(t, p, sem):
        pltpu.make_async_copy(
            slab_v.at[p], out_hbm.at[t, :, wid], sem
        ).wait()

    for s0 in range(NBUF):
        fire(s0, s0)

    iota = lax.iota(jnp.int32, L)

    def pdrain(t, p2):
        pltpu.make_async_copy(
            pslab_v.at[p2], out_hbm.at[t, :, wid], psem.at[p2]
        ).wait()

    def prefix_body(t, carry):
        p2 = lax.rem(t, 2)
        tv = _splat(t)

        @pl.when(t >= 2)
        def _():
            pdrain(t - 2, p2)

        @plsc.parallel_loop(0, D, 1, unroll=4)
        def dbody(d):
            v = plsc.load_gather(lrn_v, [tv, _splat(d)])
            dt = lax.shift_right_logical(d, 3)
            ds = jnp.bitwise_and(d, 7)
            for c8 in range(LB // L):
                pslab_v[p2, dt, ds, pl.ds(c8 * L, L)] = v
        pltpu.async_copy(pslab_v.at[p2], out_hbm.at[t, :, wid], psem.at[p2])
        return carry

    lax.fori_loop(0, P, prefix_body, 0)

    def body(s, carry):
        p = lax.rem(s, 2)
        p4 = lax.rem(s, NBUF)
        pv = _splat(p)
        p4v = _splat(p4)
        drain_gather(s, p4)

        @pl.when(s >= 2)
        def _():
            drain_slab(P + s - 2, p, wsem.at[p])

        @plsc.parallel_loop(0, L, 1, unroll=4)
        def kbody(k):
            rot = jnp.bitwise_and(iota + k, L - 1)
            for d0 in range(0, D, L):
                colv = rot + d0
                for bl0 in range(0, LB, L):
                    rowv = iota + bl0
                    v = plsc.load_gather(rows_v, [p4v, rowv, colv])
                    dtv = lax.shift_right_logical(colv, 3)
                    dsv = jnp.bitwise_and(colv, 7)
                    plsc.store_scatter(slab_v, [pv, dtv, dsv, rowv], v)

        @pl.when(s < S - NBUF)
        def _():
            fire(s + NBUF, p4)

        write_slab(P + s, p, wsem.at[p])
        return carry

    lax.fori_loop(0, S, body, 0)
    drain_slab(P + S - 2, 0, wsem.at[0])
    drain_slab(P + S - 1, 1, wsem.at[1])
    pdrain(P - 2, 0)
    pdrain(P - 1, 1)


def kernel(input_ids, table, learned):
    mesh = plsc.VectorSubcoreMesh(core_axis_name="c", subcore_axis_name="s")
    run = functools.partial(
        pl.kernel,
        mesh=mesh,
        out_type=jax.ShapeDtypeStruct((T, DT, NW, 8, LB), jnp.float32),
        scratch_types=[
            pltpu.VMEM((S, LB), jnp.int32),
            pltpu.VMEM((P, D), jnp.float32),
            pltpu.VMEM((NBUF, LB, D), jnp.float32),
            pltpu.VMEM((2, DT, 8, LB), jnp.float32),
            pltpu.VMEM((2, DT, 8, LB), jnp.float32),
            pltpu.SemaphoreType.DMA((NBUF,)),
            pltpu.SemaphoreType.DMA((2,)),
            pltpu.SemaphoreType.DMA((2,)),
        ],
        compiler_params=pltpu.CompilerParams(
            use_tc_tiling_on_sc=False, needs_layout_passes=False
        ),
    )(_soft_embed)
    x = run(input_ids.T, table, learned)
    return x.transpose(2, 4, 0, 1, 3).reshape(B, T, D)

# --- scband reference (transcript-rebuilt; emitter-appended) ---
"""Pipeline reference for scband-soft-embedding-74826920231502 (READ-ONLY COPY).

The authoritative reference and input builder live on the scoring server;
editing this copy changes nothing except your own understanding.
"""

import jax, jax.numpy as jnp
import numpy as np

VOCAB = 100000
DIM = 64
N_TOKENS = 20
BATCH = 4096
SEQ = 50


def setup_inputs(seed: int = 0) -> dict:
    key = jax.random.key(seed)
    k1, k2 = jax.random.split(key, 2)
    # pretrained embedding table, sized per init (nn.Embedding(VOCAB, DIM))
    table = jax.random.normal(k1, (VOCAB, DIM), dtype=jnp.float32) * 0.02
    # initialize_from_vocab=True: learned_embedding = table[:n_tokens].clone()
    learned = table[:N_TOKENS]
    input_ids = jax.random.randint(k2, (BATCH, SEQ), 0, VOCAB, dtype=jnp.int32)
    return {"input_ids": input_ids, "table": table, "learned": learned}


def reference(input_ids, table, learned):
    # pretrained embedding lookup -> [B, S, D]
    input_embedding = jnp.take(table, input_ids, axis=0)
    # learned_embedding.unsqueeze(0).repeat(B, 1, 1) -> [B, n_tokens, D]
    learned_embedding = jnp.broadcast_to(
        learned[None, :, :], (input_embedding.shape[0], learned.shape[0], learned.shape[1])
    )
    # torch.cat([learned, input], dim=1) -> [B, n_tokens + S, D]
    combined = jnp.concatenate([learned_embedding, input_embedding], axis=1)
    return combined

if __name__ == "__main__":
    import jax
    _d = setup_inputs()
    print(jax.jit(kernel)(*tuple(_d.values())))

</pallas_src>

<mosaic_0001>
#map = affine_map<(d0, d1) -> (0, 0)>
#map1 = affine_map<(d0, d1) -> (0, 0, 0, 0, 0)>
module attributes {stable_mosaic.version = 14 : i64} {
  func.func @_soft_embed(%arg0: i32, %arg1: i32, %arg2: memref<50x4096xi32, #tpu.memory_space<hbm>>, %arg3: memref<100000x64xf32, #tpu.memory_space<hbm>>, %arg4: memref<20x64xf32, #tpu.memory_space<hbm>>, %arg5: memref<70x8x32x8x128xf32, #tpu.memory_space<hbm>>, %arg6: memref<50x128xi32, #tpu.memory_space<vmem>>, %arg7: memref<20x64xf32, #tpu.memory_space<vmem>>, %arg8: memref<4x128x64xf32, #tpu.memory_space<vmem>>, %arg9: memref<2x8x8x128xf32, #tpu.memory_space<vmem>>, %arg10: memref<2x8x8x128xf32, #tpu.memory_space<vmem>>, %arg11: memref<4x!tpu.dma_semaphore, #tpu.memory_space<semaphore_mem>>, %arg12: memref<2x!tpu.dma_semaphore, #tpu.memory_space<semaphore_mem>>, %arg13: memref<2x!tpu.dma_semaphore, #tpu.memory_space<semaphore_mem>>) attributes {dimension_semantics = [#tpu.dimension_semantics<core_parallel>, #tpu.dimension_semantics<subcore_parallel>], iteration_bounds = array<i64: 2, 16>, scalar_prefetch = 0 : i64, scratch_operands = 8 : i64, tpu.core_type = #tpu.core_type<sc_vector_subcore>, window_params = [{transform_indices = #map}, {transform_indices = #map}, {transform_indices = #map}, {transform_indices = #map1}]} {
    %mul3A = arith.constant 2 : i32
    %mul3A_0 = arith.muli %arg1, %mul3A : i32
    %add3A = arith.addi %mul3A_0, %arg0 : i32
    %mul3A_1 = arith.constant 128 : i32
    %mul3A_2 = arith.muli %add3A, %mul3A_1 : i32
    "tpu.region"() ({
      %run_scoped3A = tpu.sem_alloc : memref<!tpu.dma_semaphore, #tpu.memory_space<semaphore_mem>>
      %dma_start3A_172 = arith.constant 0 : i32
      %dma_start3A_173 = tpu.memref_slice %arg2[%dma_start3A_172, %mul3A_2] : memref<50x4096xi32, #tpu.memory_space<hbm>> -> memref<50x128xi32, #tpu.memory_space<hbm>>
      %dma_start3A_174 = arith.constant 0 : i32
      %dma_start3A_175 = tpu.memref_slice %arg2[%dma_start3A_174, %mul3A_2] : memref<50x4096xi32, #tpu.memory_space<hbm>> -> memref<50x128xi32, #tpu.memory_space<hbm>>
      tpu.enqueue_dma source(%dma_start3A_175 : memref<50x128xi32, #tpu.memory_space<hbm>>) target(%arg6 : memref<50x128xi32, #tpu.memory_space<vmem>>) target_semaphore(%run_scoped3A : memref<!tpu.dma_semaphore, #tpu.memory_space<semaphore_mem>>)
      %dma_wait3A_176 = arith.constant 0 : i32
      %dma_wait3A_177 = tpu.memref_slice %arg2[%dma_wait3A_176, %mul3A_2] : memref<50x4096xi32, #tpu.memory_space<hbm>> -> memref<50x128xi32, #tpu.memory_space<hbm>>
      %dma_wait3A_178 = arith.constant 0 : i32
      %dma_wait3A_179 = tpu.memref_slice %arg2[%dma_wait3A_178, %mul3A_2] : memref<50x4096xi32, #tpu.memory_space<hbm>> -> memref<50x128xi32, #tpu.memory_space<hbm>>
      tpu.wait_dma2 semaphore(%run_scoped3A : memref<!tpu.dma_semaphore, #tpu.memory_space<semaphore_mem>>) src(%dma_wait3A_179 : memref<50x128xi32, #tpu.memory_space<hbm>>) dst(%arg6 : memref<50x128xi32, #tpu.memory_space<vmem>>)
      tpu.yield
    }) : () -> ()
    "tpu.region"() ({
      %run_scoped3A = tpu.sem_alloc : memref<!tpu.dma_semaphore, #tpu.memory_space<semaphore_mem>>
      tpu.enqueue_dma source(%arg4 : memref<20x64xf32, #tpu.memory_space<hbm>>) target(%arg7 : memref<20x64xf32, #tpu.memory_space<vmem>>) target_semaphore(%run_scoped3A : memref<!tpu.dma_semaphore, #tpu.memory_space<semaphore_mem>>)
      tpu.wait_dma2 semaphore(%run_scoped3A : memref<!tpu.dma_semaphore, #tpu.memory_space<semaphore_mem>>) src(%arg4 : memref<20x64xf32, #tpu.memory_space<hbm>>) dst(%arg7 : memref<20x64xf32, #tpu.memory_space<vmem>>)
      tpu.yield
    }) : () -> ()
    %dma_start3A = arith.constant 0 : i32
    %dma_start3A_3 = arith.constant 0 : i32
    %dma_start3A_4 = arith.constant 0 : i32
    %dma_start3A_5 = arith.constant 0 : i32
    %dma_start3A_6 = arith.constant 0 : i32
    %dma_start3A_7 = tpu.memref_slice %arg8[%dma_start3A_3, %dma_start3A_5, %dma_start3A_6] : memref<4x128x64xf32, #tpu.memory_space<vmem>> -> memref<1x128x64xf32, #tpu.memory_space<vmem>>
    %dma_start3A_8 = tpu.memref_squeeze %dma_start3A_7 : memref<1x128x64xf32, #tpu.memory_space<vmem>> -> memref<128x64xf32, #tpu.memory_space<vmem>>
    %dma_start3A_9 = arith.constant 0 : i32
    %dma_start3A_10 = tpu.memref_slice %arg6[%dma_start3A, %dma_start3A_9] : memref<50x128xi32, #tpu.memory_space<vmem>> -> memref<1x128xi32, #tpu.memory_space<vmem>>
    %dma_start3A_11 = tpu.memref_squeeze %dma_start3A_10 : memref<1x128xi32, #tpu.memory_space<vmem>> -> memref<128xi32, #tpu.memory_space<vmem>>
    %dma_start3A_12 = arith.constant 0 : i32
    %dma_start3A_13 = arith.constant 0 : i32
    %dma_start3A_14 = tpu.memref_slice %arg3[%dma_start3A_12, %dma_start3A_13] : memref<100000x64xf32, #tpu.memory_space<hbm>> -> memref<100000x64xf32, #tpu.memory_space<hbm>>
    %dma_start3A_15 = tpu.memref_slice %arg11[%dma_start3A_4] : memref<4x!tpu.dma_semaphore, #tpu.memory_space<semaphore_mem>> -> memref<1x!tpu.dma_semaphore, #tpu.memory_space<semaphore_mem>>
    %dma_start3A_16 = tpu.memref_squeeze %dma_start3A_15 : memref<1x!tpu.dma_semaphore, #tpu.memory_space<semaphore_mem>> -> memref<!tpu.dma_semaphore, #tpu.memory_space<semaphore_mem>>
    tpu.enqueue_indirect_dma source(%dma_start3A_14 : memref<100000x64xf32, #tpu.memory_space<hbm>>) target(%dma_start3A_8 : memref<128x64xf32, #tpu.memory_space<vmem>>) offsets(%dma_start3A_11 : memref<128xi32, #tpu.memory_space<vmem>>) semaphore(%dma_start3A_16 : memref<!tpu.dma_semaphore, #tpu.memory_space<semaphore_mem>>)
    %dma_start3A_17 = arith.constant 1 : i32
    %dma_start3A_18 = arith.constant 1 : i32
    %dma_start3A_19 = arith.constant 1 : i32
    %dma_start3A_20 = arith.constant 0 : i32
    %dma_start3A_21 = arith.constant 0 : i32
    %dma_start3A_22 = tpu.memref_slice %arg8[%dma_start3A_18, %dma_start3A_20, %dma_start3A_21] : memref<4x128x64xf32, #tpu.memory_space<vmem>> -> memref<1x128x64xf32, #tpu.memory_space<vmem>>
    %dma_start3A_23 = tpu.memref_squeeze %dma_start3A_22 : memref<1x128x64xf32, #tpu.memory_space<vmem>> -> memref<128x64xf32, #tpu.memory_space<vmem>>
    %dma_start3A_24 = arith.constant 0 : i32
    %dma_start3A_25 = tpu.memref_slice %arg6[%dma_start3A_17, %dma_start3A_24] : memref<50x128xi32, #tpu.memory_space<vmem>> -> memref<1x128xi32, #tpu.memory_space<vmem>>
    %dma_start3A_26 = tpu.memref_squeeze %dma_start3A_25 : memref<1x128xi32, #tpu.memory_space<vmem>> -> memref<128xi32, #tpu.memory_space<vmem>>
    %dma_start3A_27 = arith.constant 0 : i32
    %dma_start3A_28 = arith.constant 0 : i32
    %dma_start3A_29 = tpu.memref_slice %arg3[%dma_start3A_27, %dma_start3A_28] : memref<100000x64xf32, #tpu.memory_space<hbm>> -> memref<100000x64xf32, #tpu.memory_space<hbm>>
    %dma_start3A_30 = tpu.memref_slice %arg11[%dma_start3A_19] : memref<4x!tpu.dma_semaphore, #tpu.memory_space<semaphore_mem>> -> memref<1x!tpu.dma_semaphore, #tpu.memory_space<semaphore_mem>>
    %dma_start3A_31 = tpu.memref_squeeze %dma_start3A_30 : memref<1x!tpu.dma_semaphore, #tpu.memory_space<semaphore_mem>> -> memref<!tpu.dma_semaphore, #tpu.memory_space<semaphore_mem>>
    tpu.enqueue_indirect_dma source(%dma_start3A_29 : memref<100000x64xf32, #tpu.memory_space<hbm>>) target(%dma_start3A_23 : memref<128x64xf32, #tpu.memory_space<vmem>>) offsets(%dma_start3A_26 : memref<128xi32, #tpu.memory_space<vmem>>) semaphore(%dma_start3A_31 : memref<!tpu.dma_semaphore, #tpu.memory_space<semaphore_mem>>)
    %dma_start3A_32 = arith.constant 2 : i32
    %dma_start3A_33 = arith.constant 2 : i32
    %dma_start3A_34 = arith.constant 2 : i32
    %dma_start3A_35 = arith.constant 0 : i32
    %dma_start3A_36 = arith.constant 0 : i32
    %dma_start3A_37 = tpu.memref_slice %arg8[%dma_start3A_33, %dma_start3A_35, %dma_start3A_36] : memref<4x128x64xf32, #tpu.memory_space<vmem>> -> memref<1x128x64xf32, #tpu.memory_space<vmem>>
    %dma_start3A_38 = tpu.memref_squeeze %dma_start3A_37 : memref<1x128x64xf32, #tpu.memory_space<vmem>> -> memref<128x64xf32, #tpu.memory_space<vmem>>
    %dma_start3A_39 = arith.constant 0 : i32
    %dma_start3A_40 = tpu.memref_slice %arg6[%dma_start3A_32, %dma_start3A_39] : memref<50x128xi32, #tpu.memory_space<vmem>> -> memref<1x128xi32, #tpu.memory_space<vmem>>
    %dma_start3A_41 = tpu.memref_squeeze %dma_start3A_40 : memref<1x128xi32, #tpu.memory_space<vmem>> -> memref<128xi32, #tpu.memory_space<vmem>>
    %dma_start3A_42 = arith.constant 0 : i32
    %dma_start3A_43 = arith.constant 0 : i32
    %dma_start3A_44 = tpu.memref_slice %arg3[%dma_start3A_42, %dma_start3A_43] : memref<100000x64xf32, #tpu.memory_space<hbm>> -> memref<100000x64xf32, #tpu.memory_space<hbm>>
    %dma_start3A_45 = tpu.memref_slice %arg11[%dma_start3A_34] : memref<4x!tpu.dma_semaphore, #tpu.memory_space<semaphore_mem>> -> memref<1x!tpu.dma_semaphore, #tpu.memory_space<semaphore_mem>>
    %dma_start3A_46 = tpu.memref_squeeze %dma_start3A_45 : memref<1x!tpu.dma_semaphore, #tpu.memory_space<semaphore_mem>> -> memref<!tpu.dma_semaphore, #tpu.memory_space<semaphore_mem>>
    tpu.enqueue_indirect_dma source(%dma_start3A_44 : memref<100000x64xf32, #tpu.memory_space<hbm>>) target(%dma_start3A_38 : memref<128x64xf32, #tpu.memory_space<vmem>>) offsets(%dma_start3A_41 : memref<128xi32, #tpu.memory_space<vmem>>) semaphore(%dma_start3A_46 : memref<!tpu.dma_semaphore, #tpu.memory_space<semaphore_mem>>)
    %dma_start3A_47 = arith.constant 3 : i32
    %dma_start3A_48 = arith.constant 3 : i32
    %dma_start3A_49 = arith.constant 3 : i32
    %dma_start3A_50 = arith.constant 0 : i32
    %dma_start3A_51 = arith.constant 0 : i32
    %dma_start3A_52 = tpu.memref_slice %arg8[%dma_start3A_48, %dma_start3A_50, %dma_start3A_51] : memref<4x128x64xf32, #tpu.memory_space<vmem>> -> memref<1x128x64xf32, #tpu.memory_space<vmem>>
    %dma_start3A_53 = tpu.memref_squeeze %dma_start3A_52 : memref<1x128x64xf32, #tpu.memory_space<vmem>> -> memref<128x64xf32, #tpu.memory_space<vmem>>
    %dma_start3A_54 = arith.constant 0 : i32
    %dma_start3A_55 = tpu.memref_slice %arg6[%dma_start3A_47, %dma_start3A_54] : memref<50x128xi32, #tpu.memory_space<vmem>> -> memref<1x128xi32, #tpu.memory_space<vmem>>
    %dma_start3A_56 = tpu.memref_squeeze %dma_start3A_55 : memref<1x128xi32, #tpu.memory_space<vmem>> -> memref<128xi32, #tpu.memory_space<vmem>>
    %dma_start3A_57 = arith.constant 0 : i32
    %dma_start3A_58 = arith.constant 0 : i32
    %dma_start3A_59 = tpu.memref_slice %arg3[%dma_start3A_57, %dma_start3A_58] : memref<100000x64xf32, #tpu.memory_space<hbm>> -> memref<100000x64xf32, #tpu.memory_space<hbm>>
    %dma_start3A_60 = tpu.memref_slice %arg11[%dma_start3A_49] : memref<4x!tpu.dma_semaphore, #tpu.memory_space<semaphore_mem>> -> memref<1x!tpu.dma_semaphore, #tpu.memory_space<semaphore_mem>>
    %dma_start3A_61 = tpu.memref_squeeze %dma_start3A_60 : memref<1x!tpu.dma_semaphore, #tpu.memory_space<semaphore_mem>> -> memref<!tpu.dma_semaphore, #tpu.memory_space<semaphore_mem>>
    tpu.enqueue_indirect_dma source(%dma_start3A_59 : memref<100000x64xf32, #tpu.memory_space<hbm>>) target(%dma_start3A_53 : memref<128x64xf32, #tpu.memory_space<vmem>>) offsets(%dma_start3A_56 : memref<128xi32, #tpu.memory_space<vmem>>) semaphore(%dma_start3A_61 : memref<!tpu.dma_semaphore, #tpu.memory_space<semaphore_mem>>)
    %iota3A = tpu.iota {dimensions = array<i32: 0>} : vector<16xi32>
    %scan3A = arith.constant 0 : i32
    %scan3A_62 = arith.constant 0 : i32
    %scan3A_63 = arith.constant 20 : i32
    %scan3A_64 = arith.addi %scan3A_62, %scan3A_63 : i32
    %scan3A_65 = arith.constant 1 : i32
    scf.for %scan3A_172 = %scan3A_62 to %scan3A_64 step %scan3A_65  : i32 {
      %rem3A = arith.constant 2 : i32
      %rem3A_173 = arith.remsi %scan3A_172, %rem3A : i32
      %broadcast_in_dim3A = vector.broadcast %scan3A_172 : i32 to vector<16xi32>
      %ge3A = arith.constant 2 : i32
      %ge3A_174 = arith.cmpi sge, %scan3A_172, %ge3A : i32
      %convert_element_type3A = arith.extui %ge3A_174 : i1 to i32
      %cond3A = arith.constant 0 : i32
      %cond3A_175 = arith.cmpi ne, %convert_element_type3A, %cond3A : i32
      scf.if %cond3A_175 {
        %sub3A = arith.constant 2 : i32
        %sub3A_200 = arith.subi %scan3A_172, %sub3A : i32
        %dma_wait3A_201 = arith.constant 0 : i32
        %dma_wait3A_202 = arith.constant 0 : i32
        %dma_wait3A_203 = arith.constant 0 : i32
        %dma_wait3A_204 = tpu.memref_slice %arg10[%rem3A_173, %dma_wait3A_201, %dma_wait3A_202, %dma_wait3A_203] : memref<2x8x8x128xf32, #tpu.memory_space<vmem>> -> memref<1x8x8x128xf32, #tpu.memory_space<vmem>>
        %dma_wait3A_205 = tpu.memref_squeeze %dma_wait3A_204 : memref<1x8x8x128xf32, #tpu.memory_space<vmem>> -> memref<8x8x128xf32, #tpu.memory_space<vmem>>
        %dma_wait3A_206 = arith.constant 0 : i32
        %dma_wait3A_207 = arith.constant 0 : i32
        %dma_wait3A_208 = arith.constant 0 : i32
        %dma_wait3A_209 = tpu.memref_slice %arg5[%sub3A_200, %dma_wait3A_206, %add3A, %dma_wait3A_207, %dma_wait3A_208] : memref<70x8x32x8x128xf32, #tpu.memory_space<hbm>> -> memref<1x8x1x8x128xf32, #tpu.memory_space<hbm>>
        %dma_wait3A_210 = tpu.memref_squeeze %dma_wait3A_209 : memref<1x8x1x8x128xf32, #tpu.memory_space<hbm>> -> memref<8x8x128xf32, #tpu.memory_space<hbm>>
        %dma_wait3A_211 = tpu.memref_slice %arg13[%rem3A_173] : memref<2x!tpu.dma_semaphore, #tpu.memory_space<semaphore_mem>> -> memref<1x!tpu.dma_semaphore, #tpu.memory_space<semaphore_mem>>
        %dma_wait3A_212 = tpu.memref_squeeze %dma_wait3A_211 : memref<1x!tpu.dma_semaphore, #tpu.memory_space<semaphore_mem>> -> memref<!tpu.dma_semaphore, #tpu.memory_space<semaphore_mem>>
        %dma_wait3A_213 = arith.constant 0 : i32
        %dma_wait3A_214 = arith.constant 0 : i32
        %dma_wait3A_215 = arith.constant 0 : i32
        %dma_wait3A_216 = tpu.memref_slice %arg5[%sub3A_200, %dma_wait3A_213, %add3A, %dma_wait3A_214, %dma_wait3A_215] : memref<70x8x32x8x128xf32, #tpu.memory_space<hbm>> -> memref<1x8x1x8x128xf32, #tpu.memory_space<hbm>>
        %dma_wait3A_217 = tpu.memref_squeeze %dma_wait3A_216 : memref<1x8x1x8x128xf32, #tpu.memory_space<hbm>> -> memref<8x8x128xf32, #tpu.memory_space<hbm>>
        %dma_wait3A_218 = arith.constant 0 : i32
        %dma_wait3A_219 = arith.constant 0 : i32
        %dma_wait3A_220 = arith.constant 0 : i32
        %dma_wait3A_221 = tpu.memref_slice %arg10[%rem3A_173, %dma_wait3A_218, %dma_wait3A_219, %dma_wait3A_220] : memref<2x8x8x128xf32, #tpu.memory_space<vmem>> -> memref<1x8x8x128xf32, #tpu.memory_space<vmem>>
        %dma_wait3A_222 = tpu.memref_squeeze %dma_wait3A_221 : memref<1x8x8x128xf32, #tpu.memory_space<vmem>> -> memref<8x8x128xf32, #tpu.memory_space<vmem>>
        tpu.wait_dma2 semaphore(%dma_wait3A_212 : memref<!tpu.dma_semaphore, #tpu.memory_space<semaphore_mem>>) src(%dma_wait3A_222 : memref<8x8x128xf32, #tpu.memory_space<vmem>>) dst(%dma_wait3A_217 : memref<8x8x128xf32, #tpu.memory_space<hbm>>)
      } else {
      }
      %parallel_loop3A = arith.constant 0 : i32
      %parallel_loop3A_176 = arith.constant 64 : i32
      %parallel_loop3A_177 = arith.constant 1 : i32
      scf.for %parallel_loop3A_200 = %parallel_loop3A to %parallel_loop3A_176 step %parallel_loop3A_177  : i32 {
        %parallel_loop3A_201 = vector.broadcast %parallel_loop3A_200 : i32 to vector<16xi32>
        %parallel_loop3A_202 = tpu.vector_load_idx %arg7[%broadcast_in_dim3A, %parallel_loop3A_201] : memref<20x64xf32, #tpu.memory_space<vmem>>[vector<16xi32>, vector<16xi32>], vector<16xf32>,
        %parallel_loop3A_203 = arith.constant 3 : i32
        %parallel_loop3A_204 = arith.shrui %parallel_loop3A_200, %parallel_loop3A_203 : i32
        %parallel_loop3A_205 = arith.constant 7 : i32
        %parallel_loop3A_206 = arith.andi %parallel_loop3A_200, %parallel_loop3A_205 : i32
        %parallel_loop3A_207 = arith.index_cast %rem3A_173 : i32 to index
        %parallel_loop3A_208 = arith.index_cast %parallel_loop3A_204 : i32 to index
        %parallel_loop3A_209 = arith.index_cast %parallel_loop3A_206 : i32 to index
        %parallel_loop3A_210 = arith.constant 0 : index
        %parallel_loop3A_211 = tpu.vector_load %arg10[%parallel_loop3A_207, %parallel_loop3A_208, %parallel_loop3A_209, %parallel_loop3A_210] {strides = array<i32>} : memref<2x8x8x128xf32, #tpu.memory_space<vmem>>, vector<16xf32>,
        tpu.vector_store %arg10[%parallel_loop3A_207, %parallel_loop3A_208, %parallel_loop3A_209, %parallel_loop3A_210], %parallel_loop3A_202 {strides = array<i32>} : memref<2x8x8x128xf32, #tpu.memory_space<vmem>>, vector<16xf32>,
        %parallel_loop3A_212 = arith.index_cast %rem3A_173 : i32 to index
        %parallel_loop3A_213 = arith.index_cast %parallel_loop3A_204 : i32 to index
        %parallel_loop3A_214 = arith.index_cast %parallel_loop3A_206 : i32 to index
        %parallel_loop3A_215 = arith.constant 16 : index
        %parallel_loop3A_216 = tpu.vector_load %arg10[%parallel_loop3A_212, %parallel_loop3A_213, %parallel_loop3A_214, %parallel_loop3A_215] {strides = array<i32>} : memref<2x8x8x128xf32, #tpu.memory_space<vmem>>, vector<16xf32>,
        tpu.vector_store %arg10[%parallel_loop3A_212, %parallel_loop3A_213, %parallel_loop3A_214, %parallel_loop3A_215], %parallel_loop3A_202 {strides = array<i32>} : memref<2x8x8x128xf32, #tpu.memory_space<vmem>>, vector<16xf32>,
        %parallel_loop3A_217 = arith.index_cast %rem3A_173 : i32 to index
        %parallel_loop3A_218 = arith.index_cast %parallel_loop3A_204 : i32 to index
        %parallel_loop3A_219 = arith.index_cast %parallel_loop3A_206 : i32 to index
        %parallel_loop3A_220 = arith.constant 32 : index
        %parallel_loop3A_221 = tpu.vector_load %arg10[%parallel_loop3A_217, %parallel_loop3A_218, %parallel_loop3A_219, %parallel_loop3A_220] {strides = array<i32>} : memref<2x8x8x128xf32, #tpu.memory_space<vmem>>, vector<16xf32>,
        tpu.vector_store %arg10[%parallel_loop3A_217, %parallel_loop3A_218, %parallel_loop3A_219, %parallel_loop3A_220], %parallel_loop3A_202 {strides = array<i32>} : memref<2x8x8x128xf32, #tpu.memory_space<vmem>>, vector<16xf32>,
        %parallel_loop3A_222 = arith.index_cast %rem3A_173 : i32 to index
        %parallel_loop3A_223 = arith.index_cast %parallel_loop3A_204 : i32 to index
        %parallel_loop3A_224 = arith.index_cast %parallel_loop3A_206 : i32 to index
        %parallel_loop3A_225 = arith.constant 48 : index
        %parallel_loop3A_226 = tpu.vector_load %arg10[%parallel_loop3A_222, %parallel_loop3A_223, %parallel_loop3A_224, %parallel_loop3A_225] {strides = array<i32>} : memref<2x8x8x128xf32, #tpu.memory_space<vmem>>, vector<16xf32>,
        tpu.vector_store %arg10[%parallel_loop3A_222, %parallel_loop3A_223, %parallel_loop3A_224, %parallel_loop3A_225], %parallel_loop3A_202 {strides = array<i32>} : memref<2x8x8x128xf32, #tpu.memory_space<vmem>>, vector<16xf32>,
        %parallel_loop3A_227 = arith.index_cast %rem3A_173 : i32 to index
        %parallel_loop3A_228 = arith.index_cast %parallel_loop3A_204 : i32 to index
        %parallel_loop3A_229 = arith.index_cast %parallel_loop3A_206 : i32 to index
        %parallel_loop3A_230 = arith.constant 64 : index
        %parallel_loop3A_231 = tpu.vector_load %arg10[%parallel_loop3A_227, %parallel_loop3A_228, %parallel_loop3A_229, %parallel_loop3A_230] {strides = array<i32>} : memref<2x8x8x128xf32, #tpu.memory_space<vmem>>, vector<16xf32>,
        tpu.vector_store %arg10[%parallel_loop3A_227, %parallel_loop3A_228, %parallel_loop3A_229, %parallel_loop3A_230], %parallel_loop3A_202 {strides = array<i32>} : memref<2x8x8x128xf32, #tpu.memory_space<vmem>>, vector<16xf32>,
        %parallel_loop3A_232 = arith.index_cast %rem3A_173 : i32 to index
        %parallel_loop3A_233 = arith.index_cast %parallel_loop3A_204 : i32 to index
        %parallel_loop3A_234 = arith.index_cast %parallel_loop3A_206 : i32 to index
        %parallel_loop3A_235 = arith.constant 80 : index
        %parallel_loop3A_236 = tpu.vector_load %arg10[%parallel_loop3A_232, %parallel_loop3A_233, %parallel_loop3A_234, %parallel_loop3A_235] {strides = array<i32>} : memref<2x8x8x128xf32, #tpu.memory_space<vmem>>, vector<16xf32>,
        tpu.vector_store %arg10[%parallel_loop3A_232, %parallel_loop3A_233, %parallel_loop3A_234, %parallel_loop3A_235], %parallel_loop3A_202 {strides = array<i32>} : memref<2x8x8x128xf32, #tpu.memory_space<vmem>>, vector<16xf32>,
        %parallel_loop3A_237 = arith.index_cast %rem3A_173 : i32 to index
        %parallel_loop3A_238 = arith.index_cast %parallel_loop3A_204 : i32 to index
        %parallel_loop3A_239 = arith.index_cast %parallel_loop3A_206 : i32 to index
        %parallel_loop3A_240 = arith.constant 96 : index
        %parallel_loop3A_241 = tpu.vector_load %arg10[%parallel_loop3A_237, %parallel_loop3A_238, %parallel_loop3A_239, %parallel_loop3A_240] {strides = array<i32>} : memref<2x8x8x128xf32, #tpu.memory_space<vmem>>, vector<16xf32>,
        tpu.vector_store %arg10[%parallel_loop3A_237, %parallel_loop3A_238, %parallel_loop3A_239, %parallel_loop3A_240], %parallel_loop3A_202 {strides = array<i32>} : memref<2x8x8x128xf32, #tpu.memory_space<vmem>>, vector<16xf32>,
        %parallel_loop3A_242 = arith.index_cast %rem3A_173 : i32 to index
        %parallel_loop3A_243 = arith.index_cast %parallel_loop3A_204 : i32 to index
        %parallel_loop3A_244 = arith.index_cast %parallel_loop3A_206 : i32 to index
        %parallel_loop3A_245 = arith.constant 112 : index
        %parallel_loop3A_246 = tpu.vector_load %arg10[%parallel_loop3A_242, %parallel_loop3A_243, %parallel_loop3A_244, %parallel_loop3A_245] {strides = array<i32>} : memref<2x8x8x128xf32, #tpu.memory_space<vmem>>, vector<16xf32>,
        tpu.vector_store %arg10[%parallel_loop3A_242, %parallel_loop3A_243, %parallel_loop3A_244, %parallel_loop3A_245], %parallel_loop3A_202 {strides = array<i32>} : memref<2x8x8x128xf32, #tpu.memory_space<vmem>>, vector<16xf32>,
      } {sc.loop_unroll_factor = 4 : i64, sc.parallel_access}
      %dma_start3A_178 = arith.constant 0 : i32
      %dma_start3A_179 = arith.constant 0 : i32
      %dma_start3A_180 = arith.constant 0 : i32
      %dma_start3A_181 = tpu.memref_slice %arg10[%rem3A_173, %dma_start3A_178, %dma_start3A_179, %dma_start3A_180] : memref<2x8x8x128xf32, #tpu.memory_space<vmem>> -> memref<1x8x8x128xf32, #tpu.memory_space<vmem>>
      %dma_start3A_182 = tpu.memref_squeeze %dma_start3A_181 : memref<1x8x8x128xf32, #tpu.memory_space<vmem>> -> memref<8x8x128xf32, #tpu.memory_space<vmem>>
      %dma_start3A_183 = arith.constant 0 : i32
      %dma_start3A_184 = arith.constant 0 : i32
      %dma_start3A_185 = arith.constant 0 : i32
      %dma_start3A_186 = tpu.memref_slice %arg5[%scan3A_172, %dma_start3A_183, %add3A, %dma_start3A_184, %dma_start3A_185] : memref<70x8x32x8x128xf32, #tpu.memory_space<hbm>> -> memref<1x8x1x8x128xf32, #tpu.memory_space<hbm>>
      %dma_start3A_187 = tpu.memref_squeeze %dma_start3A_186 : memref<1x8x1x8x128xf32, #tpu.memory_space<hbm>> -> memref<8x8x128xf32, #tpu.memory_space<hbm>>
      %dma_start3A_188 = tpu.memref_slice %arg13[%rem3A_173] : memref<2x!tpu.dma_semaphore, #tpu.memory_space<semaphore_mem>> -> memref<1x!tpu.dma_semaphore, #tpu.memory_space<semaphore_mem>>
      %dma_start3A_189 = tpu.memref_squeeze %dma_start3A_188 : memref<1x!tpu.dma_semaphore, #tpu.memory_space<semaphore_mem>> -> memref<!tpu.dma_semaphore, #tpu.memory_space<semaphore_mem>>
      %dma_start3A_190 = arith.constant 0 : i32
      %dma_start3A_191 = arith.constant 0 : i32
      %dma_start3A_192 = arith.constant 0 : i32
      %dma_start3A_193 = tpu.memref_slice %arg5[%scan3A_172, %dma_start3A_190, %add3A, %dma_start3A_191, %dma_start3A_192] : memref<70x8x32x8x128xf32, #tpu.memory_space<hbm>> -> memref<1x8x1x8x128xf32, #tpu.memory_space<hbm>>
      %dma_start3A_194 = tpu.memref_squeeze %dma_start3A_193 : memref<1x8x1x8x128xf32, #tpu.memory_space<hbm>> -> memref<8x8x128xf32, #tpu.memory_space<hbm>>
      %dma_start3A_195 = arith.constant 0 : i32
      %dma_start3A_196 = arith.constant 0 : i32
      %dma_start3A_197 = arith.constant 0 : i32
      %dma_start3A_198 = tpu.memref_slice %arg10[%rem3A_173, %dma_start3A_195, %dma_start3A_196, %dma_start3A_197] : memref<2x8x8x128xf32, #tpu.memory_space<vmem>> -> memref<1x8x8x128xf32, #tpu.memory_space<vmem>>
      %dma_start3A_199 = tpu.memref_squeeze %dma_start3A_198 : memref<1x8x8x128xf32, #tpu.memory_space<vmem>> -> memref<8x8x128xf32, #tpu.memory_space<vmem>>
      tpu.enqueue_dma source(%dma_start3A_199 : memref<8x8x128xf32, #tpu.memory_space<vmem>>) target(%dma_start3A_194 : memref<8x8x128xf32, #tpu.memory_space<hbm>>) target_semaphore(%dma_start3A_189 : memref<!tpu.dma_semaphore, #tpu.memory_space<semaphore_mem>>)
    }
    %scan3A_66 = arith.constant 20 : i32
    %scan3A_67 = arith.constant 0 : i32
    %scan3A_68 = arith.constant 0 : i32
    %scan3A_69 = arith.constant 50 : i32
    %scan3A_70 = arith.addi %scan3A_68, %scan3A_69 : i32
    %scan3A_71 = arith.constant 1 : i32
    scf.for %scan3A_172 = %scan3A_68 to %scan3A_70 step %scan3A_71  : i32 {
      %rem3A = arith.constant 2 : i32
      %rem3A_173 = arith.remsi %scan3A_172, %rem3A : i32
      %rem3A_174 = arith.constant 4 : i32
      %rem3A_175 = arith.remsi %scan3A_172, %rem3A_174 : i32
      %broadcast_in_dim3A = vector.broadcast %rem3A_173 : i32 to vector<16xi32>
      %broadcast_in_dim3A_176 = vector.broadcast %rem3A_175 : i32 to vector<16xi32>
      %dma_wait3A_177 = arith.constant 0 : i32
      %dma_wait3A_178 = arith.constant 0 : i32
      %dma_wait3A_179 = tpu.memref_slice %arg8[%rem3A_175, %dma_wait3A_177, %dma_wait3A_178] : memref<4x128x64xf32, #tpu.memory_space<vmem>> -> memref<1x128x64xf32, #tpu.memory_space<vmem>>
      %dma_wait3A_180 = tpu.memref_squeeze %dma_wait3A_179 : memref<1x128x64xf32, #tpu.memory_space<vmem>> -> memref<128x64xf32, #tpu.memory_space<vmem>>
      %dma_wait3A_181 = arith.constant 0 : i32
      %dma_wait3A_182 = tpu.memref_slice %arg6[%scan3A_172, %dma_wait3A_181] : memref<50x128xi32, #tpu.memory_space<vmem>> -> memref<1x128xi32, #tpu.memory_space<vmem>>
      %dma_wait3A_183 = tpu.memref_squeeze %dma_wait3A_182 : memref<1x128xi32, #tpu.memory_space<vmem>> -> memref<128xi32, #tpu.memory_space<vmem>>
      %dma_wait3A_184 = arith.constant 0 : i32
      %dma_wait3A_185 = arith.constant 0 : i32
      %dma_wait3A_186 = tpu.memref_slice %arg3[%dma_wait3A_184, %dma_wait3A_185] : memref<100000x64xf32, #tpu.memory_space<hbm>> -> memref<100000x64xf32, #tpu.memory_space<hbm>>
      %dma_wait3A_187 = tpu.memref_slice %arg11[%rem3A_175] : memref<4x!tpu.dma_semaphore, #tpu.memory_space<semaphore_mem>> -> memref<1x!tpu.dma_semaphore, #tpu.memory_space<semaphore_mem>>
      %dma_wait3A_188 = tpu.memref_squeeze %dma_wait3A_187 : memref<1x!tpu.dma_semaphore, #tpu.memory_space<semaphore_mem>> -> memref<!tpu.dma_semaphore, #tpu.memory_space<semaphore_mem>>
      tpu.wait_indirect_dma semaphore(%dma_wait3A_188 : memref<!tpu.dma_semaphore, #tpu.memory_space<semaphore_mem>>) src(%dma_wait3A_186 : memref<100000x64xf32, #tpu.memory_space<hbm>>) dst(%dma_wait3A_180 : memref<128x64xf32, #tpu.memory_space<vmem>>)
      %ge3A = arith.constant 2 : i32
      %ge3A_189 = arith.cmpi sge, %scan3A_172, %ge3A : i32
      %convert_element_type3A = arith.extui %ge3A_189 : i1 to i32
      %cond3A = arith.constant 0 : i32
      %cond3A_190 = arith.cmpi ne, %convert_element_type3A, %cond3A : i32
      scf.if %cond3A_190 {
        %add3A_221 = arith.constant 20 : i32
        %add3A_222 = arith.addi %add3A_221, %scan3A_172 : i32
        %sub3A = arith.constant 2 : i32
        %sub3A_223 = arith.subi %add3A_222, %sub3A : i32
        %dma_wait3A_224 = arith.constant 0 : i32
        %dma_wait3A_225 = arith.constant 0 : i32
        %dma_wait3A_226 = arith.constant 0 : i32
        %dma_wait3A_227 = tpu.memref_slice %arg9[%rem3A_173, %dma_wait3A_224, %dma_wait3A_225, %dma_wait3A_226] : memref<2x8x8x128xf32, #tpu.memory_space<vmem>> -> memref<1x8x8x128xf32, #tpu.memory_space<vmem>>
        %dma_wait3A_228 = tpu.memref_squeeze %dma_wait3A_227 : memref<1x8x8x128xf32, #tpu.memory_space<vmem>> -> memref<8x8x128xf32, #tpu.memory_space<vmem>>
        %dma_wait3A_229 = arith.constant 0 : i32
        %dma_wait3A_230 = arith.constant 0 : i32
        %dma_wait3A_231 = arith.constant 0 : i32
        %dma_wait3A_232 = tpu.memref_slice %arg5[%sub3A_223, %dma_wait3A_229, %add3A, %dma_wait3A_230, %dma_wait3A_231] : memref<70x8x32x8x128xf32, #tpu.memory_space<hbm>> -> memref<1x8x1x8x128xf32, #tpu.memory_space<hbm>>
        %dma_wait3A_233 = tpu.memref_squeeze %dma_wait3A_232 : memref<1x8x1x8x128xf32, #tpu.memory_space<hbm>> -> memref<8x8x128xf32, #tpu.memory_space<hbm>>
        %dma_wait3A_234 = tpu.memref_slice %arg12[%rem3A_173] : memref<2x!tpu.dma_semaphore, #tpu.memory_space<semaphore_mem>> -> memref<1x!tpu.dma_semaphore, #tpu.memory_space<semaphore_mem>>
        %dma_wait3A_235 = tpu.memref_squeeze %dma_wait3A_234 : memref<1x!tpu.dma_semaphore, #tpu.memory_space<semaphore_mem>> -> memref<!tpu.dma_semaphore, #tpu.memory_space<semaphore_mem>>
        %dma_wait3A_236 = arith.constant 0 : i32
        %dma_wait3A_237 = arith.constant 0 : i32
        %dma_wait3A_238 = arith.constant 0 : i32
        %dma_wait3A_239 = tpu.memref_slice %arg5[%sub3A_223, %dma_wait3A_236, %add3A, %dma_wait3A_237, %dma_wait3A_238] : memref<70x8x32x8x128xf32, #tpu.memory_space<hbm>> -> memref<1x8x1x8x128xf32, #tpu.memory_space<hbm>>
        %dma_wait3A_240 = tpu.memref_squeeze %dma_wait3A_239 : memref<1x8x1x8x128xf32, #tpu.memory_space<hbm>> -> memref<8x8x128xf32, #tpu.memory_space<hbm>>
        %dma_wait3A_241 = arith.constant 0 : i32
        %dma_wait3A_242 = arith.constant 0 : i32
        %dma_wait3A_243 = arith.constant 0 : i32
        %dma_wait3A_244 = tpu.memref_slice %arg9[%rem3A_173, %dma_wait3A_241, %dma_wait3A_242, %dma_wait3A_243] : memref<2x8x8x128xf32, #tpu.memory_space<vmem>> -> memref<1x8x8x128xf32, #tpu.memory_space<vmem>>
        %dma_wait3A_245 = tpu.memref_squeeze %dma_wait3A_244 : memref<1x8x8x128xf32, #tpu.memory_space<vmem>> -> memref<8x8x128xf32, #tpu.memory_space<vmem>>
        tpu.wait_dma2 semaphore(%dma_wait3A_235 : memref<!tpu.dma_semaphore, #tpu.memory_space<semaphore_mem>>) src(%dma_wait3A_245 : memref<8x8x128xf32, #tpu.memory_space<vmem>>) dst(%dma_wait3A_240 : memref<8x8x128xf32, #tpu.memory_space<hbm>>)
      } else {
      }
      %parallel_loop3A = arith.constant 0 : i32
      %parallel_loop3A_191 = arith.constant 16 : i32
      %parallel_loop3A_192 = arith.constant 1 : i32
      scf.for %parallel_loop3A_221 = %parallel_loop3A to %parallel_loop3A_191 step %parallel_loop3A_192  : i32 {
        %parallel_loop3A_222 = vector.broadcast %parallel_loop3A_221 : i32 to vector<16xi32>
        %parallel_loop3A_223 = arith.addi %iota3A, %parallel_loop3A_222 : vector<16xi32>
        %parallel_loop3A_224 = arith.constant 15 : i32
        %parallel_loop3A_225 = vector.broadcast %parallel_loop3A_224 : i32 to vector<16xi32>
        %parallel_loop3A_226 = arith.andi %parallel_loop3A_223, %parallel_loop3A_225 : vector<16xi32>
        %parallel_loop3A_227 = arith.constant 0 : i32
        %parallel_loop3A_228 = vector.broadcast %parallel_loop3A_227 : i32 to vector<16xi32>
        %parallel_loop3A_229 = arith.addi %parallel_loop3A_226, %parallel_loop3A_228 : vector<16xi32>
        %parallel_loop3A_230 = arith.constant 0 : i32
        %parallel_loop3A_231 = vector.broadcast %parallel_loop3A_230 : i32 to vector<16xi32>
        %parallel_loop3A_232 = arith.addi %iota3A, %parallel_loop3A_231 : vector<16xi32>
        %parallel_loop3A_233 = tpu.vector_load_idx %arg8[%broadcast_in_dim3A_176, %parallel_loop3A_232, %parallel_loop3A_229] : memref<4x128x64xf32, #tpu.memory_space<vmem>>[vector<16xi32>, vector<16xi32>, vector<16xi32>], vector<16xf32>,
        %parallel_loop3A_234 = arith.constant 3 : i32
        %parallel_loop3A_235 = vector.broadcast %parallel_loop3A_234 : i32 to vector<16xi32>
        %parallel_loop3A_236 = arith.shrui %parallel_loop3A_229, %parallel_loop3A_235 : vector<16xi32>
        %parallel_loop3A_237 = arith.constant 7 : i32
        %parallel_loop3A_238 = vector.broadcast %parallel_loop3A_237 : i32 to vector<16xi32>
        %parallel_loop3A_239 = arith.andi %parallel_loop3A_229, %parallel_loop3A_238 : vector<16xi32>
        tpu.vector_store_idx %arg9[%broadcast_in_dim3A, %parallel_loop3A_236, %parallel_loop3A_239, %parallel_loop3A_232], %parallel_loop3A_233 : memref<2x8x8x128xf32, #tpu.memory_space<vmem>>[vector<16xi32>, vector<16xi32>, vector<16xi32>, vector<16xi32>], vector<16xf32>,
        %parallel_loop3A_240 = arith.constant 16 : i32
        %parallel_loop3A_241 = vector.broadcast %parallel_loop3A_240 : i32 to vector<16xi32>
        %parallel_loop3A_242 = arith.addi %iota3A, %parallel_loop3A_241 : vector<16xi32>
        %parallel_loop3A_243 = tpu.vector_load_idx %arg8[%broadcast_in_dim3A_176, %parallel_loop3A_242, %parallel_loop3A_229] : memref<4x128x64xf32, #tpu.memory_space<vmem>>[vector<16xi32>, vector<16xi32>, vector<16xi32>], vector<16xf32>,
        %parallel_loop3A_244 = arith.constant 3 : i32
        %parallel_loop3A_245 = vector.broadcast %parallel_loop3A_244 : i32 to vector<16xi32>
        %parallel_loop3A_246 = arith.shrui %parallel_loop3A_229, %parallel_loop3A_245 : vector<16xi32>
        %parallel_loop3A_247 = arith.constant 7 : i32
        %parallel_loop3A_248 = vector.broadcast %parallel_loop3A_247 : i32 to vector<16xi32>
        %parallel_loop3A_249 = arith.andi %parallel_loop3A_229, %parallel_loop3A_248 : vector<16xi32>
        tpu.vector_store_idx %arg9[%broadcast_in_dim3A, %parallel_loop3A_246, %parallel_loop3A_249, %parallel_loop3A_242], %parallel_loop3A_243 : memref<2x8x8x128xf32, #tpu.memory_space<vmem>>[vector<16xi32>, vector<16xi32>, vector<16xi32>, vector<16xi32>], vector<16xf32>,
        %parallel_loop3A_250 = arith.constant 32 : i32
        %parallel_loop3A_251 = vector.broadcast %parallel_loop3A_250 : i32 to vector<16xi32>
        %parallel_loop3A_252 = arith.addi %iota3A, %parallel_loop3A_251 : vector<16xi32>
        %parallel_loop3A_253 = tpu.vector_load_idx %arg8[%broadcast_in_dim3A_176, %parallel_loop3A_252, %parallel_loop3A_229] : memref<4x128x64xf32, #tpu.memory_space<vmem>>[vector<16xi32>, vector<16xi32>, vector<16xi32>], vector<16xf32>,
        %parallel_loop3A_254 = arith.constant 3 : i32
        %parallel_loop3A_255 = vector.broadcast %parallel_loop3A_254 : i32 to vector<16xi32>
        %parallel_loop3A_256 = arith.shrui %parallel_loop3A_229, %parallel_loop3A_255 : vector<16xi32>
        %parallel_loop3A_257 = arith.constant 7 : i32
        %parallel_loop3A_258 = vector.broadcast %parallel_loop3A_257 : i32 to vector<16xi32>
        %parallel_loop3A_259 = arith.andi %parallel_loop3A_229, %parallel_loop3A_258 : vector<16xi32>
        tpu.vector_store_idx %arg9[%broadcast_in_dim3A, %parallel_loop3A_256, %parallel_loop3A_259, %parallel_loop3A_252], %parallel_loop3A_253 : memref<2x8x8x128xf32, #tpu.memory_space<vmem>>[vector<16xi32>, vector<16xi32>, vector<16xi32>, vector<16xi32>], vector<16xf32>,
        %parallel_loop3A_260 = arith.constant 48 : i32
        %parallel_loop3A_261 = vector.broadcast %parallel_loop3A_260 : i32 to vector<16xi32>
        %parallel_loop3A_262 = arith.addi %iota3A, %parallel_loop3A_261 : vector<16xi32>
        %parallel_loop3A_263 = tpu.vector_load_idx %arg8[%broadcast_in_dim3A_176, %parallel_loop3A_262, %parallel_loop3A_229] : memref<4x128x64xf32, #tpu.memory_space<vmem>>[vector<16xi32>, vector<16xi32>, vector<16xi32>], vector<16xf32>,
        %parallel_loop3A_264 = arith.constant 3 : i32
        %parallel_loop3A_265 = vector.broadcast %parallel_loop3A_264 : i32 to vector<16xi32>
        %parallel_loop3A_266 = arith.shrui %parallel_loop3A_229, %parallel_loop3A_265 : vector<16xi32>
        %parallel_loop3A_267 = arith.constant 7 : i32
        %parallel_loop3A_268 = vector.broadcast %parallel_loop3A_267 : i32 to vector<16xi32>
        %parallel_loop3A_269 = arith.andi %parallel_loop3A_229, %parallel_loop3A_268 : vector<16xi32>
        tpu.vector_store_idx %arg9[%broadcast_in_dim3A, %parallel_loop3A_266, %parallel_loop3A_269, %parallel_loop3A_262], %parallel_loop3A_263 : memref<2x8x8x128xf32, #tpu.memory_space<vmem>>[vector<16xi32>, vector<16xi32>, vector<16xi32>, vector<16xi32>], vector<16xf32>,
        %parallel_loop3A_270 = arith.constant 64 : i32
        %parallel_loop3A_271 = vector.broadcast %parallel_loop3A_270 : i32 to vector<16xi32>
        %parallel_loop3A_272 = arith.addi %iota3A, %parallel_loop3A_271 : vector<16xi32>
        %parallel_loop3A_273 = tpu.vector_load_idx %arg8[%broadcast_in_dim3A_176, %parallel_loop3A_272, %parallel_loop3A_229] : memref<4x128x64xf32, #tpu.memory_space<vmem>>[vector<16xi32>, vector<16xi32>, vector<16xi32>], vector<16xf32>,
        %parallel_loop3A_274 = arith.constant 3 : i32
        %parallel_loop3A_275 = vector.broadcast %parallel_loop3A_274 : i32 to vector<16xi32>
        %parallel_loop3A_276 = arith.shrui %parallel_loop3A_229, %parallel_loop3A_275 : vector<16xi32>
        %parallel_loop3A_277 = arith.constant 7 : i32
        %parallel_loop3A_278 = vector.broadcast %parallel_loop3A_277 : i32 to vector<16xi32>
        %parallel_loop3A_279 = arith.andi %parallel_loop3A_229, %parallel_loop3A_278 : vector<16xi32>
        tpu.vector_store_idx %arg9[%broadcast_in_dim3A, %parallel_loop3A_276, %parallel_loop3A_279, %parallel_loop3A_272], %parallel_loop3A_273 : memref<2x8x8x128xf32, #tpu.memory_space<vmem>>[vector<16xi32>, vector<16xi32>, vector<16xi32>, vector<16xi32>], vector<16xf32>,
        %parallel_loop3A_280 = arith.constant 80 : i32
        %parallel_loop3A_281 = vector.broadcast %parallel_loop3A_280 : i32 to vector<16xi32>
        %parallel_loop3A_282 = arith.addi %iota3A, %parallel_loop3A_281 : vector<16xi32>
        %parallel_loop3A_283 = tpu.vector_load_idx %arg8[%broadcast_in_dim3A_176, %parallel_loop3A_282, %parallel_loop3A_229] : memref<4x128x64xf32, #tpu.memory_space<vmem>>[vector<16xi32>, vector<16xi32>, vector<16xi32>], vector<16xf32>,
        %parallel_loop3A_284 = arith.constant 3 : i32
        %parallel_loop3A_285 = vector.broadcast %parallel_loop3A_284 : i32 to vector<16xi32>
        %parallel_loop3A_286 = arith.shrui %parallel_loop3A_229, %parallel_loop3A_285 : vector<16xi32>
        %parallel_loop3A_287 = arith.constant 7 : i32
        %parallel_loop3A_288 = vector.broadcast %parallel_loop3A_287 : i32 to vector<16xi32>
        %parallel_loop3A_289 = arith.andi %parallel_loop3A_229, %parallel_loop3A_288 : vector<16xi32>
        tpu.vector_store_idx %arg9[%broadcast_in_dim3A, %parallel_loop3A_286, %parallel_loop3A_289, %parallel_loop3A_282], %parallel_loop3A_283 : memref<2x8x8x128xf32, #tpu.memory_space<vmem>>[vector<16xi32>, vector<16xi32>, vector<16xi32>, vector<16xi32>], vector<16xf32>,
        %parallel_loop3A_290 = arith.constant 96 : i32
        %parallel_loop3A_291 = vector.broadcast %parallel_loop3A_290 : i32 to vector<16xi32>
        %parallel_loop3A_292 = arith.addi %iota3A, %parallel_loop3A_291 : vector<16xi32>
        %parallel_loop3A_293 = tpu.vector_load_idx %arg8[%broadcast_in_dim3A_176, %parallel_loop3A_292, %parallel_loop3A_229] : memref<4x128x64xf32, #tpu.memory_space<vmem>>[vector<16xi32>, vector<16xi32>, vector<16xi32>], vector<16xf32>,
        %parallel_loop3A_294 = arith.constant 3 : i32
        %parallel_loop3A_295 = vector.broadcast %parallel_loop3A_294 : i32 to vector<16xi32>
        %parallel_loop3A_296 = arith.shrui %parallel_loop3A_229, %parallel_loop3A_295 : vector<16xi32>
        %parallel_loop3A_297 = arith.constant 7 : i32
        %parallel_loop3A_298 = vector.broadcast %parallel_loop3A_297 : i32 to vector<16xi32>
        %parallel_loop3A_299 = arith.andi %parallel_loop3A_229, %parallel_loop3A_298 : vector<16xi32>
        tpu.vector_store_idx %arg9[%broadcast_in_dim3A, %parallel_loop3A_296, %parallel_loop3A_299, %parallel_loop3A_292], %parallel_loop3A_293 : memref<2x8x8x128xf32, #tpu.memory_space<vmem>>[vector<16xi32>, vector<16xi32>, vector<16xi32>, vector<16xi32>], vector<16xf32>,
        %parallel_loop3A_300 = arith.constant 112 : i32
        %parallel_loop3A_301 = vector.broadcast %parallel_loop3A_300 : i32 to vector<16xi32>
        %parallel_loop3A_302 = arith.addi %iota3A, %parallel_loop3A_301 : vector<16xi32>
        %parallel_loop3A_303 = tpu.vector_load_idx %arg8[%broadcast_in_dim3A_176, %parallel_loop3A_302, %parallel_loop3A_229] : memref<4x128x64xf32, #tpu.memory_space<vmem>>[vector<16xi32>, vector<16xi32>, vector<16xi32>], vector<16xf32>,
        %parallel_loop3A_304 = arith.constant 3 : i32
        %parallel_loop3A_305 = vector.broadcast %parallel_loop3A_304 : i32 to vector<16xi32>
        %parallel_loop3A_306 = arith.shrui %parallel_loop3A_229, %parallel_loop3A_305 : vector<16xi32>
        %parallel_loop3A_307 = arith.constant 7 : i32
        %parallel_loop3A_308 = vector.broadcast %parallel_loop3A_307 : i32 to vector<16xi32>
        %parallel_loop3A_309 = arith.andi %parallel_loop3A_229, %parallel_loop3A_308 : vector<16xi32>
        tpu.vector_store_idx %arg9[%broadcast_in_dim3A, %parallel_loop3A_306, %parallel_loop3A_309, %parallel_loop3A_302], %parallel_loop3A_303 : memref<2x8x8x128xf32, #tpu.memory_space<vmem>>[vector<16xi32>, vector<16xi32>, vector<16xi32>, vector<16xi32>], vector<16xf32>,
        %parallel_loop3A_310 = arith.constant 16 : i32
        %parallel_loop3A_311 = vector.broadcast %parallel_loop3A_310 : i32 to vector<16xi32>
        %parallel_loop3A_312 = arith.addi %parallel_loop3A_226, %parallel_loop3A_311 : vector<16xi32>
        %parallel_loop3A_313 = arith.constant 0 : i32
        %parallel_loop3A_314 = vector.broadcast %parallel_loop3A_313 : i32 to vector<16xi32>
        %parallel_loop3A_315 = arith.addi %iota3A, %parallel_loop3A_314 : vector<16xi32>
        %parallel_loop3A_316 = tpu.vector_load_idx %arg8[%broadcast_in_dim3A_176, %parallel_loop3A_315, %parallel_loop3A_312] : memref<4x128x64xf32, #tpu.memory_space<vmem>>[vector<16xi32>, vector<16xi32>, vector<16xi32>], vector<16xf32>,
        %parallel_loop3A_317 = arith.constant 3 : i32
        %parallel_loop3A_318 = vector.broadcast %parallel_loop3A_317 : i32 to vector<16xi32>
        %parallel_loop3A_319 = arith.shrui %parallel_loop3A_312, %parallel_loop3A_318 : vector<16xi32>
        %parallel_loop3A_320 = arith.constant 7 : i32
        %parallel_loop3A_321 = vector.broadcast %parallel_loop3A_320 : i32 to vector<16xi32>
        %parallel_loop3A_322 = arith.andi %parallel_loop3A_312, %parallel_loop3A_321 : vector<16xi32>
        tpu.vector_store_idx %arg9[%broadcast_in_dim3A, %parallel_loop3A_319, %parallel_loop3A_322, %parallel_loop3A_315], %parallel_loop3A_316 : memref<2x8x8x128xf32, #tpu.memory_space<vmem>>[vector<16xi32>, vector<16xi32>, vector<16xi32>, vector<16xi32>], vector<16xf32>,
        %parallel_loop3A_323 = arith.constant 16 : i32
        %parallel_loop3A_324 = vector.broadcast %parallel_loop3A_323 : i32 to vector<16xi32>
        %parallel_loop3A_325 = arith.addi %iota3A, %parallel_loop3A_324 : vector<16xi32>
        %parallel_loop3A_326 = tpu.vector_load_idx %arg8[%broadcast_in_dim3A_176, %parallel_loop3A_325, %parallel_loop3A_312] : memref<4x128x64xf32, #tpu.memory_space<vmem>>[vector<16xi32>, vector<16xi32>, vector<16xi32>], vector<16xf32>,
        %parallel_loop3A_327 = arith.constant 3 : i32
        %parallel_loop3A_328 = vector.broadcast %parallel_loop3A_327 : i32 to vector<16xi32>
        %parallel_loop3A_329 = arith.shrui %parallel_loop3A_312, %parallel_loop3A_328 : vector<16xi32>
        %parallel_loop3A_330 = arith.constant 7 : i32
        %parallel_loop3A_331 = vector.broadcast %parallel_loop3A_330 : i32 to vector<16xi32>
        %parallel_loop3A_332 = arith.andi %parallel_loop3A_312, %parallel_loop3A_331 : vector<16xi32>
        tpu.vector_store_idx %arg9[%broadcast_in_dim3A, %parallel_loop3A_329, %parallel_loop3A_332, %parallel_loop3A_325], %parallel_loop3A_326 : memref<2x8x8x128xf32, #tpu.memory_space<vmem>>[vector<16xi32>, vector<16xi32>, vector<16xi32>, vector<16xi32>], vector<16xf32>,
        %parallel_loop3A_333 = arith.constant 32 : i32
        %parallel_loop3A_334 = vector.broadcast %parallel_loop3A_333 : i32 to vector<16xi32>
        %parallel_loop3A_335 = arith.addi %iota3A, %parallel_loop3A_334 : vector<16xi32>
        %parallel_loop3A_336 = tpu.vector_load_idx %arg8[%broadcast_in_dim3A_176, %parallel_loop3A_335, %parallel_loop3A_312] : memref<4x128x64xf32, #tpu.memory_space<vmem>>[vector<16xi32>, vector<16xi32>, vector<16xi32>], vector<16xf32>,
        %parallel_loop3A_337 = arith.constant 3 : i32
        %parallel_loop3A_338 = vector.broadcast %parallel_loop3A_337 : i32 to vector<16xi32>
        %parallel_loop3A_339 = arith.shrui %parallel_loop3A_312, %parallel_loop3A_338 : vector<16xi32>
        %parallel_loop3A_340 = arith.constant 7 : i32
        %parallel_loop3A_341 = vector.broadcast %parallel_loop3A_340 : i32 to vector<16xi32>
        %parallel_loop3A_342 = arith.andi %parallel_loop3A_312, %parallel_loop3A_341 : vector<16xi32>
        tpu.vector_store_idx %arg9[%broadcast_in_dim3A, %parallel_loop3A_339, %parallel_loop3A_342, %parallel_loop3A_335], %parallel_loop3A_336 : memref<2x8x8x128xf32, #tpu.memory_space<vmem>>[vector<16xi32>, vector<16xi32>, vector<16xi32>, vector<16xi32>], vector<16xf32>,
        %parallel_loop3A_343 = arith.constant 48 : i32
        %parallel_loop3A_344 = vector.broadcast %parallel_loop3A_343 : i32 to vector<16xi32>
        %parallel_loop3A_345 = arith.addi %iota3A, %parallel_loop3A_344 : vector<16xi32>
        %parallel_loop3A_346 = tpu.vector_load_idx %arg8[%broadcast_in_dim3A_176, %parallel_loop3A_345, %parallel_loop3A_312] : memref<4x128x64xf32, #tpu.memory_space<vmem>>[vector<16xi32>, vector<16xi32>, vector<16xi32>], vector<16xf32>,
        %parallel_loop3A_347 = arith.constant 3 : i32
        %parallel_loop3A_348 = vector.broadcast %parallel_loop3A_347 : i32 to vector<16xi32>
        %parallel_loop3A_349 = arith.shrui %parallel_loop3A_312, %parallel_loop3A_348 : vector<16xi32>
        %parallel_loop3A_350 = arith.constant 7 : i32
        %parallel_loop3A_351 = vector.broadcast %parallel_loop3A_350 : i32 to vector<16xi32>
        %parallel_loop3A_352 = arith.andi %parallel_loop3A_312, %parallel_loop3A_351 : vector<16xi32>
        tpu.vector_store_idx %arg9[%broadcast_in_dim3A, %parallel_loop3A_349, %parallel_loop3A_352, %parallel_loop3A_345], %parallel_loop3A_346 : memref<2x8x8x128xf32, #tpu.memory_space<vmem>>[vector<16xi32>, vector<16xi32>, vector<16xi32>, vector<16xi32>], vector<16xf32>,
        %parallel_loop3A_353 = arith.constant 64 : i32
        %parallel_loop3A_354 = vector.broadcast %parallel_loop3A_353 : i32 to vector<16xi32>
        %parallel_loop3A_355 = arith.addi %iota3A, %parallel_loop3A_354 : vector<16xi32>
        %parallel_loop3A_356 = tpu.vector_load_idx %arg8[%broadcast_in_dim3A_176, %parallel_loop3A_355, %parallel_loop3A_312] : memref<4x128x64xf32, #tpu.memory_space<vmem>>[vector<16xi32>, vector<16xi32>, vector<16xi32>], vector<16xf32>,
        %parallel_loop3A_357 = arith.constant 3 : i32
        %parallel_loop3A_358 = vector.broadcast %parallel_loop3A_357 : i32 to vector<16xi32>
        %parallel_loop3A_359 = arith.shrui %parallel_loop3A_312, %parallel_loop3A_358 : vector<16xi32>
        %parallel_loop3A_360 = arith.constant 7 : i32
        %parallel_loop3A_361 = vector.broadcast %parallel_loop3A_360 : i32 to vector<16xi32>
        %parallel_loop3A_362 = arith.andi %parallel_loop3A_312, %parallel_loop3A_361 : vector<16xi32>
        tpu.vector_store_idx %arg9[%broadcast_in_dim3A, %parallel_loop3A_359, %parallel_loop3A_362, %parallel_loop3A_355], %parallel_loop3A_356 : memref<2x8x8x128xf32, #tpu.memory_space<vmem>>[vector<16xi32>, vector<16xi32>, vector<16xi32>, vector<16xi32>], vector<16xf32>,
        %parallel_loop3A_363 = arith.constant 80 : i32
        %parallel_loop3A_364 = vector.broadcast %parallel_loop3A_363 : i32 to vector<16xi32>
        %parallel_loop3A_365 = arith.addi %iota3A, %parallel_loop3A_364 : vector<16xi32>
        %parallel_loop3A_366 = tpu.vector_load_idx %arg8[%broadcast_in_dim3A_176, %parallel_loop3A_365, %parallel_loop3A_312] : memref<4x128x64xf32, #tpu.memory_space<vmem>>[vector<16xi32>, vector<16xi32>, vector<16xi32>], vector<16xf32>,
        %parallel_loop3A_367 = arith.constant 3 : i32
        %parallel_loop3A_368 = vector.broadcast %parallel_loop3A_367 : i32 to vector<16xi32>
        %parallel_loop3A_369 = arith.shrui %parallel_loop3A_312, %parallel_loop3A_368 : vector<16xi32>
        %parallel_loop3A_370 = arith.constant 7 : i32
        %parallel_loop3A_371 = vector.broadcast %parallel_loop3A_370 : i32 to vector<16xi32>
        %parallel_loop3A_372 = arith.andi %parallel_loop3A_312, %parallel_loop3A_371 : vector<16xi32>
        tpu.vector_store_idx %arg9[%broadcast_in_dim3A, %parallel_loop3A_369, %parallel_loop3A_372, %parallel_loop3A_365], %parallel_loop3A_366 : memref<2x8x8x128xf32, #tpu.memory_space<vmem>>[vector<16xi32>, vector<16xi32>, vector<16xi32>, vector<16xi32>], vector<16xf32>,
        %parallel_loop3A_373 = arith.constant 96 : i32
        %parallel_loop3A_374 = vector.broadcast %parallel_loop3A_373 : i32 to vector<16xi32>
        %parallel_loop3A_375 = arith.addi %iota3A, %parallel_loop3A_374 : vector<16xi32>
        %parallel_loop3A_376 = tpu.vector_load_idx %arg8[%broadcast_in_dim3A_176, %parallel_loop3A_375, %parallel_loop3A_312] : memref<4x128x64xf32, #tpu.memory_space<vmem>>[vector<16xi32>, vector<16xi32>, vector<16xi32>], vector<16xf32>,
        %parallel_loop3A_377 = arith.constant 3 : i32
        %parallel_loop3A_378 = vector.broadcast %parallel_loop3A_377 : i32 to vector<16xi32>
        %parallel_loop3A_379 = arith.shrui %parallel_loop3A_312, %parallel_loop3A_378 : vector<16xi32>
        %parallel_loop3A_380 = arith.constant 7 : i32
        %parallel_loop3A_381 = vector.broadcast %parallel_loop3A_380 : i32 to vector<16xi32>
        %parallel_loop3A_382 = arith.andi %parallel_loop3A_312, %parallel_loop3A_381 : vector<16xi32>
        tpu.vector_store_idx %arg9[%broadcast_in_dim3A, %parallel_loop3A_379, %parallel_loop3A_382, %parallel_loop3A_375], %parallel_loop3A_376 : memref<2x8x8x128xf32, #tpu.memory_space<vmem>>[vector<16xi32>, vector<16xi32>, vector<16xi32>, vector<16xi32>], vector<16xf32>,
        %parallel_loop3A_383 = arith.constant 112 : i32
        %parallel_loop3A_384 = vector.broadcast %parallel_loop3A_383 : i32 to vector<16xi32>
        %parallel_loop3A_385 = arith.addi %iota3A, %parallel_loop3A_384 : vector<16xi32>
        %parallel_loop3A_386 = tpu.vector_load_idx %arg8[%broadcast_in_dim3A_176, %parallel_loop3A_385, %parallel_loop3A_312] : memref<4x128x64xf32, #tpu.memory_space<vmem>>[vector<16xi32>, vector<16xi32>, vector<16xi32>], vector<16xf32>,
        %parallel_loop3A_387 = arith.constant 3 : i32
        %parallel_loop3A_388 = vector.broadcast %parallel_loop3A_387 : i32 to vector<16xi32>
        %parallel_loop3A_389 = arith.shrui %parallel_loop3A_312, %parallel_loop3A_388 : vector<16xi32>
        %parallel_loop3A_390 = arith.constant 7 : i32
        %parallel_loop3A_391 = vector.broadcast %parallel_loop3A_390 : i32 to vector<16xi32>
        %parallel_loop3A_392 = arith.andi %parallel_loop3A_312, %parallel_loop3A_391 : vector<16xi32>
        tpu.vector_store_idx %arg9[%broadcast_in_dim3A, %parallel_loop3A_389, %parallel_loop3A_392, %parallel_loop3A_385], %parallel_loop3A_386 : memref<2x8x8x128xf32, #tpu.memory_space<vmem>>[vector<16xi32>, vector<16xi32>, vector<16xi32>, vector<16xi32>], vector<16xf32>,
        %parallel_loop3A_393 = arith.constant 32 : i32
        %parallel_loop3A_394 = vector.broadcast %parallel_loop3A_393 : i32 to vector<16xi32>
        %parallel_loop3A_395 = arith.addi %parallel_loop3A_226, %parallel_loop3A_394 : vector<16xi32>
        %parallel_loop3A_396 = arith.constant 0 : i32
        %parallel_loop3A_397 = vector.broadcast %parallel_loop3A_396 : i32 to vector<16xi32>
        %parallel_loop3A_398 = arith.addi %iota3A, %parallel_loop3A_397 : vector<16xi32>
        %parallel_loop3A_399 = tpu.vector_load_idx %arg8[%broadcast_in_dim3A_176, %parallel_loop3A_398, %parallel_loop3A_395] : memref<4x128x64xf32, #tpu.memory_space<vmem>>[vector<16xi32>, vector<16xi32>, vector<16xi32>], vector<16xf32>,
        %parallel_loop3A_400 = arith.constant 3 : i32
        %parallel_loop3A_401 = vector.broadcast %parallel_loop3A_400 : i32 to vector<16xi32>
        %parallel_loop3A_402 = arith.shrui %parallel_loop3A_395, %parallel_loop3A_401 : vector<16xi32>
        %parallel_loop3A_403 = arith.constant 7 : i32
        %parallel_loop3A_404 = vector.broadcast %parallel_loop3A_403 : i32 to vector<16xi32>
        %parallel_loop3A_405 = arith.andi %parallel_loop3A_395, %parallel_loop3A_404 : vector<16xi32>
        tpu.vector_store_idx %arg9[%broadcast_in_dim3A, %parallel_loop3A_402, %parallel_loop3A_405, %parallel_loop3A_398], %parallel_loop3A_399 : memref<2x8x8x128xf32, #tpu.memory_space<vmem>>[vector<16xi32>, vector<16xi32>, vector<16xi32>, vector<16xi32>], vector<16xf32>,
        %parallel_loop3A_406 = arith.constant 16 : i32
        %parallel_loop3A_407 = vector.broadcast %parallel_loop3A_406 : i32 to vector<16xi32>
        %parallel_loop3A_408 = arith.addi %iota3A, %parallel_loop3A_407 : vector<16xi32>
        %parallel_loop3A_409 = tpu.vector_load_idx %arg8[%broadcast_in_dim3A_176, %parallel_loop3A_408, %parallel_loop3A_395] : memref<4x128x64xf32, #tpu.memory_space<vmem>>[vector<16xi32>, vector<16xi32>, vector<16xi32>], vector<16xf32>,
        %parallel_loop3A_410 = arith.constant 3 : i32
        %parallel_loop3A_411 = vector.broadcast %parallel_loop3A_410 : i32 to vector<16xi32>
        %parallel_loop3A_412 = arith.shrui %parallel_loop3A_395, %parallel_loop3A_411 : vector<16xi32>
        %parallel_loop3A_413 = arith.constant 7 : i32
        %parallel_loop3A_414 = vector.broadcast %parallel_loop3A_413 : i32 to vector<16xi32>
        %parallel_loop3A_415 = arith.andi %parallel_loop3A_395, %parallel_loop3A_414 : vector<16xi32>
        tpu.vector_store_idx %arg9[%broadcast_in_dim3A, %parallel_loop3A_412, %parallel_loop3A_415, %parallel_loop3A_408], %parallel_loop3A_409 : memref<2x8x8x128xf32, #tpu.memory_space<vmem>>[vector<16xi32>, vector<16xi32>, vector<16xi32>, vector<16xi32>], vector<16xf32>,
        %parallel_loop3A_416 = arith.constant 32 : i32
        %parallel_loop3A_417 = vector.broadcast %parallel_loop3A_416 : i32 to vector<16xi32>
        %parallel_loop3A_418 = arith.addi %iota3A, %parallel_loop3A_417 : vector<16xi32>
        %parallel_loop3A_419 = tpu.vector_load_idx %arg8[%broadcast_in_dim3A_176, %parallel_loop3A_418, %parallel_loop3A_395] : memref<4x128x64xf32, #tpu.memory_space<vmem>>[vector<16xi32>, vector<16xi32>, vector<16xi32>], vector<16xf32>,
        %parallel_loop3A_420 = arith.constant 3 : i32
        %parallel_loop3A_421 = vector.broadcast %parallel_loop3A_420 : i32 to vector<16xi32>
        %parallel_loop3A_422 = arith.shrui %parallel_loop3A_395, %parallel_loop3A_421 : vector<16xi32>
        %parallel_loop3A_423 = arith.constant 7 : i32
        %parallel_loop3A_424 = vector.broadcast %parallel_loop3A_423 : i32 to vector<16xi32>
        %parallel_loop3A_425 = arith.andi %parallel_loop3A_395, %parallel_loop3A_424 : vector<16xi32>
        tpu.vector_store_idx %arg9[%broadcast_in_dim3A, %parallel_loop3A_422, %parallel_loop3A_425, %parallel_loop3A_418], %parallel_loop3A_419 : memref<2x8x8x128xf32, #tpu.memory_space<vmem>>[vector<16xi32>, vector<16xi32>, vector<16xi32>, vector<16xi32>], vector<16xf32>,
        %parallel_loop3A_426 = arith.constant 48 : i32
        %parallel_loop3A_427 = vector.broadcast %parallel_loop3A_426 : i32 to vector<16xi32>
        %parallel_loop3A_428 = arith.addi %iota3A, %parallel_loop3A_427 : vector<16xi32>
        %parallel_loop3A_429 = tpu.vector_load_idx %arg8[%broadcast_in_dim3A_176, %parallel_loop3A_428, %parallel_loop3A_395] : memref<4x128x64xf32, #tpu.memory_space<vmem>>[vector<16xi32>, vector<16xi32>, vector<16xi32>], vector<16xf32>,
        %parallel_loop3A_430 = arith.constant 3 : i32
        %parallel_loop3A_431 = vector.broadcast %parallel_loop3A_430 : i32 to vector<16xi32>
        %parallel_loop3A_432 = arith.shrui %parallel_loop3A_395, %parallel_loop3A_431 : vector<16xi32>
        %parallel_loop3A_433 = arith.constant 7 : i32
        %parallel_loop3A_434 = vector.broadcast %parallel_loop3A_433 : i32 to vector<16xi32>
        %parallel_loop3A_435 = arith.andi %parallel_loop3A_395, %parallel_loop3A_434 : vector<16xi32>
        tpu.vector_store_idx %arg9[%broadcast_in_dim3A, %parallel_loop3A_432, %parallel_loop3A_435, %parallel_loop3A_428], %parallel_loop3A_429 : memref<2x8x8x128xf32, #tpu.memory_space<vmem>>[vector<16xi32>, vector<16xi32>, vector<16xi32>, vector<16xi32>], vector<16xf32>,
        %parallel_loop3A_436 = arith.constant 64 : i32
        %parallel_loop3A_437 = vector.broadcast %parallel_loop3A_436 : i32 to vector<16xi32>
        %parallel_loop3A_438 = arith.addi %iota3A, %parallel_loop3A_437 : vector<16xi32>
        %parallel_loop3A_439 = tpu.vector_load_idx %arg8[%broadcast_in_dim3A_176, %parallel_loop3A_438, %parallel_loop3A_395] : memref<4x128x64xf32, #tpu.memory_space<vmem>>[vector<16xi32>, vector<16xi32>, vector<16xi32>], vector<16xf32>,
        %parallel_loop3A_440 = arith.constant 3 : i32
        %parallel_loop3A_441 = vector.broadcast %parallel_loop3A_440 : i32 to vector<16xi32>
        %parallel_loop3A_442 = arith.shrui %parallel_loop3A_395, %parallel_loop3A_441 : vector<16xi32>
        %parallel_loop3A_443 = arith.constant 7 : i32
        %parallel_loop3A_444 = vector.broadcast %parallel_loop3A_443 : i32 to vector<16xi32>
        %parallel_loop3A_445 = arith.andi %parallel_loop3A_395, %parallel_loop3A_444 : vector<16xi32>
        tpu.vector_store_idx %arg9[%broadcast_in_dim3A, %parallel_loop3A_442, %parallel_loop3A_445, %parallel_loop3A_438], %parallel_loop3A_439 : memref<2x8x8x128xf32, #tpu.memory_space<vmem>>[vector<16xi32>, vector<16xi32>, vector<16xi32>, vector<16xi32>], vector<16xf32>,
        %parallel_loop3A_446 = arith.constant 80 : i32
        %parallel_loop3A_447 = vector.broadcast %parallel_loop3A_446 : i32 to vector<16xi32>
        %parallel_loop3A_448 = arith.addi %iota3A, %parallel_loop3A_447 : vector<16xi32>
        %parallel_loop3A_449 = tpu.vector_load_idx %arg8[%broadcast_in_dim3A_176, %parallel_loop3A_448, %parallel_loop3A_395] : memref<4x128x64xf32, #tpu.memory_space<vmem>>[vector<16xi32>, vector<16xi32>, vector<16xi32>], vector<16xf32>,
        %parallel_loop3A_450 = arith.constant 3 : i32
        %parallel_loop3A_451 = vector.broadcast %parallel_loop3A_450 : i32 to vector<16xi32>
        %parallel_loop3A_452 = arith.shrui %parallel_loop3A_395, %parallel_loop3A_451 : vector<16xi32>
        %parallel_loop3A_453 = arith.constant 7 : i32
        %parallel_loop3A_454 = vector.broadcast %parallel_loop3A_453 : i32 to vector<16xi32>
        %parallel_loop3A_455 = arith.andi %parallel_loop3A_395, %parallel_loop3A_454 : vector<16xi32>
        tpu.vector_store_idx %arg9[%broadcast_in_dim3A, %parallel_loop3A_452, %parallel_loop3A_455, %parallel_loop3A_448], %parallel_loop3A_449 : memref<2x8x8x128xf32, #tpu.memory_space<vmem>>[vector<16xi32>, vector<16xi32>, vector<16xi32>, vector<16xi32>], vector<16xf32>,
        %parallel_loop3A_456 = arith.constant 96 : i32
        %parallel_loop3A_457 = vector.broadcast %parallel_loop3A_456 : i32 to vector<16xi32>
        %parallel_loop3A_458 = arith.addi %iota3A, %parallel_loop3A_457 : vector<16xi32>
        %parallel_loop3A_459 = tpu.vector_load_idx %arg8[%broadcast_in_dim3A_176, %parallel_loop3A_458, %parallel_loop3A_395] : memref<4x128x64xf32, #tpu.memory_space<vmem>>[vector<16xi32>, vector<16xi32>, vector<16xi32>], vector<16xf32>,
        %parallel_loop3A_460 = arith.constant 3 : i32
        %parallel_loop3A_461 = vector.broadcast %parallel_loop3A_460 : i32 to vector<16xi32>
        %parallel_loop3A_462 = arith.shrui %parallel_loop3A_395, %parallel_loop3A_461 : vector<16xi32>
        %parallel_loop3A_463 = arith.constant 7 : i32
        %parallel_loop3A_464 = vector.broadcast %parallel_loop3A_463 : i32 to vector<16xi32>
        %parallel_loop3A_465 = arith.andi %parallel_loop3A_395, %parallel_loop3A_464 : vector<16xi32>
        tpu.vector_store_idx %arg9[%broadcast_in_dim3A, %parallel_loop3A_462, %parallel_loop3A_465, %parallel_loop3A_458], %parallel_loop3A_459 : memref<2x8x8x128xf32, #tpu.memory_space<vmem>>[vector<16xi32>, vector<16xi32>, vector<16xi32>, vector<16xi32>], vector<16xf32>,
        %parallel_loop3A_466 = arith.constant 112 : i32
        %parallel_loop3A_467 = vector.broadcast %parallel_loop3A_466 : i32 to vector<16xi32>
        %parallel_loop3A_468 = arith.addi %iota3A, %parallel_loop3A_467 : vector<16xi32>
        %parallel_loop3A_469 = tpu.vector_load_idx %arg8[%broadcast_in_dim3A_176, %parallel_loop3A_468, %parallel_loop3A_395] : memref<4x128x64xf32, #tpu.memory_space<vmem>>[vector<16xi32>, vector<16xi32>, vector<16xi32>], vector<16xf32>,
        %parallel_loop3A_470 = arith.constant 3 : i32
        %parallel_loop3A_471 = vector.broadcast %parallel_loop3A_470 : i32 to vector<16xi32>
        %parallel_loop3A_472 = arith.shrui %parallel_loop3A_395, %parallel_loop3A_471 : vector<16xi32>
        %parallel_loop3A_473 = arith.constant 7 : i32
        %parallel_loop3A_474 = vector.broadcast %parallel_loop3A_473 : i32 to vector<16xi32>
        %parallel_loop3A_475 = arith.andi %parallel_loop3A_395, %parallel_loop3A_474 : vector<16xi32>
        tpu.vector_store_idx %arg9[%broadcast_in_dim3A, %parallel_loop3A_472, %parallel_loop3A_475, %parallel_loop3A_468], %parallel_loop3A_469 : memref<2x8x8x128xf32, #tpu.memory_space<vmem>>[vector<16xi32>, vector<16xi32>, vector<16xi32>, vector<16xi32>], vector<16xf32>,
        %parallel_loop3A_476 = arith.constant 48 : i32
        %parallel_loop3A_477 = vector.broadcast %parallel_loop3A_476 : i32 to vector<16xi32>
        %parallel_loop3A_478 = arith.addi %parallel_loop3A_226, %parallel_loop3A_477 : vector<16xi32>
        %parallel_loop3A_479 = arith.constant 0 : i32
        %parallel_loop3A_480 = vector.broadcast %parallel_loop3A_479 : i32 to vector<16xi32>
        %parallel_loop3A_481 = arith.addi %iota3A, %parallel_loop3A_480 : vector<16xi32>
        %parallel_loop3A_482 = tpu.vector_load_idx %arg8[%broadcast_in_dim3A_176, %parallel_loop3A_481, %parallel_loop3A_478] : memref<4x128x64xf32, #tpu.memory_space<vmem>>[vector<16xi32>, vector<16xi32>, vector<16xi32>], vector<16xf32>,
        %parallel_loop3A_483 = arith.constant 3 : i32
        %parallel_loop3A_484 = vector.broadcast %parallel_loop3A_483 : i32 to vector<16xi32>
        %parallel_loop3A_485 = arith.shrui %parallel_loop3A_478, %parallel_loop3A_484 : vector<16xi32>
        %parallel_loop3A_486 = arith.constant 7 : i32
        %parallel_loop3A_487 = vector.broadcast %parallel_loop3A_486 : i32 to vector<16xi32>
        %parallel_loop3A_488 = arith.andi %parallel_loop3A_478, %parallel_loop3A_487 : vector<16xi32>
        tpu.vector_store_idx %arg9[%broadcast_in_dim3A, %parallel_loop3A_485, %parallel_loop3A_488, %parallel_loop3A_481], %parallel_loop3A_482 : memref<2x8x8x128xf32, #tpu.memory_space<vmem>>[vector<16xi32>, vector<16xi32>, vector<16xi32>, vector<16xi32>], vector<16xf32>,
        %parallel_loop3A_489 = arith.constant 16 : i32
        %parallel_loop3A_490 = vector.broadcast %parallel_loop3A_489 : i32 to vector<16xi32>
        %parallel_loop3A_491 = arith.addi %iota3A, %parallel_loop3A_490 : vector<16xi32>
        %parallel_loop3A_492 = tpu.vector_load_idx %arg8[%broadcast_in_dim3A_176, %parallel_loop3A_491, %parallel_loop3A_478] : memref<4x128x64xf32, #tpu.memory_space<vmem>>[vector<16xi32>, vector<16xi32>, vector<16xi32>], vector<16xf32>,
        %parallel_loop3A_493 = arith.constant 3 : i32
        %parallel_loop3A_494 = vector.broadcast %parallel_loop3A_493 : i32 to vector<16xi32>
        %parallel_loop3A_495 = arith.shrui %parallel_loop3A_478, %parallel_loop3A_494 : vector<16xi32>
        %parallel_loop3A_496 = arith.constant 7 : i32
        %parallel_loop3A_497 = vector.broadcast %parallel_loop3A_496 : i32 to vector<16xi32>
        %parallel_loop3A_498 = arith.andi %parallel_loop3A_478, %parallel_loop3A_497 : vector<16xi32>
        tpu.vector_store_idx %arg9[%broadcast_in_dim3A, %parallel_loop3A_495, %parallel_loop3A_498, %parallel_loop3A_491], %parallel_loop3A_492 : memref<2x8x8x128xf32, #tpu.memory_space<vmem>>[vector<16xi32>, vector<16xi32>, vector<16xi32>, vector<16xi32>], vector<16xf32>,
        %parallel_loop3A_499 = arith.constant 32 : i32
        %parallel_loop3A_500 = vector.broadcast %parallel_loop3A_499 : i32 to vector<16xi32>
        %parallel_loop3A_501 = arith.addi %iota3A, %parallel_loop3A_500 : vector<16xi32>
        %parallel_loop3A_502 = tpu.vector_load_idx %arg8[%broadcast_in_dim3A_176, %parallel_loop3A_501, %parallel_loop3A_478] : memref<4x128x64xf32, #tpu.memory_space<vmem>>[vector<16xi32>, vector<16xi32>, vector<16xi32>], vector<16xf32>,
        %parallel_loop3A_503 = arith.constant 3 : i32
        %parallel_loop3A_504 = vector.broadcast %parallel_loop3A_503 : i32 to vector<16xi32>
        %parallel_loop3A_505 = arith.shrui %parallel_loop3A_478, %parallel_loop3A_504 : vector<16xi32>
        %parallel_loop3A_506 = arith.constant 7 : i32
        %parallel_loop3A_507 = vector.broadcast %parallel_loop3A_506 : i32 to vector<16xi32>
        %parallel_loop3A_508 = arith.andi %parallel_loop3A_478, %parallel_loop3A_507 : vector<16xi32>
        tpu.vector_store_idx %arg9[%broadcast_in_dim3A, %parallel_loop3A_505, %parallel_loop3A_508, %parallel_loop3A_501], %parallel_loop3A_502 : memref<2x8x8x128xf32, #tpu.memory_space<vmem>>[vector<16xi32>, vector<16xi32>, vector<16xi32>, vector<16xi32>], vector<16xf32>,
        %parallel_loop3A_509 = arith.constant 48 : i32
        %parallel_loop3A_510 = vector.broadcast %parallel_loop3A_509 : i32 to vector<16xi32>
        %parallel_loop3A_511 = arith.addi %iota3A, %parallel_loop3A_510 : vector<16xi32>
        %parallel_loop3A_512 = tpu.vector_load_idx %arg8[%broadcast_in_dim3A_176, %parallel_loop3A_511, %parallel_loop3A_478] : memref<4x128x64xf32, #tpu.memory_space<vmem>>[vector<16xi32>, vector<16xi32>, vector<16xi32>], vector<16xf32>,
        %parallel_loop3A_513 = arith.constant 3 : i32
        %parallel_loop3A_514 = vector.broadcast %parallel_loop3A_513 : i32 to vector<16xi32>
        %parallel_loop3A_515 = arith.shrui %parallel_loop3A_478, %parallel_loop3A_514 : vector<16xi32>
        %parallel_loop3A_516 = arith.constant 7 : i32
        %parallel_loop3A_517 = vector.broadcast %parallel_loop3A_516 : i32 to vector<16xi32>
        %parallel_loop3A_518 = arith.andi %parallel_loop3A_478, %parallel_loop3A_517 : vector<16xi32>
        tpu.vector_store_idx %arg9[%broadcast_in_dim3A, %parallel_loop3A_515, %parallel_loop3A_518, %parallel_loop3A_511], %parallel_loop3A_512 : memref<2x8x8x128xf32, #tpu.memory_space<vmem>>[vector<16xi32>, vector<16xi32>, vector<16xi32>, vector<16xi32>], vector<16xf32>,
        %parallel_loop3A_519 = arith.constant 64 : i32
        %parallel_loop3A_520 = vector.broadcast %parallel_loop3A_519 : i32 to vector<16xi32>
        %parallel_loop3A_521 = arith.addi %iota3A, %parallel_loop3A_520 : vector<16xi32>
        %parallel_loop3A_522 = tpu.vector_load_idx %arg8[%broadcast_in_dim3A_176, %parallel_loop3A_521, %parallel_loop3A_478] : memref<4x128x64xf32, #tpu.memory_space<vmem>>[vector<16xi32>, vector<16xi32>, vector<16xi32>], vector<16xf32>,
        %parallel_loop3A_523 = arith.constant 3 : i32
        %parallel_loop3A_524 = vector.broadcast %parallel_loop3A_523 : i32 to vector<16xi32>
        %parallel_loop3A_525 = arith.shrui %parallel_loop3A_478, %parallel_loop3A_524 : vector<16xi32>
        %parallel_loop3A_526 = arith.constant 7 : i32
        %parallel_loop3A_527 = vector.broadcast %parallel_loop3A_526 : i32 to vector<16xi32>
        %parallel_loop3A_528 = arith.andi %parallel_loop3A_478, %parallel_loop3A_527 : vector<16xi32>
        tpu.vector_store_idx %arg9[%broadcast_in_dim3A, %parallel_loop3A_525, %parallel_loop3A_528, %parallel_loop3A_521], %parallel_loop3A_522 : memref<2x8x8x128xf32, #tpu.memory_space<vmem>>[vector<16xi32>, vector<16xi32>, vector<16xi32>, vector<16xi32>], vector<16xf32>,
        %parallel_loop3A_529 = arith.constant 80 : i32
        %parallel_loop3A_530 = vector.broadcast %parallel_loop3A_529 : i32 to vector<16xi32>
        %parallel_loop3A_531 = arith.addi %iota3A, %parallel_loop3A_530 : vector<16xi32>
        %parallel_loop3A_532 = tpu.vector_load_idx %arg8[%broadcast_in_dim3A_176, %parallel_loop3A_531, %parallel_loop3A_478] : memref<4x128x64xf32, #tpu.memory_space<vmem>>[vector<16xi32>, vector<16xi32>, vector<16xi32>], vector<16xf32>,
        %parallel_loop3A_533 = arith.constant 3 : i32
        %parallel_loop3A_534 = vector.broadcast %parallel_loop3A_533 : i32 to vector<16xi32>
        %parallel_loop3A_535 = arith.shrui %parallel_loop3A_478, %parallel_loop3A_534 : vector<16xi32>
        %parallel_loop3A_536 = arith.constant 7 : i32
        %parallel_loop3A_537 = vector.broadcast %parallel_loop3A_536 : i32 to vector<16xi32>
        %parallel_loop3A_538 = arith.andi %parallel_loop3A_478, %parallel_loop3A_537 : vector<16xi32>
        tpu.vector_store_idx %arg9[%broadcast_in_dim3A, %parallel_loop3A_535, %parallel_loop3A_538, %parallel_loop3A_531], %parallel_loop3A_532 : memref<2x8x8x128xf32, #tpu.memory_space<vmem>>[vector<16xi32>, vector<16xi32>, vector<16xi32>, vector<16xi32>], vector<16xf32>,
        %parallel_loop3A_539 = arith.constant 96 : i32
        %parallel_loop3A_540 = vector.broadcast %parallel_loop3A_539 : i32 to vector<16xi32>
        %parallel_loop3A_541 = arith.addi %iota3A, %parallel_loop3A_540 : vector<16xi32>
        %parallel_loop3A_542 = tpu.vector_load_idx %arg8[%broadcast_in_dim3A_176, %parallel_loop3A_541, %parallel_loop3A_478] : memref<4x128x64xf32, #tpu.memory_space<vmem>>[vector<16xi32>, vector<16xi32>, vector<16xi32>], vector<16xf32>,
        %parallel_loop3A_543 = arith.constant 3 : i32
        %parallel_loop3A_544 = vector.broadcast %parallel_loop3A_543 : i32 to vector<16xi32>
        %parallel_loop3A_545 = arith.shrui %parallel_loop3A_478, %parallel_loop3A_544 : vector<16xi32>
        %parallel_loop3A_546 = arith.constant 7 : i32
        %parallel_loop3A_547 = vector.broadcast %parallel_loop3A_546 : i32 to vector<16xi32>
        %parallel_loop3A_548 = arith.andi %parallel_loop3A_478, %parallel_loop3A_547 : vector<16xi32>
        tpu.vector_store_idx %arg9[%broadcast_in_dim3A, %parallel_loop3A_545, %parallel_loop3A_548, %parallel_loop3A_541], %parallel_loop3A_542 : memref<2x8x8x128xf32, #tpu.memory_space<vmem>>[vector<16xi32>, vector<16xi32>, vector<16xi32>, vector<16xi32>], vector<16xf32>,
        %parallel_loop3A_549 = arith.constant 112 : i32
        %parallel_loop3A_550 = vector.broadcast %parallel_loop3A_549 : i32 to vector<16xi32>
        %parallel_loop3A_551 = arith.addi %iota3A, %parallel_loop3A_550 : vector<16xi32>
        %parallel_loop3A_552 = tpu.vector_load_idx %arg8[%broadcast_in_dim3A_176, %parallel_loop3A_551, %parallel_loop3A_478] : memref<4x128x64xf32, #tpu.memory_space<vmem>>[vector<16xi32>, vector<16xi32>, vector<16xi32>], vector<16xf32>,
        %parallel_loop3A_553 = arith.constant 3 : i32
        %parallel_loop3A_554 = vector.broadcast %parallel_loop3A_553 : i32 to vector<16xi32>
        %parallel_loop3A_555 = arith.shrui %parallel_loop3A_478, %parallel_loop3A_554 : vector<16xi32>
        %parallel_loop3A_556 = arith.constant 7 : i32
        %parallel_loop3A_557 = vector.broadcast %parallel_loop3A_556 : i32 to vector<16xi32>
        %parallel_loop3A_558 = arith.andi %parallel_loop3A_478, %parallel_loop3A_557 : vector<16xi32>
        tpu.vector_store_idx %arg9[%broadcast_in_dim3A, %parallel_loop3A_555, %parallel_loop3A_558, %parallel_loop3A_551], %parallel_loop3A_552 : memref<2x8x8x128xf32, #tpu.memory_space<vmem>>[vector<16xi32>, vector<16xi32>, vector<16xi32>, vector<16xi32>], vector<16xf32>,
      } {sc.loop_unroll_factor = 4 : i64, sc.parallel_access}
      %lt3A = arith.constant 46 : i32
      %lt3A_193 = arith.cmpi slt, %scan3A_172, %lt3A : i32
      %convert_element_type3A_194 = arith.extui %lt3A_193 : i1 to i32
      %cond3A_195 = arith.constant 0 : i32
      %cond3A_196 = arith.cmpi ne, %convert_element_type3A_194, %cond3A_195 : i32
      scf.if %cond3A_196 {
        %add3A_221 = arith.constant 4 : i32
        %add3A_222 = arith.addi %scan3A_172, %add3A_221 : i32
        %dma_start3A_223 = arith.constant 0 : i32
        %dma_start3A_224 = arith.constant 0 : i32
        %dma_start3A_225 = tpu.memref_slice %arg8[%rem3A_175, %dma_start3A_223, %dma_start3A_224] : memref<4x128x64xf32, #tpu.memory_space<vmem>> -> memref<1x128x64xf32, #tpu.memory_space<vmem>>
        %dma_start3A_226 = tpu.memref_squeeze %dma_start3A_225 : memref<1x128x64xf32, #tpu.memory_space<vmem>> -> memref<128x64xf32, #tpu.memory_space<vmem>>
        %dma_start3A_227 = arith.constant 0 : i32
        %dma_start3A_228 = tpu.memref_slice %arg6[%add3A_222, %dma_start3A_227] : memref<50x128xi32, #tpu.memory_space<vmem>> -> memref<1x128xi32, #tpu.memory_space<vmem>>
        %dma_start3A_229 = tpu.memref_squeeze %dma_start3A_228 : memref<1x128xi32, #tpu.memory_space<vmem>> -> memref<128xi32, #tpu.memory_space<vmem>>
        %dma_start3A_230 = arith.constant 0 : i32
        %dma_start3A_231 = arith.constant 0 : i32
        %dma_start3A_232 = tpu.memref_slice %arg3[%dma_start3A_230, %dma_start3A_231] : memref<100000x64xf32, #tpu.memory_space<hbm>> -> memref<100000x64xf32, #tpu.memory_space<hbm>>
        %dma_start3A_233 = tpu.memref_slice %arg11[%rem3A_175] : memref<4x!tpu.dma_semaphore, #tpu.memory_space<semaphore_mem>> -> memref<1x!tpu.dma_semaphore, #tpu.memory_space<semaphore_mem>>
        %dma_start3A_234 = tpu.memref_squeeze %dma_start3A_233 : memref<1x!tpu.dma_semaphore, #tpu.memory_space<semaphore_mem>> -> memref<!tpu.dma_semaphore, #tpu.memory_space<semaphore_mem>>
        tpu.enqueue_indirect_dma source(%dma_start3A_232 : memref<100000x64xf32, #tpu.memory_space<hbm>>) target(%dma_start3A_226 : memref<128x64xf32, #tpu.memory_space<vmem>>) offsets(%dma_start3A_229 : memref<128xi32, #tpu.memory_space<vmem>>) semaphore(%dma_start3A_234 : memref<!tpu.dma_semaphore, #tpu.memory_space<semaphore_mem>>)
      } else {
      }
      %add3A_197 = arith.constant 20 : i32
      %add3A_198 = arith.addi %add3A_197, %scan3A_172 : i32
      %dma_start3A_199 = arith.constant 0 : i32
      %dma_start3A_200 = arith.constant 0 : i32
      %dma_start3A_201 = arith.constant 0 : i32
      %dma_start3A_202 = tpu.memref_slice %arg9[%rem3A_173, %dma_start3A_199, %dma_start3A_200, %dma_start3A_201] : memref<2x8x8x128xf32, #tpu.memory_space<vmem>> -> memref<1x8x8x128xf32, #tpu.memory_space<vmem>>
      %dma_start3A_203 = tpu.memref_squeeze %dma_start3A_202 : memref<1x8x8x128xf32, #tpu.memory_space<vmem>> -> memref<8x8x128xf32, #tpu.memory_space<vmem>>
      %dma_start3A_204 = arith.constant 0 : i32
      %dma_start3A_205 = arith.constant 0 : i32
      %dma_start3A_206 = arith.constant 0 : i32
      %dma_start3A_207 = tpu.memref_slice %arg5[%add3A_198, %dma_start3A_204, %add3A, %dma_start3A_205, %dma_start3A_206] : memref<70x8x32x8x128xf32, #tpu.memory_space<hbm>> -> memref<1x8x1x8x128xf32, #tpu.memory_space<hbm>>
      %dma_start3A_208 = tpu.memref_squeeze %dma_start3A_207 : memref<1x8x1x8x128xf32, #tpu.memory_space<hbm>> -> memref<8x8x128xf32, #tpu.memory_space<hbm>>
      %dma_start3A_209 = tpu.memref_slice %arg12[%rem3A_173] : memref<2x!tpu.dma_semaphore, #tpu.memory_space<semaphore_mem>> -> memref<1x!tpu.dma_semaphore, #tpu.memory_space<semaphore_mem>>
      %dma_start3A_210 = tpu.memref_squeeze %dma_start3A_209 : memref<1x!tpu.dma_semaphore, #tpu.memory_space<semaphore_mem>> -> memref<!tpu.dma_semaphore, #tpu.memory_space<semaphore_mem>>
      %dma_start3A_211 = arith.constant 0 : i32
      %dma_start3A_212 = arith.constant 0 : i32
      %dma_start3A_213 = arith.constant 0 : i32
      %dma_start3A_214 = tpu.memref_slice %arg5[%add3A_198, %dma_start3A_211, %add3A, %dma_start3A_212, %dma_start3A_213] : memref<70x8x32x8x128xf32, #tpu.memory_space<hbm>> -> memref<1x8x1x8x128xf32, #tpu.memory_space<hbm>>
      %dma_start3A_215 = tpu.memref_squeeze %dma_start3A_214 : memref<1x8x1x8x128xf32, #tpu.memory_space<hbm>> -> memref<8x8x128xf32, #tpu.memory_space<hbm>>
      %dma_start3A_216 = arith.constant 0 : i32
      %dma_start3A_217 = arith.constant 0 : i32
      %dma_start3A_218 = arith.constant 0 : i32
      %dma_start3A_219 = tpu.memref_slice %arg9[%rem3A_173, %dma_start3A_216, %dma_start3A_217, %dma_start3A_218] : memref<2x8x8x128xf32, #tpu.memory_space<vmem>> -> memref<1x8x8x128xf32, #tpu.memory_space<vmem>>
      %dma_start3A_220 = tpu.memref_squeeze %dma_start3A_219 : memref<1x8x8x128xf32, #tpu.memory_space<vmem>> -> memref<8x8x128xf32, #tpu.memory_space<vmem>>
      tpu.enqueue_dma source(%dma_start3A_220 : memref<8x8x128xf32, #tpu.memory_space<vmem>>) target(%dma_start3A_215 : memref<8x8x128xf32, #tpu.memory_space<hbm>>) target_semaphore(%dma_start3A_210 : memref<!tpu.dma_semaphore, #tpu.memory_space<semaphore_mem>>)
    }
    %scan3A_72 = arith.constant 50 : i32
    %dma_wait3A = arith.constant 0 : i32
    %dma_wait3A_73 = arith.constant 68 : i32
    %dma_wait3A_74 = arith.constant 0 : i32
    %dma_wait3A_75 = arith.constant 0 : i32
    %dma_wait3A_76 = arith.constant 0 : i32
    %dma_wait3A_77 = arith.constant 0 : i32
    %dma_wait3A_78 = tpu.memref_slice %arg9[%dma_wait3A, %dma_wait3A_75, %dma_wait3A_76, %dma_wait3A_77] : memref<2x8x8x128xf32, #tpu.memory_space<vmem>> -> memref<1x8x8x128xf32, #tpu.memory_space<vmem>>
    %dma_wait3A_79 = tpu.memref_squeeze %dma_wait3A_78 : memref<1x8x8x128xf32, #tpu.memory_space<vmem>> -> memref<8x8x128xf32, #tpu.memory_space<vmem>>
    %dma_wait3A_80 = arith.constant 0 : i32
    %dma_wait3A_81 = arith.constant 0 : i32
    %dma_wait3A_82 = arith.constant 0 : i32
    %dma_wait3A_83 = tpu.memref_slice %arg5[%dma_wait3A_73, %dma_wait3A_80, %add3A, %dma_wait3A_81, %dma_wait3A_82] : memref<70x8x32x8x128xf32, #tpu.memory_space<hbm>> -> memref<1x8x1x8x128xf32, #tpu.memory_space<hbm>>
    %dma_wait3A_84 = tpu.memref_squeeze %dma_wait3A_83 : memref<1x8x1x8x128xf32, #tpu.memory_space<hbm>> -> memref<8x8x128xf32, #tpu.memory_space<hbm>>
    %dma_wait3A_85 = tpu.memref_slice %arg12[%dma_wait3A_74] : memref<2x!tpu.dma_semaphore, #tpu.memory_space<semaphore_mem>> -> memref<1x!tpu.dma_semaphore, #tpu.memory_space<semaphore_mem>>
    %dma_wait3A_86 = tpu.memref_squeeze %dma_wait3A_85 : memref<1x!tpu.dma_semaphore, #tpu.memory_space<semaphore_mem>> -> memref<!tpu.dma_semaphore, #tpu.memory_space<semaphore_mem>>
    %dma_wait3A_87 = arith.constant 0 : i32
    %dma_wait3A_88 = arith.constant 0 : i32
    %dma_wait3A_89 = arith.constant 0 : i32
    %dma_wait3A_90 = tpu.memref_slice %arg5[%dma_wait3A_73, %dma_wait3A_87, %add3A, %dma_wait3A_88, %dma_wait3A_89] : memref<70x8x32x8x128xf32, #tpu.memory_space<hbm>> -> memref<1x8x1x8x128xf32, #tpu.memory_space<hbm>>
    %dma_wait3A_91 = tpu.memref_squeeze %dma_wait3A_90 : memref<1x8x1x8x128xf32, #tpu.memory_space<hbm>> -> memref<8x8x128xf32, #tpu.memory_space<hbm>>
    %dma_wait3A_92 = arith.constant 0 : i32
    %dma_wait3A_93 = arith.constant 0 : i32
    %dma_wait3A_94 = arith.constant 0 : i32
    %dma_wait3A_95 = tpu.memref_slice %arg9[%dma_wait3A, %dma_wait3A_92, %dma_wait3A_93, %dma_wait3A_94] : memref<2x8x8x128xf32, #tpu.memory_space<vmem>> -> memref<1x8x8x128xf32, #tpu.memory_space<vmem>>
    %dma_wait3A_96 = tpu.memref_squeeze %dma_wait3A_95 : memref<1x8x8x128xf32, #tpu.memory_space<vmem>> -> memref<8x8x128xf32, #tpu.memory_space<vmem>>
    tpu.wait_dma2 semaphore(%dma_wait3A_86 : memref<!tpu.dma_semaphore, #tpu.memory_space<semaphore_mem>>) src(%dma_wait3A_96 : memref<8x8x128xf32, #tpu.memory_space<vmem>>) dst(%dma_wait3A_91 : memref<8x8x128xf32, #tpu.memory_space<hbm>>)
    %dma_wait3A_97 = arith.constant 1 : i32
    %dma_wait3A_98 = arith.constant 69 : i32
    %dma_wait3A_99 = arith.constant 1 : i32
    %dma_wait3A_100 = arith.constant 0 : i32
    %dma_wait3A_101 = arith.constant 0 : i32
    %dma_wait3A_102 = arith.constant 0 : i32
    %dma_wait3A_103 = tpu.memref_slice %arg9[%dma_wait3A_97, %dma_wait3A_100, %dma_wait3A_101, %dma_wait3A_102] : memref<2x8x8x128xf32, #tpu.memory_space<vmem>> -> memref<1x8x8x128xf32, #tpu.memory_space<vmem>>
    %dma_wait3A_104 = tpu.memref_squeeze %dma_wait3A_103 : memref<1x8x8x128xf32, #tpu.memory_space<vmem>> -> memref<8x8x128xf32, #tpu.memory_space<vmem>>
    %dma_wait3A_105 = arith.constant 0 : i32
    %dma_wait3A_106 = arith.constant 0 : i32
    %dma_wait3A_107 = arith.constant 0 : i32
    %dma_wait3A_108 = tpu.memref_slice %arg5[%dma_wait3A_98, %dma_wait3A_105, %add3A, %dma_wait3A_106, %dma_wait3A_107] : memref<70x8x32x8x128xf32, #tpu.memory_space<hbm>> -> memref<1x8x1x8x128xf32, #tpu.memory_space<hbm>>
    %dma_wait3A_109 = tpu.memref_squeeze %dma_wait3A_108 : memref<1x8x1x8x128xf32, #tpu.memory_space<hbm>> -> memref<8x8x128xf32, #tpu.memory_space<hbm>>
    %dma_wait3A_110 = tpu.memref_slice %arg12[%dma_wait3A_99] : memref<2x!tpu.dma_semaphore, #tpu.memory_space<semaphore_mem>> -> memref<1x!tpu.dma_semaphore, #tpu.memory_space<semaphore_mem>>
    %dma_wait3A_111 = tpu.memref_squeeze %dma_wait3A_110 : memref<1x!tpu.dma_semaphore, #tpu.memory_space<semaphore_mem>> -> memref<!tpu.dma_semaphore, #tpu.memory_space<semaphore_mem>>
    %dma_wait3A_112 = arith.constant 0 : i32
    %dma_wait3A_113 = arith.constant 0 : i32
    %dma_wait3A_114 = arith.constant 0 : i32
    %dma_wait3A_115 = tpu.memref_slice %arg5[%dma_wait3A_98, %dma_wait3A_112, %add3A, %dma_wait3A_113, %dma_wait3A_114] : memref<70x8x32x8x128xf32, #tpu.memory_space<hbm>> -> memref<1x8x1x8x128xf32, #tpu.memory_space<hbm>>
    %dma_wait3A_116 = tpu.memref_squeeze %dma_wait3A_115 : memref<1x8x1x8x128xf32, #tpu.memory_space<hbm>> -> memref<8x8x128xf32, #tpu.memory_space<hbm>>
    %dma_wait3A_117 = arith.constant 0 : i32
    %dma_wait3A_118 = arith.constant 0 : i32
    %dma_wait3A_119 = arith.constant 0 : i32
    %dma_wait3A_120 = tpu.memref_slice %arg9[%dma_wait3A_97, %dma_wait3A_117, %dma_wait3A_118, %dma_wait3A_119] : memref<2x8x8x128xf32, #tpu.memory_space<vmem>> -> memref<1x8x8x128xf32, #tpu.memory_space<vmem>>
    %dma_wait3A_121 = tpu.memref_squeeze %dma_wait3A_120 : memref<1x8x8x128xf32, #tpu.memory_space<vmem>> -> memref<8x8x128xf32, #tpu.memory_space<vmem>>
    tpu.wait_dma2 semaphore(%dma_wait3A_111 : memref<!tpu.dma_semaphore, #tpu.memory_space<semaphore_mem>>) src(%dma_wait3A_121 : memref<8x8x128xf32, #tpu.memory_space<vmem>>) dst(%dma_wait3A_116 : memref<8x8x128xf32, #tpu.memory_space<hbm>>)
    %dma_wait3A_122 = arith.constant 0 : i32
    %dma_wait3A_123 = arith.constant 18 : i32
    %dma_wait3A_124 = arith.constant 0 : i32
    %dma_wait3A_125 = arith.constant 0 : i32
    %dma_wait3A_126 = arith.constant 0 : i32
    %dma_wait3A_127 = arith.constant 0 : i32
    %dma_wait3A_128 = tpu.memref_slice %arg10[%dma_wait3A_122, %dma_wait3A_125, %dma_wait3A_126, %dma_wait3A_127] : memref<2x8x8x128xf32, #tpu.memory_space<vmem>> -> memref<1x8x8x128xf32, #tpu.memory_space<vmem>>
    %dma_wait3A_129 = tpu.memref_squeeze %dma_wait3A_128 : memref<1x8x8x128xf32, #tpu.memory_space<vmem>> -> memref<8x8x128xf32, #tpu.memory_space<vmem>>
    %dma_wait3A_130 = arith.constant 0 : i32
    %dma_wait3A_131 = arith.constant 0 : i32
    %dma_wait3A_132 = arith.constant 0 : i32
    %dma_wait3A_133 = tpu.memref_slice %arg5[%dma_wait3A_123, %dma_wait3A_130, %add3A, %dma_wait3A_131, %dma_wait3A_132] : memref<70x8x32x8x128xf32, #tpu.memory_space<hbm>> -> memref<1x8x1x8x128xf32, #tpu.memory_space<hbm>>
    %dma_wait3A_134 = tpu.memref_squeeze %dma_wait3A_133 : memref<1x8x1x8x128xf32, #tpu.memory_space<hbm>> -> memref<8x8x128xf32, #tpu.memory_space<hbm>>
    %dma_wait3A_135 = tpu.memref_slice %arg13[%dma_wait3A_124] : memref<2x!tpu.dma_semaphore, #tpu.memory_space<semaphore_mem>> -> memref<1x!tpu.dma_semaphore, #tpu.memory_space<semaphore_mem>>
    %dma_wait3A_136 = tpu.memref_squeeze %dma_wait3A_135 : memref<1x!tpu.dma_semaphore, #tpu.memory_space<semaphore_mem>> -> memref<!tpu.dma_semaphore, #tpu.memory_space<semaphore_mem>>
    %dma_wait3A_137 = arith.constant 0 : i32
    %dma_wait3A_138 = arith.constant 0 : i32
    %dma_wait3A_139 = arith.constant 0 : i32
    %dma_wait3A_140 = tpu.memref_slice %arg5[%dma_wait3A_123, %dma_wait3A_137, %add3A, %dma_wait3A_138, %dma_wait3A_139] : memref<70x8x32x8x128xf32, #tpu.memory_space<hbm>> -> memref<1x8x1x8x128xf32, #tpu.memory_space<hbm>>
    %dma_wait3A_141 = tpu.memref_squeeze %dma_wait3A_140 : memref<1x8x1x8x128xf32, #tpu.memory_space<hbm>> -> memref<8x8x128xf32, #tpu.memory_space<hbm>>
    %dma_wait3A_142 = arith.constant 0 : i32
    %dma_wait3A_143 = arith.constant 0 : i32
    %dma_wait3A_144 = arith.constant 0 : i32
    %dma_wait3A_145 = tpu.memref_slice %arg10[%dma_wait3A_122, %dma_wait3A_142, %dma_wait3A_143, %dma_wait3A_144] : memref<2x8x8x128xf32, #tpu.memory_space<vmem>> -> memref<1x8x8x128xf32, #tpu.memory_space<vmem>>
    %dma_wait3A_146 = tpu.memref_squeeze %dma_wait3A_145 : memref<1x8x8x128xf32, #tpu.memory_space<vmem>> -> memref<8x8x128xf32, #tpu.memory_space<vmem>>
    tpu.wait_dma2 semaphore(%dma_wait3A_136 : memref<!tpu.dma_semaphore, #tpu.memory_space<semaphore_mem>>) src(%dma_wait3A_146 : memref<8x8x128xf32, #tpu.memory_space<vmem>>) dst(%dma_wait3A_141 : memref<8x8x128xf32, #tpu.memory_space<hbm>>)
    %dma_wait3A_147 = arith.constant 1 : i32
    %dma_wait3A_148 = arith.constant 19 : i32
    %dma_wait3A_149 = arith.constant 1 : i32
    %dma_wait3A_150 = arith.constant 0 : i32
    %dma_wait3A_151 = arith.constant 0 : i32
    %dma_wait3A_152 = arith.constant 0 : i32
    %dma_wait3A_153 = tpu.memref_slice %arg10[%dma_wait3A_147, %dma_wait3A_150, %dma_wait3A_151, %dma_wait3A_152] : memref<2x8x8x128xf32, #tpu.memory_space<vmem>> -> memref<1x8x8x128xf32, #tpu.memory_space<vmem>>
    %dma_wait3A_154 = tpu.memref_squeeze %dma_wait3A_153 : memref<1x8x8x128xf32, #tpu.memory_space<vmem>> -> memref<8x8x128xf32, #tpu.memory_space<vmem>>
    %dma_wait3A_155 = arith.constant 0 : i32
    %dma_wait3A_156 = arith.constant 0 : i32
    %dma_wait3A_157 = arith.constant 0 : i32
    %dma_wait3A_158 = tpu.memref_slice %arg5[%dma_wait3A_148, %dma_wait3A_155, %add3A, %dma_wait3A_156, %dma_wait3A_157] : memref<70x8x32x8x128xf32, #tpu.memory_space<hbm>> -> memref<1x8x1x8x128xf32, #tpu.memory_space<hbm>>
    %dma_wait3A_159 = tpu.memref_squeeze %dma_wait3A_158 : memref<1x8x1x8x128xf32, #tpu.memory_space<hbm>> -> memref<8x8x128xf32, #tpu.memory_space<hbm>>
    %dma_wait3A_160 = tpu.memref_slice %arg13[%dma_wait3A_149] : memref<2x!tpu.dma_semaphore, #tpu.memory_space<semaphore_mem>> -> memref<1x!tpu.dma_semaphore, #tpu.memory_space<semaphore_mem>>
    %dma_wait3A_161 = tpu.memref_squeeze %dma_wait3A_160 : memref<1x!tpu.dma_semaphore, #tpu.memory_space<semaphore_mem>> -> memref<!tpu.dma_semaphore, #tpu.memory_space<semaphore_mem>>
    %dma_wait3A_162 = arith.constant 0 : i32
    %dma_wait3A_163 = arith.constant 0 : i32
    %dma_wait3A_164 = arith.constant 0 : i32
    %dma_wait3A_165 = tpu.memref_slice %arg5[%dma_wait3A_148, %dma_wait3A_162, %add3A, %dma_wait3A_163, %dma_wait3A_164] : memref<70x8x32x8x128xf32, #tpu.memory_space<hbm>> -> memref<1x8x1x8x128xf32, #tpu.memory_space<hbm>>
    %dma_wait3A_166 = tpu.memref_squeeze %dma_wait3A_165 : memref<1x8x1x8x128xf32, #tpu.memory_space<hbm>> -> memref<8x8x128xf32, #tpu.memory_space<hbm>>
    %dma_wait3A_167 = arith.constant 0 : i32
    %dma_wait3A_168 = arith.constant 0 : i32
    %dma_wait3A_169 = arith.constant 0 : i32
    %dma_wait3A_170 = tpu.memref_slice %arg10[%dma_wait3A_147, %dma_wait3A_167, %dma_wait3A_168, %dma_wait3A_169] : memref<2x8x8x128xf32, #tpu.memory_space<vmem>> -> memref<1x8x8x128xf32, #tpu.memory_space<vmem>>
    %dma_wait3A_171 = tpu.memref_squeeze %dma_wait3A_170 : memref<1x8x8x128xf32, #tpu.memory_space<vmem>> -> memref<8x8x128xf32, #tpu.memory_space<vmem>>
    tpu.wait_dma2 semaphore(%dma_wait3A_161 : memref<!tpu.dma_semaphore, #tpu.memory_space<semaphore_mem>>) src(%dma_wait3A_171 : memref<8x8x128xf32, #tpu.memory_space<vmem>>) dst(%dma_wait3A_166 : memref<8x8x128xf32, #tpu.memory_space<hbm>>)
    return
  }
}

</mosaic_0001>

<sc_bundles>
// kernel: kernel.3.cloned.1.call-start
scs
__scs_entry_jumppad:
0x0: {  	(pc) =	sbr.rel $0x88, $3  }
0x1: {  	(tag) =	ssettag $0x0;
	lr =	simm.s32 $0x1  }
0x2: {  	[smem:$0x3F9E] =	sst lr;
	_ =	strace $0xD0000000  }
0x3: {  	_ = 	snop  }
0x4: {  	_ = 	snop  }
0x5: {  	_ = 	snop  }
0x6: {  	_ = 	snop  }
0x7: {  	_ = 	snop  }
__scs_overlays_trampoline_lowered:
0x8: {  	[smem:$0x3FAD] =	sst s0  }
0x9: {  	[smem:$0x3FAE] =	sst s1  }
0xa: {  	[smem:$0x3FAF] =	sst s2  }
0xb: {  	[smem:$0x3FB0] =	sst s3  }
0xc: {  	[smem:$0x3FB1] =	sst s4  }
0xd: {  	[smem:$0x3FB2] =	sst s5  }
0xe: {  	[smem:$0x3FB3] =	sst s6  }
0xf: {  	[smem:$0x3FB4] =	sst s7  }
0x10: {  	[smem:$0x3FB5] =	sst s8  }
0x11: {  	[smem:$0x3FB6] =	sst s9;
	s0 =	simm.s32 @!p0 $0x0  }
0x12: {  	s1 =	sld [smem:$0x3F9C];
	s0 =	simm.s32 @p0 $0x1  }
0x13: {  	[smem:$0x3FB7] =	sst s0;
	s0 =	simm.s32 @!p1 $0x0  }
0x14: {  	s2 =	sld [smem:$0x3F9B];
	s0 =	simm.s32 @p1 $0x1  }
0x15: {  	[smem:$0x3FB8] =	sst s0;
	s0 =	simm.s32 @!p2 $0x0  }
0x16: {  	s3 =	sld [smem:$0x3FDB];
	s0 =	simm.s32 @p2 $0x1  }
0x17: {  	s4 =	simm.s32 $0x1BF5;
	[smem:$0x3FBA] =	sst s0  }
0x18: {  	s0 =	sld [smem:$0x3F9D];
	_ =	swait.ge [sflag:s4], $0x0  }
0x19: {  	s7 =	sld [smem:$0x3F9E]  }
0x1a: {  	s8 =	sadd.s32 $0xFFFFE003, lr  }
0x1b: {  	s9 =	sadd.s32 $0xFFFFFEF7, lr;
	s5 =	simm.s32 $0xFFFFFFFF;
	p2 =	slt.u32 s8, $0xFFFFF086  }
0x1c: {  	p1 =	slt.u32 s9, $0xF7A;
	s5 =	simm.s32 @!p2 $0x0  }
0x1d: {  	s5 =	simm.s32 @p1 $0x1;
	p0 =	seq.s32 s7, s2  }
0x1e: {  	s7 =	smul.u32 @!p0 $0xF7A, s2;
	p2 =	seq.s32 @!p0 s5, $0x0  }
0x1f: {  	s9 =	smul.u32 $0xF7A, s1;
	s8 =	simm.s32 @!p0 $0x1BF5;
	p2 =	por !p2, p0  }
0x20: {  	[sflag:s8] =	ssyncset.s32 @!p0 $0xFFFFF086;
	s6 =	sadd.s32 @!p0 s3, s7;
	s7 =	simm.s32 @!p0 $0x108  }
0x21: {  	s3 =	sadd.s32 s3, s9;
	s6 =	sadd.s32 @!p0 $0x88, s6;
	s7 =	simm.s32 @p2 $0x1082  }
0x22: {  	[simem:s7], [sflag:s8] =	dma.local @!p0 [hbm:s6], $0xF7A  }
0x23: {  	s9 =	sor.u32 $0xD0000000, s2;
	s6 =	simm.s32 $0x108;
	_ =	swait.ge @!p0 [sflag:s8], $0x0  }
0x24: {  	s3 =	sadd.s32 $0x88, s3;
	s6 =	simm.s32 @!p1 $0x1082;
	[sflag:s4] =	ssyncset.s32 $0xFFFFF086  }
0x25: {  	[simem:s6], [sflag:s4] =	dma.local [hbm:s3], $0xF7A  }
0x26: {  	[smem:$0x3F9E] =	sst s1;
	(tag) =	ssettag s2;
	_ =	strace s9  }
0x27: {  	s1 =	sld [smem:$0x3FAE]  }
0x28: {  	s2 =	sld [smem:$0x3FAF]  }
0x29: {  	s4 =	sld [smem:$0x3FB1]  }
0x2a: {  	p0 =	seq.s32 s5, $0x0;
	s5 =	sld [smem:$0x3FB2]  }
0x2b: {  	s6 =	sld [smem:$0x3FB3]  }
0x2c: {  	s7 =	sld [smem:$0x3FB4]  }
0x2d: {  	s3 =	simm.s32 $0x108;
	s8 =	sld [smem:$0x3FB5]  }
0x2e: {  	s3 =	simm.s32 @!p0 $0x1082;
	s9 =	sld [smem:$0x3FB6]  }
0x2f: {  	lr =	sadd.s32 s0, s3;
	s0 =	sld [smem:$0x3FAD]  }
0x30: {  	s3 =	sld [smem:$0x3FB0]  }
0x31: {  	[smem:$0x3FB9] =	sst s10  }
0x32: {  	s10 =	sld [smem:$0x3FB7];
	_ =	sdelay $0x3  }
0x33: {  	p0 =	seq.s32 s10, $0x1;
	s10 =	sld [smem:$0x3FB9];
	_ =	sdelay $0x3  }
0x34: {  	[smem:$0x3FB9] =	sst s10  }
0x35: {  	s10 =	sld [smem:$0x3FB8];
	_ =	sdelay $0x3  }
0x36: {  	p1 =	seq.s32 s10, $0x1;
	s10 =	sld [smem:$0x3FB9];
	_ =	sdelay $0x3  }
0x37: {  	[smem:$0x3FB9] =	sst s10  }
0x38: {  	s10 =	sld [smem:$0x3FBA]  }
0x39: {  	_ = 	snop;
	(pc) =	sbr.ind lr, $3  }
0x3a: {  	_ = 	snop  }
0x3b: {  	_ = 	snop  }
0x3c: {  	p2 =	seq.s32 s10, $0x1;
	s10 =	sld [smem:$0x3FB9]  }
0x3d: {  	_ =	shalt  }
0x3e: {  	_ =	shalt  }
0x3f: {  	_ =	shalt  }
0x40: {  	_ =	shalt  }
0x41: {  	_ =	shalt  }
0x42: {  	_ =	shalt  }
0x43: {  	_ =	shalt  }
0x44: {  	_ =	shalt  }
0x45: {  	_ =	shalt  }
0x46: {  	_ =	shalt  }
0x47: {  	_ =	shalt  }
0x48: {  	_ =	shalt  }
0x49: {  	_ =	shalt  }
0x4a: {  	_ =	shalt  }
0x4b: {  	_ =	shalt  }
0x4c: {  	_ =	shalt  }
0x4d: {  	_ =	shalt  }
0x4e: {  	_ =	shalt  }
0x4f: {  	_ =	shalt  }
0x50: {  	_ =	shalt  }
0x51: {  	_ =	shalt  }
0x52: {  	_ =	shalt  }
0x53: {  	_ =	shalt  }
0x54: {  	_ =	shalt  }
0x55: {  	_ =	shalt  }
0x56: {  	_ =	shalt  }
0x57: {  	_ =	shalt  }
0x58: {  	_ =	shalt  }
0x59: {  	_ =	shalt  }
0x5a: {  	_ =	shalt  }
0x5b: {  	_ =	shalt  }
0x5c: {  	_ =	shalt  }
0x5d: {  	_ =	shalt  }
0x5e: {  	_ =	shalt  }
0x5f: {  	_ =	shalt  }
0x60: {  	_ =	shalt  }
0x61: {  	_ =	shalt  }
0x62: {  	_ =	shalt  }
0x63: {  	_ =	shalt  }
0x64: {  	_ =	shalt  }
0x65: {  	_ =	shalt  }
0x66: {  	_ =	shalt  }
0x67: {  	_ =	shalt  }
0x68: {  	_ =	shalt  }
0x69: {  	_ =	shalt  }
0x6a: {  	_ =	shalt  }
0x6b: {  	_ =	shalt  }
0x6c: {  	_ =	shalt  }
0x6d: {  	_ =	shalt  }
0x6e: {  	_ =	shalt  }
0x6f: {  	_ =	shalt  }
0x70: {  	_ =	shalt  }
0x71: {  	_ =	shalt  }
0x72: {  	_ =	shalt  }
0x73: {  	_ =	shalt  }
0x74: {  	_ =	shalt  }
0x75: {  	_ =	shalt  }
0x76: {  	_ =	shalt  }
0x77: {  	_ =	shalt  }
0x78: {  	_ =	shalt  }
0x79: {  	_ =	shalt  }
0x7a: {  	_ =	shalt  }
0x7b: {  	_ =	shalt  }
0x7c: {  	_ =	shalt  }
0x7d: {  	_ =	shalt  }
0x7e: {  	_ =	shalt  }
0x7f: {  	_ =	shalt  }
0x80: {  	_ =	shalt  }
0x81: {  	_ =	shalt  }
0x82: {  	_ =	shalt  }
0x83: {  	_ =	shalt  }
0x84: {  	_ =	shalt  }
0x85: {  	_ =	shalt  }
0x86: {  	_ =	shalt  }
0x87: {  	_ =	shalt  }
.Lfunc_end0:
.L_simem_size_0:
called_computation_lowered:
.L_overlay_start_0:
0x88: {  	s2 =	sld [smem:$0x3FD9]  }
0x89: {  	s3 =	sld [smem:$0x3FFE];
	_ =	sdelay $0x1  }
0x8a: {  	s1 =	srdreg.scid  }
0x8b: {  	s0 =	sand.u32 $0x1, s1  }
0x8c: {  	s17 =	sshll.u32 s0, $0xA;
	s2 =	sadd.s32 s3, s2  }
0x8d: {  	s2 =	sadd.s32 s2, s17  }
0x8e: {  	[smem:$0x3FC5] =	sst s2  }
0x8f: {  	_ = 	snop  }
0x90: {  	s2 =	sld [smem:$0x3FD0];
	(tm) =	ssettm $0x1  }
0x91: {  	s18 =	sld [smem:$0x3FFB];
	_ =	sdelay $0x3  }
0x92: {  	_ =	strace s18  }
0x93: {  	s3 =	sld [smem:$0x3FFC];
	_ =	sdelay $0x3  }
0x94: {  	_ =	strace s3  }
0x95: {  	s3 =	sld [smem:$0x3FFD];
	_ =	sdelay $0x3  }
0x96: {  	_ =	strace s3  }
0x97: {  	_ =	strace $0x8FFFFFFF  }
0x98: {  	s19 =	sld [smem:$0x3FDB];
	_ =	sdelay $0x1  }
0x99: {  	s4 =	simm.s32 $_scs_section_size  }
0x9a: {  	s5 =	simm.s32 $_size__tile_overlayer_lowered;
	s6 =	simm.s32 $_tile_overlayer_lowered  }
0x9b: {  	s22 =	simm.s32 $0x1BFF;
	s21 =	sshll.u32 s6, $0x1;
	s3 =	sadd.s32 s4, s19  }
0x9c: {  	s7 =	simm.s32 $0x0;
	s20 =	sshll.u32 s5, $0x1;
	s5 =	sadd.s32 s21, s3  }
0x9d: {  	[timem:s7], [sflag:s22] =	dma.local [hbm:s5], s20  }
0x9e: {  	_ =	swait.ge [sflag:s22], s20  }
0x9f: {  	s4 =	ssub.s32 $0x0, s20;
	[sflag:s22] =	ssyncset.done $0x0  }
0xa0: {  	[sflag:s22] =	ssyncadd.s32 s4;
	_ =	sdelay $0x1  }
0xa1: {  	s23 =	simm.s32 $0x1B8B  }
0xa2: {  	_ =	swait.ge [sflag:s23], $0x1  }
0xa3: {  	[sflag:s23] =	ssyncset.done $0x0  }
0xa4: {  	s25 =	simm.s32 $0x1B8E;
	s24 =	sld [smem:$0x3FFE];
	[sflag:s23] =	ssyncadd.s32 $0xFFFFFFFF  }
0xa5: {  	s26 =	simm.s32 $execute0_lowered;
	[smem:$0x3FD2] =	sst s25  }
0xa6: {  	s5 =	sshll.u32 s26, $0x1;
	_ =	strace $0x80000046;
	[dreg:$0x1] =	wrdreg $0xFFFFFFFF  }
0xa7: {  	s28 =	simm.s32 $_size_execute0_lowered;
	s3 =	sadd.s32 s3, s5;
	[dreg:$0x0] =	wrdreg $0x0  }
0xa8: {  	s5 =	sshll.u32 s28, $0x1;
	[dreg:$0x2] =	wrdreg s3  }
0xa9: {  	[dreg:$0x3] =	wrdreg s5  }
0xaa: {  	[dreg:$0x4] =	wrdreg $0xC0  }
0xab: {  	_ =	task [dreg:s7], $0x5FFFF  }
0xac: {  	[dreg:$0x1] =	wrdreg $0xFFFFFFFF  }
0xad: {  	[dreg:$0x0] =	wrdreg $0x60  }
0xae: {  	[dreg:$0x2] =	wrdreg s24  }
0xaf: {  	[dreg:$0x3] =	wrdreg s2  }
0xb0: {  	[dreg:$0x4] =	wrdreg $0x9  }
0xb1: {  	_ =	task.clear_ibuf [dreg:s7], $0x5FFFF;
	_ =	strace $0x90000046  }
0xb2: {  	s29 =	simm.s32 $0x9;
	_ =	strace $0x80000048  }
0xb3: {  	_ =	swait.ge [sflag:s29], $0x1  }
0xb4: {  	[sflag:s29] =	ssyncadd.s32 $0xFFFFFFFF  }
0xb5: {  	_ =	strace $0x90000048  }
0xb6: {  	_ =	sfence  }
0xb7: {  	s30 =	sld [smem:$0x0];
	_ =	sdelay $0x2  }
0xb8: {  	s31 =	sshll.u32 s1, $0xD;
	s1 =	sshrl.u32 s1, $0x2  }
0xb9: {  	s3 =	sand.u32 $0x4000, s31;
	s1 =	sadd.s32 s1, s30  }
0xba: {  	s0 =	sor.u32 s3, s0;
	s1 =	sshll.u32 s1, $0x11  }
0xbb: {  	s0 =	sor.u32 s1, s0  }
0xbc: {  	s0 =	sadd.s32 $0x8F2B, s0  }
0xbd: {  	[sflag:s0] =	ssyncadd.remote.s32 $0x1  }
0xbe: {  	_ =	sfence.sel $0xFFFF  }
0xbf: {  	[dreg:$0x0] =	wrdreg $0xFFFFFFFF;
	(pc) =	sbr.abs _section_cstart, $3  }
0xc0: {  	[dreg:$0x1] =	wrdreg $0xFFFFFFFF  }
0xc1: {  	_ =	task.clear_ibuf [dreg:s7], $0x2FFFF;
	_ =	strace $0x9FFFFFFF  }
0xc2: {  	(tm) =	ssettm $0x7FFFFFFF  }
0xc3: {  	_ =	shalt  }
tec
execute0_lowered:
.L_overlay_start_1:
0x0: {  	(tag) =	ssettag $0x1  }
0x1: {  	s0 =	rddreg [dreg:$0x0];
	s1 =	srdreg.scid  }
0x2: {  	s2 =	stileid.u32;
	s5 =	rddreg [dreg:$0x1];
	v0 =	vlaneseq.u32  }
0x3: {  	s9 =	simm.s32 $0x80;
	s3 =	sshll.u32 s2, $0x1;
	s2 =	simm.s32 $0x0;
	v1 =	vmul.u32 $0x40, v0  }
0x4: {  	s11 =	simm.s32 $0x9;
	s12 =	simm.s32 $0x1900;
	[smem:$0x7FF] =	sst s2  }
0x5: {  	s13 =	simm.s32 $0x1E00;
	s19 =	simm.s32 $0x400;
	_ =	strace $0x80000047;
	v2 =	vor.u32 $0x400, v1;
	[tilespmem:$0x1FFE0] =	vst v1  }
0x6: {  	s20 =	simm.s32 $0x8000;
	s21 =	simm.s32 $0x9E00;
	s22 =	simm.s32 $0x5;
	[tilespmem:$0x1FF80] =	vst v2;
	v2 =	vor.u32 $0x800, v1  }
0x7: {  	s23 =	simm.s32 $0x6;
	s24 =	simm.s32 $0x7;
	s1 =	sand.u32 $0x1, s1;
	[tilespmem:$0x1FF90] =	vst v2;
	v2 =	vor.u32 $0xC00, v1  }
0x8: {  	s25 =	simm.s32 $0x8;
	s4 =	sor.u32 s1, s3;
	s1 =	ssub.s32 $0x2, s1;
	[tilespmem:$0x1FFA0] =	vst v2;
	v2 =	vor.u32 $0x1000, v1  }
0x9: {  	s26 =	simm.s32 $0x0;
	s3 =	sshll.u32 s4, $0x4;
	s7 =	sshrl.u32 s1, $0x1;
	[tilespmem:$0x1FFB0] =	vst v2;
	v2 =	vor.u32 $0x1400, v1  }
0xa: {  	v9 =	vor.u32 $0x10, v0;
	v10 =	vor.u32 $0x20, v0;
	s8 =	sshll.u32 s4, $0x7;
	s4 =	sadd.s32 $0x400, s0;
	s6 =	sadd.s32 s3, s0;
	[tilespmem:$0x1FFC0] =	vst v2;
	v2 =	vor.u32 $0x1800, v1  }
0xb: {  	v11 =	vor.u32 $0x30, v0;
	v12 =	vor.u32 $0x40, v0;
	s3 =	sadd.s32 $0x6A00, s0;
	s31 =	ssub.s32 s1, s7;
	s5 =	sadd.s32 s5, s8;
	v1 =	vor.u32 $0x1C00, v1;
	[tilespmem:$0x1FFD0] =	vst v2  }
0xc: {  	v13 =	vor.u32 $0x50, v0;
	v14 =	vor.u32 $0x60, v0;
	v15 =	vor.u32 $0x70, v0;
	s6 =	sadd.s32 $0x600, s6;
	s7 =	sadd.s32 $0xA0000, s5;
	s8 =	smax.u32 s31, $0x1;
	[tilespmem:$0x1FFF0] =	vst v1  }
.LBB2_1:
0xd: {  	s0 =	simm.s32 $0x1000  }
0xe: {  	[tilespmem:s2], [sflag:$0x9] =	stream.strided.gather [hbm4b:s6+s9], $0x1900, s0, s9, $0x38;
	[tilespmem:$0x11E00] =	vst v63  }
0xf: {  	_ =	swait.ge [sflag:s11], $0x1900  }
0x10: {  	[sflag:s11] =	ssyncset.done $0x0  }
0x11: {  	[sflag:s11] =	ssyncadd.s32 $0xFFFFE700  }
0x12: {  	[tilespmem:s12], [sflag:$0x9] =	stream.linear.gather [hbm4b:s4+s2], $0x500, $0x38;
	[tilespmem:$0x11E00] =	vst v63  }
0x13: {  	_ =	swait.ge [sflag:s11], $0x500  }
0x14: {  	[sflag:s11] =	ssyncset.done $0x0  }
0x15: {  	[sflag:s11] =	ssyncadd.s32 $0xFFFFFB00  }
0x16: {  	[tilespmem:s13], [sflag:$0x1] =	stream.indirect.gather [hbm4b:s3+s9], $0x40, s2, s9, $0xb8;
	[tilespmem:$0x11E00] =	vst v63  }
0x17: {  	s28 =	simm.s32 $0x3E00  }
0x18: {  	[tilespmem:s28], [sflag:$0x2] =	stream.indirect.gather [hbm4b:s3+s9], $0x40, s9, s9, $0xb8;
	[tilespmem:$0x11E00] =	vst v63  }
0x19: {  	s29 =	simm.s32 $0x100;
	s1 =	simm.s32 $0x5E00;
	s30 =	simm.s32 $0x180  }
0x1a: {  	[tilespmem:s1], [sflag:$0x3] =	stream.indirect.gather [hbm4b:s3+s9], $0x40, s29, s9, $0xb8;
	[tilespmem:$0x11E00] =	vst v63  }
0x1b: {  	s31 =	simm.s32 $0x7E00;
	p0 =	por $0x0, $0x0;
	s0 =	simm.s32 $0x0  }
0x1c: {  	[tilespmem:s31], [sflag:$0x4] =	stream.indirect.gather [hbm4b:s3+s9], $0x40, s30, s9, $0xb8;
	[tilespmem:$0x11E00] =	vst v63  }
.LBB2_2:
0x1d: {  	s1 =	simm.s32 $0x0  }
0x1e: {  	s10 =	sshll.u32 s0, $0x6;
	s17 =	simm.s32 $0x3;
	v1 =	vmov s1  }
0x1f: {  	s14 =	simm.s32 $0x1;
	v2 =	vmov s10;
	v3 =	vmov s17;
	v1 =	vand.u32 $0x3C, v1  }
0x20: {  	v4 =	vmov s14;
	v3 =	vand.u32 $0x3F, v3;
	v1 =	vor.u32 v2, v1  }
0x21: {  	v4 =	vand.u32 $0x3D, v4;
	v3 =	vor.u32 v2, v3;
	v1 =	vbroadcast v1, $0x0  }
0x22: {  	p1 =	slt.u32 s0, $0x2;
	s1 =	sand.u32 $0x1, s0;
	v4 =	vor.u32 v2, v4;
	v3 =	vbroadcast v3, $0x0  }
0x23: {  	s10 =	sadd.s32 @!p1 $0x7, s1;
	v4 =	vbroadcast v4, $0x0  }
0x24: {  	_ =	swait.ge @!p1 [sflag:s10], $0x2000  }
0x25: {  	[sflag:s10] =	ssyncset.done @!p1 $0x0  }
0x26: {  	[sflag:s10] =	ssyncadd.s32 @!p1 $0xFFFFE000  }
0x27: {  	s10 =	sshll.u32 s1, $0xD;
	v1 =	vld.idx.msk [tilespmem:v1+s12+$0x0], $0xffff  }
0x28: {  	s28 =	simm.s32 $0x0;
	s14 =	simm.s32 $0x1;
	v16 =	vmov s10;
	v3 =	vld.idx.msk [tilespmem:v3+s12+$0x0], $0xffff  }
0x29: {  	s29 =	simm.s32 $0x180;
	s31 =	simm.s32 $0x2;
	s14 =	simm.s32 @!p0 $0x0;
	v4 =	vld.idx.msk [tilespmem:v4+s12+$0x0], $0xffff  }
0x2a: {  	s30 =	sand.u32 $0x1C00, s28;
	v5 =	vmov s31;
	s31 =	simm.s32 $0x80;
	s14 =	sshll.u32 s14, $0xD  }
0x2b: {  	s18 =	sadd.s32 $0xDE00, s30;
	s30 =	sand.u32 $0x380, s29;
	s28 =	sor.u32 $0xDE40, s14  }
0x2c: {  	s31 =	sand.u32 $0x280, s31;
	s30 =	sadd.s32 s30, s18;
	[tilespmem:s28+$0x30] =	vst v1  }
0x2d: {  	s31 =	sadd.s32 s31, s18;
	[tilespmem:v16+s30+$0x0 ss:$0x1] =	vst.idx.msk $0xffff, v3  }
0x2e: {  	[tilespmem:v16+s31+$0x0 ss:$0x1] =	vst.idx.msk $0xffff, v4  }
0x2f: {  	[tilespmem:v16+s30+$0x10 ss:$0x1] =	vst.idx.msk $0xffff, v3  }
0x30: {  	v5 =	vand.u32 $0x3E, v5;
	[tilespmem:v16+s31+$0x10 ss:$0x1] =	vst.idx.msk $0xffff, v4  }
0x31: {  	v5 =	vor.u32 v2, v5;
	[tilespmem:v16+s30+$0x20 ss:$0x1] =	vst.idx.msk $0xffff, v3  }
0x32: {  	v5 =	vbroadcast v5, $0x0;
	[tilespmem:v16+s31+$0x20 ss:$0x1] =	vst.idx.msk $0xffff, v4  }
0x33: {  	[tilespmem:v16+s30+$0x30 ss:$0x1] =	vst.idx.msk $0xffff, v3  }
0x34: {  	[tilespmem:v16+s31+$0x30 ss:$0x1] =	vst.idx.msk $0xffff, v4  }
0x35: {  	[tilespmem:v16+s30+$0x40 ss:$0x1] =	vst.idx.msk $0xffff, v3  }
0x36: {  	[tilespmem:v16+s31+$0x40 ss:$0x1] =	vst.idx.msk $0xffff, v4  }
0x37: {  	[tilespmem:v16+s30+$0x50 ss:$0x1] =	vst.idx.msk $0xffff, v3  }
0x38: {  	v5 =	vld.idx.msk [tilespmem:v5+s12+$0x0], $0xffff;
	[tilespmem:v16+s31+$0x50 ss:$0x1] =	vst.idx.msk $0xffff, v4  }
0x39: {  	[tilespmem:v16+s30+$0x60 ss:$0x1] =	vst.idx.msk $0xffff, v3  }
0x3a: {  	[tilespmem:v16+s30+$0x70 ss:$0x1] =	vst.idx.msk $0xffff, v3;
	s30 =	simm.s32 $0x100  }
0x3b: {  	[tilespmem:v16+s31+$0x60 ss:$0x1] =	vst.idx.msk $0xffff, v4;
	s30 =	sand.u32 $0x300, s30  }
0x3c: {  	[tilespmem:v16+s31+$0x70 ss:$0x1] =	vst.idx.msk $0xffff, v4;
	s14 =	sadd.s32 s30, s18;
	s30 =	simm.s32 $0x4  }
0x3d: {  	s31 =	simm.s32 $0x7;
	[tilespmem:v16+s14+$0x0 ss:$0x1] =	vst.idx.msk $0xffff, v5;
	v3 =	vmov s30  }
0x3e: {  	v4 =	vmov s31;
	[tilespmem:v16+s14+$0x10 ss:$0x1] =	vst.idx.msk $0xffff, v5;
	v3 =	vand.u32 $0x3C, v3  }
0x3f: {  	v4 =	vand.u32 $0x3F, v4;
	[tilespmem:v16+s14+$0x20 ss:$0x1] =	vst.idx.msk $0xffff, v5;
	v3 =	vor.u32 v2, v3  }
0x40: {  	v6 =	vor.u32 v2, v4;
	[tilespmem:v16+s14+$0x30 ss:$0x1] =	vst.idx.msk $0xffff, v5;
	v4 =	vbroadcast v3, $0x0  }
0x41: {  	v3 =	vbroadcast v6, $0x0;
	[tilespmem:v16+s14+$0x40 ss:$0x1] =	vst.idx.msk $0xffff, v5  }
0x42: {  	[tilespmem:v16+s14+$0x50 ss:$0x1] =	vst.idx.msk $0xffff, v5  }
0x43: {  	[tilespmem:v16+s14+$0x60 ss:$0x1] =	vst.idx.msk $0xffff, v5  }
0x44: {  	s31 =	simm.s32 $0x8;
	[tilespmem:v16+s14+$0x70 ss:$0x1] =	vst.idx.msk $0xffff, v5  }
.LBB2_3:
0x45: {  	p1 =	slt.u32 s31, $0x3C;
	s14 =	sadd.s32 $0x1, s30;
	[tilespmem:s28+$0xFFFFFFC0] =	vst v1  }
0x46: {  	v4 =	vld.idx.msk [tilespmem:v4+s12+$0x0], $0xffff;
	v5 =	vmov s14;
	[tilespmem:s28+$0xFFFFFFD0] =	vst v1  }
0x47: {  	v5 =	vand.u32 $0x3D, v5;
	v3 =	vld.idx.msk [tilespmem:v3+s12+$0x0], $0xffff;
	[tilespmem:s28+$0xFFFFFFE0] =	vst v1  }
0x48: {  	s29 =	sadd.s32 $0x200, s29;
	v5 =	vor.u32 v2, v5;
	[tilespmem:s28+$0xFFFFFFF0] =	vst v1  }
0x49: {  	s14 =	sadd.s32 $0xFFFFFE80, s29;
	s15 =	sadd.s32 $0xFFFFFF00, s29;
	s16 =	sadd.s32 $0xFFFFFF80, s29;
	v5 =	vbroadcast v5, $0x0;
	[tilespmem:s28+$0x0] =	vst v1  }
0x4a: {  	s14 =	sand.u32 $0x1C00, s14;
	s15 =	sand.u32 $0x280, s15;
	s16 =	sand.u32 $0x300, s16;
	[tilespmem:s28+$0x10] =	vst v1  }
0x4b: {  	s18 =	sand.u32 $0x380, s29;
	s17 =	sadd.s32 $0xDE00, s14;
	[tilespmem:s28+$0x20] =	vst v1;
	s28 =	sadd.s32 $0x200, s28  }
0x4c: {  	s15 =	sadd.s32 s15, s17;
	s14 =	sadd.s32 s16, s17;
	s16 =	sadd.s32 s18, s17;
	v1 =	vmov v4;
	[tilespmem:s28+$0x30] =	vst v4  }
0x4d: {  	s17 =	sadd.s32 $0x2, s30;
	s30 =	smov.u32 s31;
	[tilespmem:v16+s16+$0x0 ss:$0x1] =	vst.idx.msk $0xffff, v3  }
0x4e: {  	v4 =	vmov s17;
	[tilespmem:v16+s16+$0x10 ss:$0x1] =	vst.idx.msk $0xffff, v3  }
0x4f: {  	v4 =	vand.u32 $0x3E, v4;
	v5 =	vld.idx.msk [tilespmem:v5+s12+$0x0], $0xffff;
	[tilespmem:v16+s16+$0x20 ss:$0x1] =	vst.idx.msk $0xffff, v3  }
0x50: {  	v4 =	vor.u32 v2, v4;
	[tilespmem:v16+s16+$0x30 ss:$0x1] =	vst.idx.msk $0xffff, v3  }
0x51: {  	v4 =	vbroadcast v4, $0x0;
	[tilespmem:v16+s16+$0x40 ss:$0x1] =	vst.idx.msk $0xffff, v3  }
0x52: {  	[tilespmem:v16+s16+$0x50 ss:$0x1] =	vst.idx.msk $0xffff, v3  }
0x53: {  	[tilespmem:v16+s16+$0x60 ss:$0x1] =	vst.idx.msk $0xffff, v3  }
0x54: {  	[tilespmem:v16+s16+$0x70 ss:$0x1] =	vst.idx.msk $0xffff, v3  }
0x55: {  	[tilespmem:v16+s15+$0x0 ss:$0x1] =	vst.idx.msk $0xffff, v5  }
0x56: {  	[tilespmem:v16+s15+$0x10 ss:$0x1] =	vst.idx.msk $0xffff, v5  }
0x57: {  	[tilespmem:v16+s15+$0x20 ss:$0x1] =	vst.idx.msk $0xffff, v5;
	v6 =	vld.idx.msk [tilespmem:v4+s12+$0x0], $0xffff  }
0x58: {  	[tilespmem:v16+s15+$0x30 ss:$0x1] =	vst.idx.msk $0xffff, v5  }
0x59: {  	[tilespmem:v16+s15+$0x40 ss:$0x1] =	vst.idx.msk $0xffff, v5  }
0x5a: {  	[tilespmem:v16+s15+$0x50 ss:$0x1] =	vst.idx.msk $0xffff, v5  }
0x5b: {  	[tilespmem:v16+s15+$0x60 ss:$0x1] =	vst.idx.msk $0xffff, v5  }
0x5c: {  	[tilespmem:v16+s15+$0x70 ss:$0x1] =	vst.idx.msk $0xffff, v5  }
0x5d: {  	v3 =	vmov s31;
	s15 =	sadd.s32 $0x3, s31;
	[tilespmem:v16+s14+$0x0 ss:$0x1] =	vst.idx.msk $0xffff, v6  }
0x5e: {  	v3 =	vand.u32 $0x3C, v3;
	v4 =	vmov s15;
	[tilespmem:v16+s14+$0x10 ss:$0x1] =	vst.idx.msk $0xffff, v6  }
0x5f: {  	v3 =	vor.u32 v2, v3;
	v5 =	vand.u32 $0x3F, v4;
	[tilespmem:v16+s14+$0x20 ss:$0x1] =	vst.idx.msk $0xffff, v6  }
.Ltmp0:
0x60: {  	v4 =	vbroadcast v3, $0x0;
	v3 =	vor.u32 v2, v5;
	[tilespmem:v16+s14+$0x30 ss:$0x1] =	vst.idx.msk $0xffff, v6;
	(pc) =	sbr.rel @p1 .LBB2_3-.Ltmp0, $4  }
0x61: {  	v3 =	vbroadcast v3, $0x0;
	[tilespmem:v16+s14+$0x40 ss:$0x1] =	vst.idx.msk $0xffff, v6  }
0x62: {  	[tilespmem:v16+s14+$0x50 ss:$0x1] =	vst.idx.msk $0xffff, v6  }
0x63: {  	[tilespmem:v16+s14+$0x60 ss:$0x1] =	vst.idx.msk $0xffff, v6  }
0x64: {  	s31 =	sadd.s32 $0x4, s31;
	[tilespmem:v16+s14+$0x70 ss:$0x1] =	vst.idx.msk $0xffff, v6  }
0x65: {  	_ =	sdelay $0x1  }
0x66: {  	[tilespmem:s28+$0xFFFFFFC0] =	vst v1  }
0x67: {  	[tilespmem:s28+$0xFFFFFFD0] =	vst v1  }
0x68: {  	v4 =	vld.idx.msk [tilespmem:v4+s12+$0x0], $0xffff;
	[tilespmem:s28+$0xFFFFFFE0] =	vst v1  }
0x69: {  	v3 =	vld.idx.msk [tilespmem:v3+s12+$0x0], $0xffff;
	[tilespmem:s28+$0xFFFFFFF0] =	vst v1;
	s29 =	sadd.s32 $0x200, s29  }
0x6a: {  	[tilespmem:s28+$0x0] =	vst v1;
	s15 =	sadd.s32 $0xFFFFFE80, s29  }
0x6b: {  	[tilespmem:s28+$0x10] =	vst v1;
	s15 =	sand.u32 $0x1C00, s15  }
0x6c: {  	[tilespmem:s28+$0x20] =	vst v1;
	s17 =	sadd.s32 $0x200, s28;
	s16 =	sand.u32 $0x380, s29;
	s15 =	sadd.s32 $0xDE00, s15  }
0x6d: {  	s16 =	sadd.s32 s16, s15;
	[tilespmem:s17+$0x30] =	vst v4  }
0x6e: {  	s14 =	sadd.s32 $0x1, s30;
	[tilespmem:v16+s16+$0x0 ss:$0x1] =	vst.idx.msk $0xffff, v3  }
0x6f: {  	s18 =	sadd.s32 $0x2, s30;
	v5 =	vmov s14;
	[tilespmem:s17+$0xFFFFFFC0] =	vst v4  }
0x70: {  	v1 =	vmov s18;
	v5 =	vand.u32 $0x3D, v5;
	[tilespmem:s17+$0xFFFFFFD0] =	vst v4  }
0x71: {  	v1 =	vand.u32 $0x3E, v1;
	v5 =	vor.u32 v2, v5;
	[tilespmem:s17+$0xFFFFFFE0] =	vst v4  }
0x72: {  	v1 =	vor.u32 v2, v1;
	v5 =	vbroadcast v5, $0x0;
	[tilespmem:s17+$0xFFFFFFF0] =	vst v4  }
0x73: {  	v1 =	vbroadcast v1, $0x0;
	[tilespmem:s17+$0x0] =	vst v4  }
0x74: {  	[tilespmem:s17+$0x10] =	vst v4  }
0x75: {  	[tilespmem:s17+$0x20] =	vst v4  }
0x76: {  	[tilespmem:v16+s16+$0x10 ss:$0x1] =	vst.idx.msk $0xffff, v3  }
0x77: {  	[tilespmem:v16+s16+$0x20 ss:$0x1] =	vst.idx.msk $0xffff, v3  }
0x78: {  	[tilespmem:v16+s16+$0x30 ss:$0x1] =	vst.idx.msk $0xffff, v3;
	v5 =	vld.idx.msk [tilespmem:v5+s12+$0x0], $0xffff  }
0x79: {  	[tilespmem:v16+s16+$0x40 ss:$0x1] =	vst.idx.msk $0xffff, v3;
	v1 =	vld.idx.msk [tilespmem:v1+s12+$0x0], $0xffff  }
0x7a: {  	s30 =	sadd.s32 $0xFFFFFF00, s29;
	[tilespmem:v16+s16+$0x50 ss:$0x1] =	vst.idx.msk $0xffff, v3  }
0x7b: {  	s14 =	sadd.s32 $0xFFFFFF80, s29;
	s18 =	sand.u32 $0x280, s30;
	[tilespmem:v16+s16+$0x60 ss:$0x1] =	vst.idx.msk $0xffff, v3  }
0x7c: {  	s14 =	sand.u32 $0x300, s14;
	s18 =	sadd.s32 s18, s15;
	[tilespmem:v16+s16+$0x70 ss:$0x1] =	vst.idx.msk $0xffff, v3  }
0x7d: {  	s14 =	sadd.s32 s14, s15;
	[tilespmem:v16+s18+$0x0 ss:$0x1] =	vst.idx.msk $0xffff, v5  }
0x7e: {  	[tilespmem:v16+s14+$0x0 ss:$0x1] =	vst.idx.msk $0xffff, v1  }
0x7f: {  	[tilespmem:v16+s18+$0x10 ss:$0x1] =	vst.idx.msk $0xffff, v5  }
0x80: {  	[tilespmem:v16+s14+$0x10 ss:$0x1] =	vst.idx.msk $0xffff, v1  }
0x81: {  	[tilespmem:v16+s18+$0x20 ss:$0x1] =	vst.idx.msk $0xffff, v5  }
0x82: {  	[tilespmem:v16+s14+$0x20 ss:$0x1] =	vst.idx.msk $0xffff, v1  }
0x83: {  	[tilespmem:v16+s18+$0x30 ss:$0x1] =	vst.idx.msk $0xffff, v5  }
0x84: {  	[tilespmem:v16+s14+$0x30 ss:$0x1] =	vst.idx.msk $0xffff, v1  }
0x85: {  	[tilespmem:v16+s18+$0x40 ss:$0x1] =	vst.idx.msk $0xffff, v5  }
0x86: {  	[tilespmem:v16+s14+$0x40 ss:$0x1] =	vst.idx.msk $0xffff, v1  }
0x87: {  	s31 =	sshll.u32 s0, $0xF;
	s0 =	sadd.s32 $0x1, s0;
	[tilespmem:v16+s18+$0x50 ss:$0x1] =	vst.idx.msk $0xffff, v5  }
0x88: {  	p1 =	sne.s32 s0, $0x14;
	[tilespmem:v16+s14+$0x50 ss:$0x1] =	vst.idx.msk $0xffff, v1  }
.Ltmp1:
0x89: {  	[tilespmem:v16+s18+$0x60 ss:$0x1] =	vst.idx.msk $0xffff, v5;
	(pc) =	sbr.rel @p1 .LBB2_2-.Ltmp1, $4  }
0x8a: {  	[tilespmem:v16+s14+$0x60 ss:$0x1] =	vst.idx.msk $0xffff, v1  }
0x8b: {  	s1 =	sadd.s32 $0x7, s1;
	s10 =	sor.u32 $0xDE00, s10;
	[tilespmem:v16+s18+$0x70 ss:$0x1] =	vst.idx.msk $0xffff, v5  }
0x8c: {  	p0 =	por !p0, !p0;
	s28 =	simm.s32 $0x0;
	[tilespmem:v16+s14+$0x70 ss:$0x1] =	vst.idx.msk $0xffff, v1;
	s14 =	sadd.s32 s31, s5  }
0x8d: {  	[hbm4b:s14+s19] =	stream.strided.scatter [tilespmem:s10], [sflag:s1], $0x2000, s20, s19, $0x38;
	[tilespmem:$0x11E00] =	vst v63  }
0x8e: {  	s29 =	simm.s32 $0x0  }
.LBB2_6:
0x8f: {  	s1 =	sand.u32 $0x3, s29  }
0x90: {  	s30 =	sadd.s32 $0x1, s1  }
0x91: {  	_ =	swait.ge [sflag:s30], $0x2000  }
0x92: {  	v1 =	vld [tilespmem:$0x1FFE0];
	_ =	sdelay $0x1  }
0x93: {  	s31 =	sand.u32 $0x1, s29  }
0x94: {  	v29 =	vadd.s32 s28, v0;
	p0 =	slt.u32 s29, $0x2;
	s10 =	sshll.u32 s1, $0xD;
	[sflag:s30] =	ssyncset.done $0x0  }
0x95: {  	v37 =	vand.u32 $0xF, v29;
	s14 =	sadd.s32 @!p0 $0x5, s31;
	s0 =	sshll.u32 s31, $0xD;
	v4 =	vshll.u32 v29, $0x7;
	[sflag:s30] =	ssyncadd.s32 $0xFFFFE000  }
0x96: {  	v23 =	vmov s0;
	v2 =	vand.u32 $0x780, v4;
	_ =	swait.ge @!p0 [sflag:s14], $0x2000;
	v24 =	vor.u32 s10, v1  }
0x97: {  	v6 =	vor.u32 v23, v2;
	v2 =	vld [tilespmem:$0x1FF80];
	v1 =	vor.u32 v24, v37;
	_ =	sdelay $0x2  }
0x98: {  	[sflag:s14] =	ssyncset.done @!p0 $0x0  }
0x99: {  	[sflag:s14] =	ssyncadd.s32 @!p0 $0xFFFFE000  }
0x9a: {  	v22 =	vor.u32 s10, v2;
	v2 =	vor.u32 v0, v6;
	v1 =	vld.idx.msk [tilespmem:v1+s13+$0x0], $0xffff;
	_ =	sdelay $0x4  }
0x9b: {  	[tilespmem:v2+s21+$0x0] =	vst.idx.msk $0xffff, v1  }
0x9c: {  	v3 =	vor.u32 v22, v37;
	v1 =	vld [tilespmem:$0x1FF90];
	_ =	sdelay $0x4  }
0x9d: {  	v2 =	vor.u32 v9, v6;
	v21 =	vor.u32 s10, v1;
	v1 =	vld.idx.msk [tilespmem:v3+s13+$0x0], $0xffff;
	_ =	sdelay $0x4  }
0x9e: {  	[tilespmem:v2+s21+$0x0] =	vst.idx.msk $0xffff, v1  }
0x9f: {  	v3 =	vor.u32 v21, v37;
	v1 =	vld [tilespmem:$0x1FFA0];
	_ =	sdelay $0x4  }
0xa0: {  	v2 =	vor.u32 v10, v6;
	v20 =	vor.u32 s10, v1;
	v1 =	vld.idx.msk [tilespmem:v3+s13+$0x0], $0xffff;
	_ =	sdelay $0x4  }
0xa1: {  	[tilespmem:v2+s21+$0x0] =	vst.idx.msk $0xffff, v1  }
0xa2: {  	v3 =	vor.u32 v20, v37;
	v1 =	vld [tilespmem:$0x1FFB0];
	_ =	sdelay $0x3  }
0xa3: {  	v5 =	vld [tilespmem:$0x1FFC0]  }
0xa4: {  	v2 =	vor.u32 v11, v6;
	v19 =	vor.u32 s10, v1;
	v1 =	vld.idx.msk [tilespmem:v3+s13+$0x0], $0xffff  }
0xa5: {  	v3 =	vor.u32 v19, v37;
	_ =	sdelay $0x1  }
0xa6: {  	s17 =	simm.s32 $0x3  }
0xa7: {  	v32 =	vadd.s32 s17, v0  }
0xa8: {  	v35 =	vand.u32 $0xF, v32;
	v17 =	vor.u32 s10, v5;
	v5 =	vld [tilespmem:$0x1FFD0];
	[tilespmem:v2+s21+$0x0] =	vst.idx.msk $0xffff, v1  }
0xa9: {  	v7 =	vor.u32 v12, v6;
	v18 =	vor.u32 v24, v35;
	v3 =	vld.idx.msk [tilespmem:v3+s13+$0x0], $0xffff  }
0xaa: {  	v2 =	vshll.u32 v32, $0x7  }
0xab: {  	s18 =	simm.s32 $0x2;
	v57 =	vand.u32 $0x380, v2;
	v2 =	vand.u32 $0x400, v2  }
0xac: {  	s15 =	simm.s32 $0x1;
	v33 =	vadd.s32 s18, v0;
	v2 =	vor.u32 v2, v23  }
0xad: {  	v28 =	vadd.s32 s15, v0;
	v16 =	vor.u32 s10, v5;
	v2 =	vor.u32 v57, v2  }
0xae: {  	v5 =	vor.u32 v17, v37;
	v31 =	vor.u32 v0, v2;
	[tilespmem:v7+s21+$0x0] =	vst.idx.msk $0xffff, v3;
	v7 =	vld.idx.msk [tilespmem:v18+s13+$0x0], $0xffff  }
0xaf: {  	v36 =	vand.u32 $0xF, v33;
	v34 =	vand.u32 $0xF, v28  }
0xb0: {  	v27 =	vshll.u32 v33, $0x7;
	v39 =	vshll.u32 v28, $0x7;
	v25 =	vor.u32 v24, v36  }
0xb1: {  	v38 =	vand.u32 $0x400, v27;
	v56 =	vand.u32 $0x380, v27;
	v30 =	vor.u32 v24, v34  }
0xb2: {  	v8 =	vor.u32 v22, v35;
	v1 =	vor.u32 v13, v6;
	v3 =	vor.u32 v38, v23  }
0xb3: {  	v41 =	vand.u32 $0x380, v39;
	v18 =	vand.u32 $0x400, v39;
	v55 =	vld.idx.msk [tilespmem:v5+s13+$0x0], $0xffff;
	v3 =	vor.u32 v56, v3;
	[tilespmem:v31+s21+$0x0] =	vst.idx.msk $0xffff, v7  }
0xb4: {  	v58 =	vor.u32 v16, v37;
	v5 =	vor.u32 v18, v23;
	v40 =	vor.u32 v0, v3;
	v0 =	vld [tilespmem:$0x1FFF0]  }
0xb5: {  	v27 =	vlaneseq.u32;
	v25 =	vld.idx.msk [tilespmem:v25+s13+$0x0], $0xffff;
	v5 =	vor.u32 v41, v5  }
0xb6: {  	v42 =	vor.u32 v22, v36;
	v30 =	vld.idx.msk [tilespmem:v30+s13+$0x0], $0xffff;
	v43 =	vor.u32 v27, v5  }
0xb7: {  	v44 =	vor.u32 v22, v34  }
0xb8: {  	[tilespmem:v1+s21+$0x0] =	vst.idx.msk $0xffff, v55;
	v1 =	vor.u32 v9, v2;
	v7 =	vld.idx.msk [tilespmem:v8+s13+$0x0], $0xffff  }
0xb9: {  	v59 =	vor.u32 v21, v35;
	v31 =	vor.u32 v14, v6;
	v8 =	vld.idx.msk [tilespmem:v58+s13+$0x0], $0xffff;
	v18 =	vor.u32 s10, v0  }
0xba: {  	[tilespmem:v40+s21+$0x0] =	vst.idx.msk $0xffff, v25;
	v25 =	vor.u32 v18, v37  }
0xbb: {  	v60 =	vor.u32 v9, v3;
	[tilespmem:v43+s21+$0x0] =	vst.idx.msk $0xffff, v30;
	v30 =	vld.idx.msk [tilespmem:v42+s13+$0x0], $0xffff  }
0xbc: {  	v63 =	vor.u32 v21, v36;
	v62 =	vor.u32 v9, v5;
	v61 =	vld.idx.msk [tilespmem:v44+s13+$0x0], $0xffff  }
0xbd: {  	v48 =	vor.u32 v21, v34;
	[tilespmem:v1+s21+$0x0] =	vst.idx.msk $0xffff, v7  }
0xbe: {  	[tilespmem:v31+s21+$0x0] =	vst.idx.msk $0xffff, v8;
	v7 =	vld.idx.msk [tilespmem:v59+s13+$0x0], $0xffff;
	v8 =	vor.u32 v10, v2  }
0xbf: {  	v6 =	vor.u32 v15, v6;
	v31 =	vor.u32 v20, v35;
	v25 =	vld.idx.msk [tilespmem:v25+s13+$0x0], $0xffff  }
0xc0: {  	[tilespmem:v60+s21+$0x0] =	vst.idx.msk $0xffff, v30  }
0xc1: {  	v49 =	vor.u32 v10, v3;
	[tilespmem:v62+s21+$0x0] =	vst.idx.msk $0xffff, v61;
	v30 =	vld.idx.msk [tilespmem:v63+s13+$0x0], $0xffff  }
0xc2: {  	v52 =	vor.u32 v20, v36;
	v51 =	vor.u32 v10, v5;
	v40 =	vld.idx.msk [tilespmem:v48+s13+$0x0], $0xffff  }
0xc3: {  	v53 =	vor.u32 v20, v34;
	[tilespmem:v8+s21+$0x0] =	vst.idx.msk $0xffff, v7  }
0xc4: {  	v50 =	vor.u32 $0x10, v29;
	v8 =	vor.u32 v11, v2;
	[tilespmem:v6+s21+$0x0] =	vst.idx.msk $0xffff, v25;
	v6 =	vld.idx.msk [tilespmem:v31+s13+$0x0], $0xffff  }
0xc5: {  	v1 =	vand.u32 $0x1F, v50;
	v7 =	vshll.u32 v50, $0x7;
	v25 =	vor.u32 v19, v35  }
0xc6: {  	v26 =	vand.u32 $0x380, v4;
	v45 =	vor.u32 v24, v1;
	v7 =	vand.u32 $0xC00, v7;
	[tilespmem:v49+s21+$0x0] =	vst.idx.msk $0xffff, v30  }
0xc7: {  	v4 =	vor.u32 v7, v23;
	v30 =	vor.u32 v11, v3;
	[tilespmem:v51+s21+$0x0] =	vst.idx.msk $0xffff, v40;
	v7 =	vld.idx.msk [tilespmem:v52+s13+$0x0], $0xffff  }
0xc8: {  	v55 =	vor.u32 v11, v5;
	v58 =	vor.u32 v19, v36;
	v54 =	vld.idx.msk [tilespmem:v53+s13+$0x0], $0xffff  }
0xc9: {  	v61 =	vor.u32 v19, v34;
	[tilespmem:v8+s21+$0x0] =	vst.idx.msk $0xffff, v6  }
0xca: {  	v8 =	vor.u32 v12, v2;
	v6 =	vld.idx.msk [tilespmem:v25+s13+$0x0], $0xffff  }
0xcb: {  	v4 =	vor.u32 v26, v4;
	v25 =	vor.u32 v17, v35  }
0xcc: {  	v60 =	vor.u32 v27, v4;
	v59 =	vld.idx.msk [tilespmem:v45+s13+$0x0], $0xffff;
	[tilespmem:v30+s21+$0x0] =	vst.idx.msk $0xffff, v7  }
0xcd: {  	v62 =	vor.u32 v22, v1;
	v30 =	vor.u32 v12, v3;
	[tilespmem:v55+s21+$0x0] =	vst.idx.msk $0xffff, v54;
	v7 =	vld.idx.msk [tilespmem:v58+s13+$0x0], $0xffff  }
0xce: {  	v63 =	vor.u32 v12, v5;
	v48 =	vor.u32 v17, v36;
	v38 =	vld.idx.msk [tilespmem:v61+s13+$0x0], $0xffff  }
0xcf: {  	v50 =	vor.u32 v17, v34;
	[tilespmem:v8+s21+$0x0] =	vst.idx.msk $0xffff, v6  }
0xd0: {  	v8 =	vor.u32 v13, v2;
	v6 =	vld.idx.msk [tilespmem:v25+s13+$0x0], $0xffff  }
0xd1: {  	[tilespmem:v60+s21+$0x0] =	vst.idx.msk $0xffff, v59;
	v25 =	vor.u32 v16, v35  }
0xd2: {  	v49 =	vor.u32 v9, v4;
	v42 =	vld.idx.msk [tilespmem:v62+s13+$0x0], $0xffff;
	[tilespmem:v30+s21+$0x0] =	vst.idx.msk $0xffff, v7  }
0xd3: {  	v51 =	vor.u32 v21, v1;
	v30 =	vor.u32 v13, v3;
	[tilespmem:v63+s21+$0x0] =	vst.idx.msk $0xffff, v38;
	v7 =	vld.idx.msk [tilespmem:v48+s13+$0x0], $0xffff  }
0xd4: {  	v52 =	vor.u32 v13, v5;
	v53 =	vor.u32 v16, v36;
	v38 =	vld.idx.msk [tilespmem:v50+s13+$0x0], $0xffff  }
0xd5: {  	v55 =	vor.u32 v16, v34;
	[tilespmem:v8+s21+$0x0] =	vst.idx.msk $0xffff, v6  }
0xd6: {  	v8 =	vor.u32 v14, v2;
	v6 =	vld.idx.msk [tilespmem:v25+s13+$0x0], $0xffff  }
0xd7: {  	[tilespmem:v49+s21+$0x0] =	vst.idx.msk $0xffff, v42;
	v25 =	vor.u32 v18, v35  }
0xd8: {  	v46 =	vor.u32 v18, v34;
	v54 =	vor.u32 v10, v4;
	v43 =	vld.idx.msk [tilespmem:v51+s13+$0x0], $0xffff;
	[tilespmem:v30+s21+$0x0] =	vst.idx.msk $0xffff, v7  }
0xd9: {  	v58 =	vor.u32 v20, v1;
	v59 =	vor.u32 v14, v3;
	[tilespmem:v52+s21+$0x0] =	vst.idx.msk $0xffff, v38;
	v30 =	vld.idx.msk [tilespmem:v53+s13+$0x0], $0xffff  }
0xda: {  	v47 =	vor.u32 v12, v4;
	v61 =	vor.u32 v14, v5;
	v62 =	vor.u32 v18, v36;
	v60 =	vld.idx.msk [tilespmem:v55+s13+$0x0], $0xffff  }
0xdb: {  	v48 =	vor.u32 v11, v4;
	v49 =	vor.u32 v15, v2;
	v53 =	vor.u32 $0x10, v32;
	[tilespmem:v8+s21+$0x0] =	vst.idx.msk $0xffff, v6  }
0xdc: {  	v7 =	vor.u32 v17, v1;
	v39 =	vand.u32 $0x1F, v53;
	v6 =	vshll.u32 v53, $0x7;
	v25 =	vld.idx.msk [tilespmem:v25+s13+$0x0], $0xffff  }
0xdd: {  	v52 =	vor.u32 v19, v1;
	[tilespmem:v54+s21+$0x0] =	vst.idx.msk $0xffff, v43;
	v2 =	vand.u32 $0xC00, v6;
	v6 =	vor.u32 v24, v39  }
0xde: {  	v55 =	vor.u32 v15, v3;
	v63 =	vld.idx.msk [tilespmem:v58+s13+$0x0], $0xffff;
	[tilespmem:v59+s21+$0x0] =	vst.idx.msk $0xffff, v30;
	v30 =	vor.u32 $0x10, v33  }
0xdf: {  	v54 =	vor.u32 $0x10, v28;
	[tilespmem:v61+s21+$0x0] =	vst.idx.msk $0xffff, v60;
	v38 =	vld.idx.msk [tilespmem:v62+s13+$0x0], $0xffff;
	v8 =	vor.u32 v2, v23;
	v2 =	vand.u32 $0x1F, v30  }
0xe0: {  	v3 =	vand.u32 $0x1F, v54;
	v59 =	vor.u32 v15, v5;
	v58 =	vld.idx.msk [tilespmem:v46+s13+$0x0], $0xffff;
	v50 =	vor.u32 v24, v2  }
0xe1: {  	v60 =	vor.u32 v24, v3;
	v5 =	vshll.u32 v30, $0x7;
	v8 =	vor.u32 v57, v8;
	[tilespmem:v49+s21+$0x0] =	vst.idx.msk $0xffff, v25  }
0xe2: {  	v5 =	vand.u32 $0xC00, v5;
	v30 =	vshll.u32 v54, $0x7;
	v25 =	vor.u32 v27, v8;
	v6 =	vld.idx.msk [tilespmem:v6+s13+$0x0], $0xffff  }
0xe3: {  	v61 =	vor.u32 v22, v39;
	[tilespmem:v48+s21+$0x0] =	vst.idx.msk $0xffff, v63;
	v5 =	vor.u32 v5, v23;
	v30 =	vand.u32 $0xC00, v30  }
0xe4: {  	v45 =	vld.idx.msk [tilespmem:v52+s13+$0x0], $0xffff;
	v5 =	vor.u32 v56, v5;
	[tilespmem:v55+s21+$0x0] =	vst.idx.msk $0xffff, v38;
	v30 =	vor.u32 v30, v23  }
0xe5: {  	[tilespmem:v59+s21+$0x0] =	vst.idx.msk $0xffff, v58;
	v38 =	vor.u32 v41, v30;
	v30 =	vor.u32 v27, v5;
	v42 =	vld.idx.msk [tilespmem:v50+s13+$0x0], $0xffff  }
0xe6: {  	v63 =	vor.u32 v22, v2;
	v43 =	vld.idx.msk [tilespmem:v60+s13+$0x0], $0xffff;
	v62 =	vor.u32 v27, v38  }
0xe7: {  	v31 =	vmov v33;
	v33 =	vor.u32 v22, v3;
	[tilespmem:v25+s21+$0x0] =	vst.idx.msk $0xffff, v6  }
0xe8: {  	v25 =	vor.u32 v9, v8;
	v6 =	vld.idx.msk [tilespmem:v61+s13+$0x0], $0xffff  }
0xe9: {  	v49 =	vor.u32 v21, v39;
	[tilespmem:v47+s21+$0x0] =	vst.idx.msk $0xffff, v45  }
0xea: {  	v7 =	vld.idx.msk [tilespmem:v7+s13+$0x0], $0xffff;
	[tilespmem:v30+s21+$0x0] =	vst.idx.msk $0xffff, v42;
	v30 =	vor.u32 v13, v4  }
0xeb: {  	v51 =	vor.u32 v16, v1;
	v50 =	vor.u32 v9, v5;
	[tilespmem:v62+s21+$0x0] =	vst.idx.msk $0xffff, v43;
	v42 =	vld.idx.msk [tilespmem:v63+s13+$0x0], $0xffff  }
0xec: {  	v54 =	vor.u32 v21, v2;
	v53 =	vor.u32 v9, v38;
	v52 =	vld.idx.msk [tilespmem:v33+s13+$0x0], $0xffff  }
0xed: {  	s16 =	simm.s32 $0x4;
	[tilespmem:v25+s21+$0x0] =	vst.idx.msk $0xffff, v6;
	v6 =	vor.u32 v21, v3  }
0xee: {  	v0 =	vadd.s32 s16, v27;
	v55 =	vor.u32 v10, v8;
	v25 =	vld.idx.msk [tilespmem:v49+s13+$0x0], $0xffff  }
0xef: {  	v37 =	vor.u32 $0x20, v37;
	[tilespmem:v30+s21+$0x0] =	vst.idx.msk $0xffff, v7;
	v7 =	vor.u32 v20, v39;
	v30 =	vand.u32 $0xF, v0  }
0xf0: {  	v63 =	vor.u32 v14, v4;
	[tilespmem:v50+s21+$0x0] =	vst.idx.msk $0xffff, v42;
	v42 =	vld.idx.msk [tilespmem:v51+s13+$0x0], $0xffff;
	v62 =	vor.u32 v24, v30  }
0xf1: {  	v58 =	vor.u32 v10, v5;
	v33 =	vor.u32 v18, v1;
	[tilespmem:v53+s21+$0x0] =	vst.idx.msk $0xffff, v52;
	v45 =	vld.idx.msk [tilespmem:v54+s13+$0x0], $0xffff  }
0xf2: {  	v59 =	vor.u32 v10, v38;
	v1 =	vshll.u32 v0, $0x7;
	v61 =	vor.u32 v20, v2;
	v60 =	vld.idx.msk [tilespmem:v6+s13+$0x0], $0xffff  }
0xf3: {  	v4 =	vor.u32 v15, v4;
	v51 =	vor.u32 v20, v3;
	v6 =	vand.u32 $0x780, v1;
	[tilespmem:v55+s21+$0x0] =	vst.idx.msk $0xffff, v25  }
0xf4: {  	v52 =	vor.u32 v19, v39;
	v25 =	vor.u32 v11, v8;
	v6 =	vor.u32 v23, v6;
	v40 =	vld.idx.msk [tilespmem:v7+s13+$0x0], $0xffff  }
0xf5: {  	v43 =	vld.idx.msk [tilespmem:v62+s13+$0x0], $0xffff;
	[tilespmem:v63+s21+$0x0] =	vst.idx.msk $0xffff, v42;
	v63 =	vand.u32 $0x28, v37;
	v62 =	vor.u32 v27, v6;
	v7 =	vand.u32 $0x7, v29  }
0xf6: {  	v53 =	vor.u32 v22, v30;
	v46 =	vld.idx.msk [tilespmem:v33+s13+$0x0], $0xffff;
	[tilespmem:v58+s21+$0x0] =	vst.idx.msk $0xffff, v45;
	v7 =	vor.u32 v7, v63  }
0xf7: {  	v55 =	vor.u32 v11, v5;
	v33 =	vld.idx.msk [tilespmem:v61+s13+$0x0], $0xffff;
	v54 =	vor.u32 v24, v7;
	[tilespmem:v59+s21+$0x0] =	vst.idx.msk $0xffff, v60  }
0xf8: {  	v37 =	vshll.u32 v37, $0x7;
	v58 =	vor.u32 v11, v38;
	v59 =	vor.u32 v19, v2;
	v48 =	vld.idx.msk [tilespmem:v51+s13+$0x0], $0xffff  }
0xf9: {  	v37 =	vand.u32 $0x1400, v37;
	v61 =	vor.u32 v17, v39;
	[tilespmem:v25+s21+$0x0] =	vst.idx.msk $0xffff, v40;
	v25 =	vor.u32 v19, v3  }
0xfa: {  	v37 =	vor.u32 v37, v23;
	v40 =	vor.u32 v12, v8;
	[tilespmem:v62+s21+$0x0] =	vst.idx.msk $0xffff, v43;
	v60 =	vld.idx.msk [tilespmem:v52+s13+$0x0], $0xffff  }
0xfb: {  	[tilespmem:v4+s21+$0x0] =	vst.idx.msk $0xffff, v46;
	v62 =	vor.u32 v9, v6;
	v4 =	vor.u32 v26, v37;
	v43 =	vld.idx.msk [tilespmem:v53+s13+$0x0], $0xffff  }
0xfc: {  	v44 =	vor.u32 v21, v30;
	[tilespmem:v55+s21+$0x0] =	vst.idx.msk $0xffff, v33;
	v45 =	vor.u32 v27, v4;
	v37 =	vld.idx.msk [tilespmem:v54+s13+$0x0], $0xffff  }
0xfd: {  	v63 =	vor.u32 v22, v7;
	v33 =	vor.u32 v12, v5;
	v47 =	vld.idx.msk [tilespmem:v59+s13+$0x0], $0xffff;
	[tilespmem:v58+s21+$0x0] =	vst.idx.msk $0xffff, v48  }
0xfe: {  	v59 =	vor.u32 v17, v2;
	v58 =	vor.u32 v12, v38;
	v25 =	vld.idx.msk [tilespmem:v25+s13+$0x0], $0xffff  }
0xff: {  	v34 =	vor.u32 $0x20, v34;
	v36 =	vor.u32 $0x20, v36;
	[tilespmem:v40+s21+$0x0] =	vst.idx.msk $0xffff, v60;
	v60 =	vor.u32 v17, v3  }
0x100: {  	v46 =	vor.u32 v20, v30;
	[tilespmem:v62+s21+$0x0] =	vst.idx.msk $0xffff, v43;
	v42 =	vld.idx.msk [tilespmem:v61+s13+$0x0], $0xffff;
	v61 =	vor.u32 v13, v8  }
0x101: {  	v62 =	vor.u32 v16, v39;
	v44 =	vld.idx.msk [tilespmem:v44+s13+$0x0], $0xffff;
	[tilespmem:v45+s21+$0x0] =	vst.idx.msk $0xffff, v37;
	v37 =	vor.u32 v10, v6  }
0x102: {  	v55 =	vor.u32 v18, v3;
	v45 =	vld.idx.msk [tilespmem:v63+s13+$0x0], $0xffff;
	[tilespmem:v33+s21+$0x0] =	vst.idx.msk $0xffff, v47;
	v63 =	vor.u32 v9, v4  }
0x103: {  	v33 =	vor.u32 v21, v7;
	[tilespmem:v58+s21+$0x0] =	vst.idx.msk $0xffff, v25;
	v25 =	vld.idx.msk [tilespmem:v59+s13+$0x0], $0xffff;
	v58 =	vor.u32 v13, v5  }
0x104: {  	v39 =	vor.u32 v18, v39;
	v59 =	vor.u32 v13, v38;
	v40 =	vld.idx.msk [tilespmem:v60+s13+$0x0], $0xffff;
	v60 =	vor.u32 v16, v2  }
0x105: {  	v35 =	vor.u32 $0x20, v35;
	v47 =	vor.u32 v11, v6;
	[tilespmem:v61+s21+$0x0] =	vst.idx.msk $0xffff, v42;
	v61 =	vor.u32 v16, v3  }
0x106: {  	v42 =	vor.u32 v16, v30;
	[tilespmem:v37+s21+$0x0] =	vst.idx.msk $0xffff, v44;
	v43 =	vld.idx.msk [tilespmem:v62+s13+$0x0], $0xffff;
	v62 =	vor.u32 v14, v8  }
0x107: {  	v37 =	vor.u32 v17, v30;
	v44 =	vld.idx.msk [tilespmem:v46+s13+$0x0], $0xffff;
	v46 =	vor.u32 v19, v30;
	[tilespmem:v63+s21+$0x0] =	vst.idx.msk $0xffff, v45  }
0x108: {  	v45 =	vor.u32 v12, v6;
	v63 =	vor.u32 v10, v4;
	v48 =	vld.idx.msk [tilespmem:v33+s13+$0x0], $0xffff;
	[tilespmem:v58+s21+$0x0] =	vst.idx.msk $0xffff, v25  }
0x109: {  	v8 =	vor.u32 v15, v8;
	[tilespmem:v59+s21+$0x0] =	vst.idx.msk $0xffff, v40;
	v58 =	vld.idx.msk [tilespmem:v60+s13+$0x0], $0xffff;
	v60 =	vor.u32 v14, v5  }
0x10a: {  	v25 =	vor.u32 v19, v7;
	v59 =	vor.u32 v20, v7;
	v51 =	vld.idx.msk [tilespmem:v61+s13+$0x0], $0xffff;
	v61 =	vor.u32 v14, v38  }
0x10b: {  	v54 =	vand.u32 $0x7, v32;
	v38 =	vor.u32 v15, v38;
	[tilespmem:v62+s21+$0x0] =	vst.idx.msk $0xffff, v43;
	v62 =	vor.u32 v18, v2  }
0x10c: {  	v3 =	vshll.u32 v35, $0x7;
	v2 =	vand.u32 $0x28, v35;
	[tilespmem:v47+s21+$0x0] =	vst.idx.msk $0xffff, v44;
	v44 =	vor.u32 v11, v4;
	v39 =	vld.idx.msk [tilespmem:v39+s13+$0x0], $0xffff  }
0x10d: {  	v3 =	vand.u32 $0x1400, v3;
	v33 =	vor.u32 v54, v2;
	v35 =	vld.idx.msk [tilespmem:v46+s13+$0x0], $0xffff;
	[tilespmem:v63+s21+$0x0] =	vst.idx.msk $0xffff, v48;
	v63 =	vand.u32 $0x7, v31  }
0x10e: {  	v54 =	vand.u32 $0x28, v36;
	v2 =	vor.u32 v13, v6;
	v46 =	vor.u32 v24, v33;
	[tilespmem:v60+s21+$0x0] =	vst.idx.msk $0xffff, v58  }
0x10f: {  	v47 =	vld.idx.msk [tilespmem:v59+s13+$0x0], $0xffff;
	v58 =	vor.u32 v3, v23;
	v3 =	vor.u32 v63, v54;
	[tilespmem:v61+s21+$0x0] =	vst.idx.msk $0xffff, v51  }
0x110: {  	v59 =	vand.u32 $0x7, v28;
	v60 =	vand.u32 $0x28, v34;
	v61 =	vor.u32 v15, v5;
	v40 =	vld.idx.msk [tilespmem:v62+s13+$0x0], $0xffff;
	[tilespmem:$0x1FF00] =	vst v28  }
0x111: {  	v54 =	vshll.u32 v36, $0x7;
	v34 =	vshll.u32 v34, $0x7;
	v51 =	vor.u32 v59, v60;
	[tilespmem:v8+s21+$0x0] =	vst.idx.msk $0xffff, v39;
	v8 =	vld.idx.msk [tilespmem:v55+s13+$0x0], $0xffff  }
0x112: {  	v5 =	vor.u32 v57, v58;
	v58 =	vor.u32 v12, v4;
	v62 =	vor.u32 v24, v3  }
0x113: {  	v63 =	vor.u32 v24, v51;
	[tilespmem:v45+s21+$0x0] =	vst.idx.msk $0xffff, v35;
	v55 =	vor.u32 v27, v5;
	v46 =	vld.idx.msk [tilespmem:v46+s13+$0x0], $0xffff  }
0x114: {  	v28 =	vmov v57;
	v57 =	vor.u32 v22, v33;
	v35 =	vand.u32 $0x1400, v54;
	v37 =	vld.idx.msk [tilespmem:v37+s13+$0x0], $0xffff;
	[tilespmem:v44+s21+$0x0] =	vst.idx.msk $0xffff, v47  }
0x115: {  	v34 =	vand.u32 $0x1400, v34;
	v60 =	vor.u32 v17, v7;
	v35 =	vor.u32 v35, v23;
	[tilespmem:v61+s21+$0x0] =	vst.idx.msk $0xffff, v40  }
0x116: {  	v49 =	vor.u32 v56, v35;
	v25 =	vld.idx.msk [tilespmem:v25+s13+$0x0], $0xffff;
	[tilespmem:v38+s21+$0x0] =	vst.idx.msk $0xffff, v8;
	v8 =	vor.u32 v34, v23  }
0x117: {  	v59 =	vld.idx.msk [tilespmem:v62+s13+$0x0], $0xffff;
	[tilespmem:$0x1FF10] =	vst v41;
	v48 =	vor.u32 v41, v8;
	v8 =	vor.u32 v27, v49  }
0x118: {  	v62 =	vor.u32 v22, v3;
	v38 =	vld.idx.msk [tilespmem:v63+s13+$0x0], $0xffff;
	v61 =	vor.u32 v27, v48;
	[tilespmem:v55+s21+$0x0] =	vst.idx.msk $0xffff, v46  }
0x119: {  	v50 =	vor.u32 v9, v5;
	v63 =	vor.u32 v22, v51;
	[tilespmem:v2+s21+$0x0] =	vst.idx.msk $0xffff, v37;
	v44 =	vld.idx.msk [tilespmem:v57+s13+$0x0], $0xffff  }
0x11a: {  	v52 =	vor.u32 v14, v6;
	v2 =	vor.u32 v21, v33;
	v42 =	vld.idx.msk [tilespmem:v42+s13+$0x0], $0xffff  }
0x11b: {  	[tilespmem:v58+s21+$0x0] =	vst.idx.msk $0xffff, v25;
	v25 =	vor.u32 v18, v30  }
0x11c: {  	v35 =	vld.idx.msk [tilespmem:v60+s13+$0x0], $0xffff;
	[tilespmem:v8+s21+$0x0] =	vst.idx.msk $0xffff, v59;
	v8 =	vor.u32 v13, v4  }
0x11d: {  	v29 =	vor.u32 $0x30, v29;
	v43 =	vmov v56;
	v53 =	vor.u32 v9, v49;
	[tilespmem:v61+s21+$0x0] =	vst.idx.msk $0xffff, v38;
	v34 =	vld.idx.msk [tilespmem:v62+s13+$0x0], $0xffff  }
0x11e: {  	v6 =	vor.u32 v15, v6;
	v55 =	vor.u32 v9, v48;
	v36 =	vld.idx.msk [tilespmem:v63+s13+$0x0], $0xffff;
	[tilespmem:v50+s21+$0x0] =	vst.idx.msk $0xffff, v44  }
0x11f: {  	v54 =	vor.u32 v16, v7;
	v7 =	vor.u32 v18, v7;
	[tilespmem:v52+s21+$0x0] =	vst.idx.msk $0xffff, v42;
	v2 =	vld.idx.msk [tilespmem:v2+s13+$0x0], $0xffff  }
0x120: {  	v56 =	vor.u32 v21, v3;
	v57 =	vor.u32 v21, v51;
	v59 =	vor.u32 $0x10, v0;
	v25 =	vld.idx.msk [tilespmem:v25+s13+$0x0], $0xffff;
	[tilespmem:$0x1FF20] =	vst v0  }
0x121: {  	v58 =	vor.u32 v10, v5;
	v39 =	vand.u32 $0x1F, v59;
	v61 =	vor.u32 v14, v4;
	[tilespmem:v8+s21+$0x0] =	vst.idx.msk $0xffff, v35  }
0x122: {  	v4 =	vor.u32 v15, v4;
	v60 =	vor.u32 v24, v39;
	v35 =	vand.u32 $0x3F, v29;
	[tilespmem:v53+s21+$0x0] =	vst.idx.msk $0xffff, v34  }
0x123: {  	v63 =	vor.u32 v10, v49;
	v0 =	vor.u32 v18, v35;
	[tilespmem:v55+s21+$0x0] =	vst.idx.msk $0xffff, v36  }
0x124: {  	v52 =	vshll.u32 v59, $0x7;
	v8 =	vor.u32 v20, v33;
	v47 =	vld.idx.msk [tilespmem:v54+s13+$0x0], $0xffff;
	v53 =	vor.u32 v10, v48;
	[tilespmem:$0x1FF30] =	vst v0  }
0x125: {  	v54 =	vor.u32 v20, v3;
	v45 =	vor.u32 v19, v35;
	v0 =	vor.u32 v16, v35;
	v62 =	vld.idx.msk [tilespmem:v56+s13+$0x0], $0xffff  }
0x126: {  	v34 =	vor.u32 v12, v49;
	v55 =	vand.u32 $0xC00, v52;
	v52 =	vor.u32 v21, v35;
	v44 =	vld.idx.msk [tilespmem:v57+s13+$0x0], $0xffff;
	[tilespmem:$0x1FF40] =	vst v0  }
0x127: {  	v56 =	vor.u32 v20, v51;
	v0 =	vand.u32 $0x380, v1;
	v1 =	vor.u32 v55, v23;
	[tilespmem:v58+s21+$0x0] =	vst.idx.msk $0xffff, v2  }
0x128: {  	v55 =	vor.u32 v12, v48;
	[tilespmem:v6+s21+$0x0] =	vst.idx.msk $0xffff, v25;
	v6 =	vor.u32 v11, v5  }
0x129: {  	v40 =	vor.u32 v0, v1;
	v25 =	vor.u32 v19, v33;
	v8 =	vld.idx.msk [tilespmem:v8+s13+$0x0], $0xffff;
	[tilespmem:$0x1FF50] =	vst v0  }
0x12a: {  	v58 =	vor.u32 v22, v39;
	v0 =	vor.u32 v17, v35;
	v1 =	vld.idx.msk [tilespmem:v60+s13+$0x0], $0xffff;
	[tilespmem:v61+s21+$0x0] =	vst.idx.msk $0xffff, v47  }
0x12b: {  	v2 =	vor.u32 v14, v5;
	v57 =	vor.u32 v27, v40;
	v7 =	vld.idx.msk [tilespmem:v7+s13+$0x0], $0xffff;
	[tilespmem:$0x1FF60] =	vst v0  }
0x12c: {  	v29 =	vshll.u32 v29, $0x7;
	v60 =	vor.u32 v11, v49;
	v61 =	vor.u32 v24, v35;
	[tilespmem:v63+s21+$0x0] =	vst.idx.msk $0xffff, v62  }
0x12d: {  	v47 =	vor.u32 v20, v35;
	v0 =	vor.u32 v17, v39;
	[tilespmem:v53+s21+$0x0] =	vst.idx.msk $0xffff, v44;
	v59 =	vld.idx.msk [tilespmem:v54+s13+$0x0], $0xffff  }
0x12e: {  	v62 =	vor.u32 v19, v3;
	v63 =	vor.u32 v11, v48;
	v44 =	vor.u32 v17, v3  }
0x12f: {  	v53 =	vor.u32 v21, v39;
	v42 =	vld.idx.msk [tilespmem:v56+s13+$0x0], $0xffff;
	[tilespmem:v6+s21+$0x0] =	vst.idx.msk $0xffff, v8;
	v6 =	vor.u32 v19, v51  }
0x130: {  	v8 =	vld.idx.msk [tilespmem:v25+s13+$0x0], $0xffff;
	[tilespmem:v57+s21+$0x0] =	vst.idx.msk $0xffff, v1;
	v1 =	vand.u32 $0x1C00, v29;
	v29 =	vor.u32 v12, v5  }
0x131: {  	v56 =	vor.u32 v13, v5;
	[tilespmem:v4+s21+$0x0] =	vst.idx.msk $0xffff, v7;
	v4 =	vor.u32 v17, v33  }
0x132: {  	v1 =	vor.u32 v1, v23;
	v7 =	vor.u32 v9, v40;
	v41 =	vld.idx.msk [tilespmem:v58+s13+$0x0], $0xffff;
	[tilespmem:v60+s21+$0x0] =	vst.idx.msk $0xffff, v59  }
0x133: {  	v25 =	vor.u32 v22, v35;
	v38 =	vor.u32 v26, v1;
	v1 =	vld.idx.msk [tilespmem:v62+s13+$0x0], $0xffff;
	[tilespmem:$0x1FF70] =	vst v0  }
0x134: {  	v57 =	vor.u32 v16, v33;
	v36 =	vor.u32 v27, v38;
	v54 =	vld.idx.msk [tilespmem:v61+s13+$0x0], $0xffff;
	[tilespmem:v63+s21+$0x0] =	vst.idx.msk $0xffff, v42  }
0x135: {  	s17 =	simm.s32 $0x7;
	v58 =	vor.u32 v20, v39;
	v37 =	vor.u32 v9, v38;
	[tilespmem:v29+s21+$0x0] =	vst.idx.msk $0xffff, v8;
	v6 =	vld.idx.msk [tilespmem:v6+s13+$0x0], $0xffff  }
0x136: {  	v50 =	vor.u32 v10, v38;
	v60 =	vor.u32 v10, v40;
	v0 =	vadd.s32 s17, v27;
	v4 =	vld.idx.msk [tilespmem:v4+s13+$0x0], $0xffff  }
0x137: {  	v59 =	vor.u32 v13, v49;
	v29 =	vor.u32 v17, v51;
	v42 =	vand.u32 $0xF, v0;
	[tilespmem:v7+s21+$0x0] =	vst.idx.msk $0xffff, v41  }
0x138: {  	v62 =	vor.u32 v16, v51;
	v26 =	vmov v0;
	v8 =	vor.u32 v22, v42;
	[tilespmem:v34+s21+$0x0] =	vst.idx.msk $0xffff, v1  }
0x139: {  	v63 =	vshll.u32 v0, $0x7;
	v7 =	vor.u32 v21, v42;
	v41 =	vld.idx.msk [tilespmem:v53+s13+$0x0], $0xffff;
	v1 =	vor.u32 $0x30, v32;
	[tilespmem:v36+s21+$0x0] =	vst.idx.msk $0xffff, v54  }
0x13a: {  	v0 =	vand.u32 $0x380, v63;
	v34 =	vld.idx.msk [tilespmem:v44+s13+$0x0], $0xffff;
	v36 =	vand.u32 $0x3F, v1;
	v44 =	vor.u32 v13, v48;
	[tilespmem:v55+s21+$0x0] =	vst.idx.msk $0xffff, v6  }
0x13b: {  	v1 =	vshll.u32 v1, $0x7;
	v6 =	vor.u32 v24, v42;
	[tilespmem:v56+s21+$0x0] =	vst.idx.msk $0xffff, v4;
	v4 =	vor.u32 v16, v3  }
0x13c: {  	v1 =	vand.u32 $0x1C00, v1;
	v55 =	vor.u32 v22, v36;
	v54 =	vld.idx.msk [tilespmem:v29+s13+$0x0], $0xffff;
	v29 =	vand.u32 $0x400, v63  }
0x13d: {  	v3 =	vor.u32 v18, v3;
	v61 =	vld.idx.msk [tilespmem:v57+s13+$0x0], $0xffff;
	v1 =	vor.u32 v1, v23;
	v29 =	vor.u32 v29, v23  }
0x13e: {  	v46 =	vmovc v0;
	v35 =	vor.u32 v28, v1;
	v1 =	vor.u32 v14, v49;
	v56 =	vor.u32 v0, v29  }
0x13f: {  	s18 =	simm.s32 $0x6;
	v63 =	vld.idx.msk [tilespmem:v25+s13+$0x0], $0xffff;
	v57 =	vor.u32 v27, v35;
	[tilespmem:v59+s21+$0x0] =	vst.idx.msk $0xffff, v34;
	v34 =	vor.u32 v18, v33  }
0x140: {  	[tilespmem:v60+s21+$0x0] =	vst.idx.msk $0xffff, v41;
	v0 =	vadd.s32 s18, v27;
	v59 =	vor.u32 v24, v36;
	v25 =	vor.u32 v9, v56  }
0x141: {  	v29 =	vor.u32 v27, v56;
	v60 =	vshll.u32 v0, $0x7;
	v53 =	vld.idx.msk [tilespmem:v6+s13+$0x0], $0xffff;
	[tilespmem:v44+s21+$0x0] =	vst.idx.msk $0xffff, v54  }
0x142: {  	v6 =	vor.u32 v14, v48;
	[tilespmem:v2+s21+$0x0] =	vst.idx.msk $0xffff, v61;
	v61 =	vor.u32 v15, v5;
	v5 =	vld.idx.msk [tilespmem:v4+s13+$0x0], $0xffff  }
0x143: {  	v54 =	vor.u32 $0x30, v31;
	v44 =	vand.u32 $0xF, v0;
	v31 =	vmovc v0;
	v2 =	vor.u32 v18, v51;
	v4 =	vld.idx.msk [tilespmem:v62+s13+$0x0], $0xffff  }
0x144: {  	s14 =	simm.s32 $0x5;
	s10 =	simm.s32 $0x8;
	[tilespmem:v37+s21+$0x0] =	vst.idx.msk $0xffff, v63;
	v41 =	vand.u32 $0x3F, v54;
	v63 =	vshll.u32 v54, $0x7;
	v62 =	vld.idx.msk [tilespmem:v34+s13+$0x0], $0xffff;
	v34 =	vor.u32 v22, v44  }
.LBB2_7:
0x145: {  	v54 =	vld.idx.msk [tilespmem:v58+s13+$0x0], $0xffff  }
0x146: {  	v33 =	vlaneseq.u32;
	v37 =	vand.u32 $0x400, v60;
	v0 =	vld.idx.msk [tilespmem:v52+s13+$0x0], $0xffff  }
0x147: {  	v60 =	vand.u32 $0x380, v60;
	v27 =	vld [tilespmem:$0x1FF00];
	v58 =	vadd.s32 s14, v33;
	[tilespmem:v29+s21+$0x0] =	vst.idx.msk $0xffff, v53;
	v29 =	vor.u32 v24, v44  }
0x148: {  	v49 =	vor.u32 v15, v49;
	v51 =	vand.u32 $0xF, v58;
	v32 =	vmov v58;
	[tilespmem:v1+s21+$0x0] =	vst.idx.msk $0xffff, v5;
	v8 =	vld.idx.msk [tilespmem:v8+s13+$0x0], $0xffff  }
0x149: {  	v1 =	vand.u32 $0x1C00, v63;
	v5 =	vor.u32 v24, v51;
	v52 =	vshll.u32 v32, $0x7;
	[tilespmem:v6+s21+$0x0] =	vst.idx.msk $0xffff, v4;
	v3 =	vld.idx.msk [tilespmem:v3+s13+$0x0], $0xffff  }
0x14a: {  	v63 =	vor.u32 v15, v48;
	v6 =	vor.u32 v37, v23;
	[tilespmem:v61+s21+$0x0] =	vst.idx.msk $0xffff, v62;
	v2 =	vld.idx.msk [tilespmem:v2+s13+$0x0], $0xffff  }
0x14b: {  	v4 =	vor.u32 v24, v41;
	v48 =	vand.u32 $0x400, v52;
	v59 =	vld.idx.msk [tilespmem:v59+s13+$0x0], $0xffff;
	v58 =	vor.u32 v60, v6  }
0x14c: {  	v62 =	vor.u32 v1, v23;
	v37 =	vor.u32 $0x30, v27;
	v6 =	vor.u32 v33, v58;
	v29 =	vld.idx.msk [tilespmem:v29+s13+$0x0], $0xffff  }
0x14d: {  	v1 =	vand.u32 $0x380, v52;
	v48 =	vor.u32 v48, v23;
	v53 =	vand.u32 $0x3F, v37;
	[tilespmem:v25+s21+$0x0] =	vst.idx.msk $0xffff, v8;
	v25 =	vld [tilespmem:$0x1FF10]  }
0x14e: {  	v52 =	vor.u32 v1, v48;
	v37 =	vshll.u32 v37, $0x7;
	v61 =	vor.u32 v24, v53  }
0x14f: {  	v48 =	vor.u32 v43, v62;
	v27 =	vor.u32 v33, v52;
	v5 =	vld.idx.msk [tilespmem:v5+s13+$0x0], $0xffff;
	[tilespmem:v49+s21+$0x0] =	vst.idx.msk $0xffff, v3  }
0x150: {  	v37 =	vand.u32 $0x1C00, v37;
	v3 =	vor.u32 v22, v51;
	[tilespmem:v63+s21+$0x0] =	vst.idx.msk $0xffff, v2;
	v4 =	vld.idx.msk [tilespmem:v4+s13+$0x0], $0xffff  }
0x151: {  	v2 =	vor.u32 v37, v23;
	v7 =	vld.idx.msk [tilespmem:v7+s13+$0x0], $0xffff;
	[tilespmem:v6+s21+$0x0] =	vst.idx.msk $0xffff, v29;
	v6 =	vor.u32 v10, v56  }
0x152: {  	v49 =	vor.u32 v25, v2;
	v2 =	vor.u32 v33, v48  }
0x153: {  	v28 =	vor.u32 v22, v41;
	[tilespmem:v57+s21+$0x0] =	vst.idx.msk $0xffff, v59;
	v8 =	vld.idx.msk [tilespmem:v61+s13+$0x0], $0xffff;
	v25 =	vor.u32 v33, v49  }
0x154: {  	v63 =	vor.u32 v9, v58;
	[tilespmem:v27+s21+$0x0] =	vst.idx.msk $0xffff, v5;
	v27 =	vor.u32 v20, v42;
	v5 =	vld.idx.msk [tilespmem:v34+s13+$0x0], $0xffff  }
0x155: {  	[tilespmem:v50+s21+$0x0] =	vst.idx.msk $0xffff, v0;
	v37 =	vld.idx.msk [tilespmem:v55+s13+$0x0], $0xffff;
	v29 =	vor.u32 v22, v53;
	v34 =	vor.u32 v9, v35  }
0x156: {  	v43 =	vor.u32 v9, v52;
	v3 =	vld.idx.msk [tilespmem:v3+s13+$0x0], $0xffff;
	[tilespmem:v6+s21+$0x0] =	vst.idx.msk $0xffff, v7  }
0x157: {  	v0 =	vor.u32 v21, v36;
	v62 =	vld.idx.msk [tilespmem:v47+s13+$0x0], $0xffff;
	[tilespmem:v2+s21+$0x0] =	vst.idx.msk $0xffff, v4;
	v4 =	vor.u32 v11, v38  }
0x158: {  	v61 =	vor.u32 v21, v44;
	v7 =	vor.u32 v9, v48;
	[tilespmem:v25+s21+$0x0] =	vst.idx.msk $0xffff, v8;
	v8 =	vld.idx.msk [tilespmem:v28+s13+$0x0], $0xffff  }
0x159: {  	v2 =	vor.u32 v21, v51;
	v25 =	vld.idx.msk [tilespmem:v27+s13+$0x0], $0xffff;
	[tilespmem:v63+s21+$0x0] =	vst.idx.msk $0xffff, v5;
	v5 =	vor.u32 v11, v56  }
0x15a: {  	v27 =	vor.u32 v9, v49;
	v28 =	vor.u32 v21, v41;
	[tilespmem:v34+s21+$0x0] =	vst.idx.msk $0xffff, v37;
	v6 =	vld.idx.msk [tilespmem:v29+s13+$0x0], $0xffff  }
0x15b: {  	v34 =	vor.u32 v19, v42;
	[tilespmem:v43+s21+$0x0] =	vst.idx.msk $0xffff, v3  }
0x15c: {  	v63 =	vor.u32 v10, v35;
	v29 =	vor.u32 v21, v53;
	v0 =	vld.idx.msk [tilespmem:v0+s13+$0x0], $0xffff;
	[tilespmem:v4+s21+$0x0] =	vst.idx.msk $0xffff, v62  }
0x15d: {  	v3 =	vld.idx.msk [tilespmem:v61+s13+$0x0], $0xffff;
	v43 =	vor.u32 v10, v58;
	v4 =	vor.u32 v20, v36;
	[tilespmem:v7+s21+$0x0] =	vst.idx.msk $0xffff, v8  }
0x15e: {  	v61 =	vor.u32 v10, v52;
	v50 =	vld.idx.msk [tilespmem:v2+s13+$0x0], $0xffff;
	v62 =	vor.u32 v20, v44;
	[tilespmem:v5+s21+$0x0] =	vst.idx.msk $0xffff, v25  }
0x15f: {  	v7 =	vor.u32 v20, v51;
	[tilespmem:v27+s21+$0x0] =	vst.idx.msk $0xffff, v6;
	v6 =	vld.idx.msk [tilespmem:v28+s13+$0x0], $0xffff  }
0x160: {  	v25 =	vor.u32 v10, v48;
	v27 =	vld.idx.msk [tilespmem:v34+s13+$0x0], $0xffff  }
0x161: {  	[tilespmem:v63+s21+$0x0] =	vst.idx.msk $0xffff, v0;
	v0 =	vor.u32 v12, v56;
	v5 =	vld.idx.msk [tilespmem:v29+s13+$0x0], $0xffff  }
0x162: {  	v28 =	vor.u32 v10, v49;
	[tilespmem:v43+s21+$0x0] =	vst.idx.msk $0xffff, v3;
	v29 =	vor.u32 v20, v41;
	v4 =	vld.idx.msk [tilespmem:v4+s13+$0x0], $0xffff  }
0x163: {  	v37 =	vor.u32 v17, v42;
	[tilespmem:v61+s21+$0x0] =	vst.idx.msk $0xffff, v50;
	v34 =	vld.idx.msk [tilespmem:v62+s13+$0x0], $0xffff  }
0x164: {  	v3 =	vor.u32 v20, v53;
	v63 =	vor.u32 v11, v52;
	v7 =	vld.idx.msk [tilespmem:v7+s13+$0x0], $0xffff  }
0x165: {  	v50 =	vor.u32 v11, v35;
	v62 =	vld [tilespmem:$0x1FF60];
	[tilespmem:v25+s21+$0x0] =	vst.idx.msk $0xffff, v6;
	v6 =	vor.u32 v19, v51  }
0x166: {  	v45 =	vld.idx.msk [tilespmem:v45+s13+$0x0], $0xffff;
	v8 =	vor.u32 v12, v38;
	[tilespmem:v0+s21+$0x0] =	vst.idx.msk $0xffff, v27  }
0x167: {  	[tilespmem:v28+s21+$0x0] =	vst.idx.msk $0xffff, v5;
	v5 =	vld.idx.msk [tilespmem:v29+s13+$0x0], $0xffff  }
0x168: {  	v55 =	vor.u32 v11, v58;
	v28 =	vld.idx.msk [tilespmem:v37+s13+$0x0], $0xffff  }
0x169: {  	v3 =	vld.idx.msk [tilespmem:v3+s13+$0x0], $0xffff;
	[tilespmem:v63+s21+$0x0] =	vst.idx.msk $0xffff, v7  }
0x16a: {  	v61 =	vor.u32 v19, v44;
	v27 =	vor.u32 v11, v48;
	[tilespmem:v50+s21+$0x0] =	vst.idx.msk $0xffff, v4;
	v50 =	vld.idx.msk [tilespmem:v6+s13+$0x0], $0xffff  }
0x16b: {  	[tilespmem:v8+s21+$0x0] =	vst.idx.msk $0xffff, v45;
	v8 =	vor.u32 v19, v36;
	v29 =	vor.u32 v11, v49;
	v6 =	vld [tilespmem:$0x1FF40]  }
0x16c: {  	v37 =	vor.u32 v19, v41;
	v4 =	vor.u32 v13, v56  }
0x16d: {  	v25 =	vor.u32 v13, v38;
	[tilespmem:v55+s21+$0x0] =	vst.idx.msk $0xffff, v34;
	v34 =	vor.u32 v19, v53;
	v43 =	vld.idx.msk [tilespmem:v62+s13+$0x0], $0xffff  }
0x16e: {  	v2 =	vor.u32 v15, v38;
	v0 =	vor.u32 v14, v38  }
0x16f: {  	v38 =	vor.u32 v16, v42;
	v55 =	vor.u32 v12, v58;
	v7 =	vld.idx.msk [tilespmem:v61+s13+$0x0], $0xffff;
	[tilespmem:v27+s21+$0x0] =	vst.idx.msk $0xffff, v5  }
0x170: {  	v45 =	vor.u32 v12, v35;
	v8 =	vld.idx.msk [tilespmem:v8+s13+$0x0], $0xffff;
	v61 =	vor.u32 v17, v44;
	[tilespmem:v29+s21+$0x0] =	vst.idx.msk $0xffff, v3  }
0x171: {  	v63 =	vor.u32 v12, v52;
	v3 =	vld.idx.msk [tilespmem:v37+s13+$0x0], $0xffff;
	[tilespmem:v4+s21+$0x0] =	vst.idx.msk $0xffff, v28  }
0x172: {  	v4 =	vld.idx.msk [tilespmem:v34+s13+$0x0], $0xffff;
	v28 =	vor.u32 v12, v48;
	[tilespmem:v25+s21+$0x0] =	vst.idx.msk $0xffff, v43;
	v25 =	vor.u32 v17, v36  }
0x173: {  	v5 =	vor.u32 v17, v51;
	v62 =	vld.idx.msk [tilespmem:v6+s13+$0x0], $0xffff  }
0x174: {  	v37 =	vor.u32 v17, v41;
	v34 =	vor.u32 v12, v49;
	v29 =	vld.idx.msk [tilespmem:v38+s13+$0x0], $0xffff;
	[tilespmem:v55+s21+$0x0] =	vst.idx.msk $0xffff, v7  }
0x175: {  	[tilespmem:v45+s21+$0x0] =	vst.idx.msk $0xffff, v8;
	v7 =	vor.u32 v14, v56;
	v8 =	vor.u32 v17, v53;
	v38 =	vld.idx.msk [tilespmem:v61+s13+$0x0], $0xffff  }
0x176: {  	v57 =	vor.u32 v16, v44;
	[tilespmem:v63+s21+$0x0] =	vst.idx.msk $0xffff, v50;
	v50 =	vor.u32 v13, v58;
	v63 =	vld [tilespmem:$0x1FF30]  }
0x177: {  	v45 =	vor.u32 v13, v35;
	v43 =	vor.u32 v18, v42;
	[tilespmem:v28+s21+$0x0] =	vst.idx.msk $0xffff, v3;
	v25 =	vld.idx.msk [tilespmem:v25+s13+$0x0], $0xffff  }
0x178: {  	v55 =	vor.u32 v13, v52;
	v5 =	vld.idx.msk [tilespmem:v5+s13+$0x0], $0xffff;
	[tilespmem:v0+s21+$0x0] =	vst.idx.msk $0xffff, v62;
	v0 =	vor.u32 v16, v36  }
0x179: {  	v27 =	vor.u32 v11, v40;
	v61 =	vor.u32 $0x10, v26;
	[tilespmem:v34+s21+$0x0] =	vst.idx.msk $0xffff, v4;
	v4 =	vld.idx.msk [tilespmem:v37+s13+$0x0], $0xffff  }
0x17a: {  	v3 =	vor.u32 v16, v51;
	[tilespmem:v7+s21+$0x0] =	vst.idx.msk $0xffff, v29;
	v7 =	vld.idx.msk [tilespmem:v8+s13+$0x0], $0xffff;
	v8 =	vor.u32 v13, v48  }
0x17b: {  	v34 =	vand.u32 $0x1F, v61;
	v37 =	vor.u32 v16, v41;
	[tilespmem:v50+s21+$0x0] =	vst.idx.msk $0xffff, v38;
	v29 =	vor.u32 v13, v49  }
0x17c: {  	v62 =	vmov v60;
	v60 =	vmov v1;
	v1 =	vld.idx.msk [tilespmem:v43+s13+$0x0], $0xffff;
	[tilespmem:v45+s21+$0x0] =	vst.idx.msk $0xffff, v25;
	v25 =	vor.u32 v15, v56  }
0x17d: {  	[tilespmem:v55+s21+$0x0] =	vst.idx.msk $0xffff, v5;
	v43 =	vor.u32 v24, v34;
	v45 =	vor.u32 v14, v35;
	v0 =	vld.idx.msk [tilespmem:v0+s13+$0x0], $0xffff  }
0x17e: {  	v36 =	vor.u32 v18, v36;
	v59 =	vld.idx.msk [tilespmem:v63+s13+$0x0], $0xffff;
	[tilespmem:v27+s21+$0x0] =	vst.idx.msk $0xffff, v54  }
0x17f: {  	v61 =	vshll.u32 v61, $0x7;
	v5 =	vld.idx.msk [tilespmem:v57+s13+$0x0], $0xffff;
	[tilespmem:v8+s21+$0x0] =	vst.idx.msk $0xffff, v4  }
0x180: {  	v3 =	vld.idx.msk [tilespmem:v3+s13+$0x0], $0xffff;
	v8 =	vand.u32 $0xC00, v61;
	[tilespmem:v29+s21+$0x0] =	vst.idx.msk $0xffff, v7  }
0x181: {  	v27 =	vor.u32 v14, v58;
	v7 =	vld.idx.msk [tilespmem:v37+s13+$0x0], $0xffff;
	[tilespmem:v25+s21+$0x0] =	vst.idx.msk $0xffff, v1;
	v1 =	vor.u32 v8, v23  }
0x182: {  	v38 =	vor.u32 v16, v53;
	v29 =	vld.idx.msk [tilespmem:v43+s13+$0x0], $0xffff;
	v37 =	vor.u32 v46, v1;
	[tilespmem:v45+s21+$0x0] =	vst.idx.msk $0xffff, v0  }
0x183: {  	v47 =	vor.u32 v19, v39;
	v1 =	vld.idx.msk [tilespmem:v36+s13+$0x0], $0xffff;
	v36 =	vor.u32 v33, v37  }
0x184: {  	v50 =	vor.u32 v14, v52;
	v57 =	vor.u32 v18, v44  }
0x185: {  	v4 =	vor.u32 v18, v51  }
0x186: {  	[tilespmem:v27+s21+$0x0] =	vst.idx.msk $0xffff, v5;
	v25 =	vor.u32 v14, v48  }
0x187: {  	v41 =	vor.u32 v18, v41;
	[tilespmem:v2+s21+$0x0] =	vst.idx.msk $0xffff, v59;
	v8 =	vld.idx.msk [tilespmem:v38+s13+$0x0], $0xffff;
	v38 =	vor.u32 v14, v49  }
0x188: {  	v6 =	vor.u32 v12, v40;
	[tilespmem:v36+s21+$0x0] =	vst.idx.msk $0xffff, v29;
	v29 =	vor.u32 v15, v49;
	v49 =	vld.idx.msk [tilespmem:v47+s13+$0x0], $0xffff  }
0x189: {  	v56 =	vor.u32 $0x10, v32;
	v27 =	vor.u32 $0x10, v31;
	[tilespmem:v50+s21+$0x0] =	vst.idx.msk $0xffff, v3;
	v3 =	vld.idx.msk [tilespmem:v57+s13+$0x0], $0xffff;
	v57 =	vor.u32 v15, v58  }
0x18a: {  	v2 =	vor.u32 v15, v52;
	v5 =	vand.u32 $0x1F, v27;
	v43 =	vld.idx.msk [tilespmem:v4+s13+$0x0], $0xffff;
	v0 =	vor.u32 v18, v53  }
0x18b: {  	v27 =	vshll.u32 v27, $0x7;
	v58 =	vor.u32 v24, v5;
	v4 =	vand.u32 $0x1F, v56;
	[tilespmem:v25+s21+$0x0] =	vst.idx.msk $0xffff, v7  }
0x18c: {  	v7 =	vor.u32 v24, v4;
	[tilespmem:v38+s21+$0x0] =	vst.idx.msk $0xffff, v8;
	v25 =	vor.u32 v15, v35;
	v8 =	vld.idx.msk [tilespmem:v41+s13+$0x0], $0xffff  }
0x18d: {  	v61 =	vmovc v46;
	v27 =	vand.u32 $0xC00, v27;
	v46 =	vor.u32 v15, v48;
	v48 =	vshll.u32 v56, $0x7;
	[tilespmem:v6+s21+$0x0] =	vst.idx.msk $0xffff, v49;
	v6 =	vld [tilespmem:$0x1FF70]  }
0x18e: {  	v59 =	vor.u32 v22, v34;
	v41 =	vand.u32 $0xC00, v48;
	[tilespmem:v57+s21+$0x0] =	vst.idx.msk $0xffff, v3;
	v3 =	vor.u32 v27, v23  }
0x18f: {  	v0 =	vld.idx.msk [tilespmem:v0+s13+$0x0], $0xffff;
	[tilespmem:v2+s21+$0x0] =	vst.idx.msk $0xffff, v43;
	v2 =	vor.u32 v41, v23;
	v3 =	vor.u32 v62, v3  }
0x190: {  	v27 =	vld.idx.msk [tilespmem:v58+s13+$0x0], $0xffff;
	v2 =	vor.u32 v60, v2;
	v52 =	vor.u32 v33, v3  }
0x191: {  	v7 =	vld.idx.msk [tilespmem:v7+s13+$0x0], $0xffff;
	[tilespmem:v25+s21+$0x0] =	vst.idx.msk $0xffff, v1;
	v1 =	vor.u32 v33, v2;
	v25 =	vor.u32 v22, v5  }
0x192: {  	[tilespmem:v46+s21+$0x0] =	vst.idx.msk $0xffff, v8;
	v8 =	vor.u32 v22, v4  }
0x193: {  	v53 =	vor.u32 v9, v37;
	v35 =	vld.idx.msk [tilespmem:v59+s13+$0x0], $0xffff  }
0x194: {  	[tilespmem:v29+s21+$0x0] =	vst.idx.msk $0xffff, v0;
	v0 =	vor.u32 v21, v34  }
0x195: {  	[tilespmem:v52+s21+$0x0] =	vst.idx.msk $0xffff, v27;
	v27 =	vor.u32 v13, v40;
	v6 =	vld.idx.msk [tilespmem:v6+s13+$0x0], $0xffff  }
0x196: {  	[tilespmem:v1+s21+$0x0] =	vst.idx.msk $0xffff, v7;
	v1 =	vld.idx.msk [tilespmem:v25+s13+$0x0], $0xffff;
	v7 =	vor.u32 v16, v39;
	v25 =	vor.u32 v9, v3  }
0x197: {  	v54 =	vor.u32 v21, v5;
	v29 =	vor.u32 v9, v2;
	v8 =	vld.idx.msk [tilespmem:v8+s13+$0x0], $0xffff  }
0x198: {  	[tilespmem:v53+s21+$0x0] =	vst.idx.msk $0xffff, v35  }
0x199: {  	v55 =	vor.u32 v21, v4;
	v56 =	vor.u32 v10, v37;
	v35 =	vadd.s32 s10, v33;
	v0 =	vld.idx.msk [tilespmem:v0+s13+$0x0], $0xffff  }
0x19a: {  	v28 =	vld [tilespmem:$0x1FF20];
	v45 =	vor.u32 v19, v5;
	v57 =	vor.u32 v20, v34;
	[tilespmem:v27+s21+$0x0] =	vst.idx.msk $0xffff, v6;
	v6 =	vand.u32 $0xF, v35  }
0x19b: {  	[tilespmem:v25+s21+$0x0] =	vst.idx.msk $0xffff, v1;
	v25 =	vor.u32 v14, v40;
	v7 =	vld.idx.msk [tilespmem:v7+s13+$0x0], $0xffff;
	v1 =	vor.u32 v24, v6  }
0x19c: {  	v58 =	vor.u32 v10, v3;
	v59 =	vor.u32 v20, v5;
	[tilespmem:v29+s21+$0x0] =	vst.idx.msk $0xffff, v8;
	v8 =	vld.idx.msk [tilespmem:v54+s13+$0x0], $0xffff  }
0x19d: {  	v46 =	vor.u32 v11, v37;
	v36 =	vshll.u32 v35, $0x7;
	v27 =	vor.u32 v18, v39  }
0x19e: {  	v53 =	vand.u32 $0x780, v36;
	v29 =	vld.idx.msk [tilespmem:v55+s13+$0x0], $0xffff;
	[tilespmem:v56+s21+$0x0] =	vst.idx.msk $0xffff, v0;
	v0 =	vor.u32 v10, v2  }
0x19f: {  	v52 =	vor.u32 v20, v4;
	v54 =	vor.u32 $0x20, v30;
	v43 =	vld.idx.msk [tilespmem:v57+s13+$0x0], $0xffff;
	v39 =	vor.u32 v23, v53  }
0x1a0: {  	v55 =	vor.u32 v19, v34;
	v1 =	vld.idx.msk [tilespmem:v1+s13+$0x0], $0xffff;
	[tilespmem:v25+s21+$0x0] =	vst.idx.msk $0xffff, v7;
	v7 =	vor.u32 v33, v39  }
0x1a1: {  	v56 =	vand.u32 $0x28, v54;
	v57 =	vshll.u32 v54, $0x7;
	v54 =	vld [tilespmem:$0x1FF50];
	[tilespmem:v58+s21+$0x0] =	vst.idx.msk $0xffff, v8;
	v30 =	vmovc v6;
	v25 =	vand.u32 $0x7, v28  }
0x1a2: {  	v8 =	vor.u32 v15, v40;
	v6 =	vor.u32 v22, v30;
	v27 =	vld.idx.msk [tilespmem:v27+s13+$0x0], $0xffff;
	v40 =	vor.u32 v25, v56  }
0x1a3: {  	v41 =	vor.u32 v11, v3;
	[tilespmem:v0+s21+$0x0] =	vst.idx.msk $0xffff, v29;
	v0 =	vld.idx.msk [tilespmem:v59+s13+$0x0], $0xffff;
	v25 =	vor.u32 v24, v40  }
0x1a4: {  	v58 =	vor.u32 v19, v4;
	v29 =	vld.idx.msk [tilespmem:v52+s13+$0x0], $0xffff;
	[tilespmem:v46+s21+$0x0] =	vst.idx.msk $0xffff, v43;
	v43 =	vor.u32 v11, v2  }
0x1a5: {  	v59 =	vor.u32 v12, v37;
	v46 =	vld.idx.msk [tilespmem:v55+s13+$0x0], $0xffff;
	[tilespmem:v7+s21+$0x0] =	vst.idx.msk $0xffff, v1;
	v1 =	vand.u32 $0x1400, v57  }
0x1a6: {  	v7 =	vor.u32 v17, v34;
	v1 =	vor.u32 v1, v23  }
0x1a7: {  	v6 =	vld.idx.msk [tilespmem:v6+s13+$0x0], $0xffff;
	[tilespmem:v8+s21+$0x0] =	vst.idx.msk $0xffff, v27;
	v8 =	vor.u32 v9, v39;
	v38 =	vor.u32 v54, v1  }
0x1a8: {  	[tilespmem:v41+s21+$0x0] =	vst.idx.msk $0xffff, v0;
	v0 =	vor.u32 v21, v30;
	v25 =	vld.idx.msk [tilespmem:v25+s13+$0x0], $0xffff;
	v1 =	vor.u32 v33, v38  }
0x1a9: {  	[tilespmem:v43+s21+$0x0] =	vst.idx.msk $0xffff, v29;
	v29 =	vor.u32 v22, v40;
	v57 =	vor.u32 v12, v3;
	v27 =	vld.idx.msk [tilespmem:v45+s13+$0x0], $0xffff  }
0x1aa: {  	v56 =	vld.idx.msk [tilespmem:v58+s13+$0x0], $0xffff;
	[tilespmem:v59+s21+$0x0] =	vst.idx.msk $0xffff, v46;
	v58 =	vor.u32 v12, v2;
	v59 =	vor.u32 v17, v5  }
0x1ab: {  	v53 =	vor.u32 v13, v37;
	v50 =	vor.u32 v12, v39;
	v52 =	vor.u32 v17, v4;
	v7 =	vld.idx.msk [tilespmem:v7+s13+$0x0], $0xffff  }
0x1ac: {  	v47 =	vor.u32 v16, v30;
	[tilespmem:v8+s21+$0x0] =	vst.idx.msk $0xffff, v6;
	v6 =	vor.u32 v16, v34  }
0x1ad: {  	v55 =	vor.u32 v21, v40;
	v0 =	vld.idx.msk [tilespmem:v0+s13+$0x0], $0xffff;
	[tilespmem:v1+s21+$0x0] =	vst.idx.msk $0xffff, v25;
	v1 =	vor.u32 v10, v39  }
0x1ae: {  	[tilespmem:v57+s21+$0x0] =	vst.idx.msk $0xffff, v27;
	v27 =	vor.u32 v9, v38;
	v25 =	vor.u32 v20, v30;
	v8 =	vld.idx.msk [tilespmem:v29+s13+$0x0], $0xffff  }
0x1af: {  	v46 =	vor.u32 v16, v5;
	[tilespmem:v58+s21+$0x0] =	vst.idx.msk $0xffff, v56;
	v57 =	vor.u32 v13, v3;
	v29 =	vld.idx.msk [tilespmem:v59+s13+$0x0], $0xffff  }
0x1b0: {  	v5 =	vor.u32 v18, v5;
	v43 =	vld.idx.msk [tilespmem:v52+s13+$0x0], $0xffff;
	[tilespmem:v53+s21+$0x0] =	vst.idx.msk $0xffff, v7;
	v7 =	vor.u32 v13, v2  }
0x1b1: {  	v45 =	vor.u32 v14, v3;
	v58 =	vor.u32 v16, v4;
	v59 =	vor.u32 v14, v37;
	v6 =	vld.idx.msk [tilespmem:v6+s13+$0x0], $0xffff  }
0x1b2: {  	v56 =	vor.u32 v19, v30;
	v4 =	vor.u32 v18, v4;
	[tilespmem:v1+s21+$0x0] =	vst.idx.msk $0xffff, v0  }
0x1b3: {  	v1 =	vor.u32 v18, v34;
	v25 =	vld.idx.msk [tilespmem:v25+s13+$0x0], $0xffff;
	[tilespmem:v27+s21+$0x0] =	vst.idx.msk $0xffff, v8;
	v8 =	vor.u32 v11, v39  }
0x1b4: {  	v52 =	vor.u32 v19, v40;
	[tilespmem:v57+s21+$0x0] =	vst.idx.msk $0xffff, v29;
	v29 =	vor.u32 v10, v38;
	v27 =	vld.idx.msk [tilespmem:v55+s13+$0x0], $0xffff  }
0x1b5: {  	v3 =	vor.u32 v15, v3;
	v57 =	vor.u32 v20, v40;
	[tilespmem:v7+s21+$0x0] =	vst.idx.msk $0xffff, v43;
	v7 =	vld.idx.msk [tilespmem:v46+s13+$0x0], $0xffff  }
0x1b6: {  	v43 =	vld.idx.msk [tilespmem:v58+s13+$0x0], $0xffff;
	[tilespmem:v59+s21+$0x0] =	vst.idx.msk $0xffff, v6;
	v6 =	vor.u32 v14, v2;
	v59 =	vor.u32 $0x20, v42  }
0x1b7: {  	v37 =	vor.u32 v15, v37;
	v58 =	vand.u32 $0x7, v26;
	v55 =	vand.u32 $0x28, v59  }
0x1b8: {  	v0 =	vor.u32 v17, v30;
	v1 =	vld.idx.msk [tilespmem:v1+s13+$0x0], $0xffff;
	v53 =	vor.u32 v58, v55;
	[tilespmem:v8+s21+$0x0] =	vst.idx.msk $0xffff, v25  }
0x1b9: {  	v8 =	vor.u32 v11, v38;
	v25 =	vshll.u32 v59, $0x7;
	v34 =	vld.idx.msk [tilespmem:v56+s13+$0x0], $0xffff;
	[tilespmem:v29+s21+$0x0] =	vst.idx.msk $0xffff, v27;
	v27 =	vor.u32 $0x20, v44  }
0x1ba: {  	v29 =	vor.u32 v24, v53;
	v25 =	vand.u32 $0x1400, v25;
	[tilespmem:v45+s21+$0x0] =	vst.idx.msk $0xffff, v7;
	v56 =	vld.idx.msk [tilespmem:v57+s13+$0x0], $0xffff;
	v57 =	vand.u32 $0x7, v31  }
0x1bb: {  	v7 =	vand.u32 $0x28, v27;
	v25 =	vor.u32 v25, v23;
	[tilespmem:v6+s21+$0x0] =	vst.idx.msk $0xffff, v43;
	v6 =	vor.u32 $0x20, v51;
	v5 =	vld.idx.msk [tilespmem:v5+s13+$0x0], $0xffff  }
0x1bc: {  	v27 =	vshll.u32 v27, $0x7;
	v41 =	vor.u32 v57, v7;
	v7 =	vand.u32 $0x7, v32;
	v4 =	vld.idx.msk [tilespmem:v4+s13+$0x0], $0xffff  }
0x1bd: {  	v58 =	vand.u32 $0x28, v6;
	v44 =	vor.u32 v61, v25;
	[tilespmem:v37+s21+$0x0] =	vst.idx.msk $0xffff, v1;
	v1 =	vor.u32 v15, v2  }
0x1be: {  	v25 =	vor.u32 v12, v38;
	v51 =	vor.u32 v7, v58;
	v2 =	vor.u32 v24, v41  }
0x1bf: {  	v7 =	vor.u32 v13, v39;
	v59 =	vor.u32 v24, v51;
	v29 =	vld.idx.msk [tilespmem:v29+s13+$0x0], $0xffff;
	[tilespmem:v50+s21+$0x0] =	vst.idx.msk $0xffff, v34  }
0x1c0: {  	v6 =	vshll.u32 v6, $0x7;
	v45 =	vor.u32 v33, v44;
	v0 =	vld.idx.msk [tilespmem:v0+s13+$0x0], $0xffff;
	[tilespmem:v8+s21+$0x0] =	vst.idx.msk $0xffff, v56;
	v8 =	vand.u32 $0x1400, v27  }
0x1c1: {  	v6 =	vand.u32 $0x1400, v6;
	v27 =	vor.u32 v22, v53;
	[tilespmem:v3+s21+$0x0] =	vst.idx.msk $0xffff, v5;
	v3 =	vor.u32 v8, v23  }
0x1c2: {  	v42 =	vld.idx.msk [tilespmem:v52+s13+$0x0], $0xffff;
	[tilespmem:v1+s21+$0x0] =	vst.idx.msk $0xffff, v4;
	v1 =	vor.u32 v6, v23;
	v49 =	vor.u32 v62, v3  }
0x1c3: {  	v2 =	vld.idx.msk [tilespmem:v2+s13+$0x0], $0xffff;
	v3 =	vor.u32 v17, v40;
	v48 =	vor.u32 v60, v1;
	v1 =	vor.u32 v33, v49  }
0x1c4: {  	[tilespmem:$0x1FF00] =	vst v32;
	v6 =	vor.u32 v22, v41;
	v4 =	vld.idx.msk [tilespmem:v59+s13+$0x0], $0xffff;
	v5 =	vor.u32 v33, v48  }
0x1c5: {  	v8 =	vor.u32 v22, v51;
	[tilespmem:v45+s21+$0x0] =	vst.idx.msk $0xffff, v29  }
0x1c6: {  	v55 =	vor.u32 v18, v40;
	v27 =	vld.idx.msk [tilespmem:v27+s13+$0x0], $0xffff;
	[tilespmem:v7+s21+$0x0] =	vst.idx.msk $0xffff, v0  }
0x1c7: {  	v58 =	vor.u32 v20, v41;
	v0 =	vor.u32 v9, v44;
	v7 =	vld.idx.msk [tilespmem:v47+s13+$0x0], $0xffff;
	[tilespmem:v25+s21+$0x0] =	vst.idx.msk $0xffff, v42  }
0x1c8: {  	v29 =	vor.u32 v14, v39;
	v25 =	vor.u32 v21, v53;
	v3 =	vld.idx.msk [tilespmem:v3+s13+$0x0], $0xffff;
	[tilespmem:v1+s21+$0x0] =	vst.idx.msk $0xffff, v2  }
0x1c9: {  	v1 =	vor.u32 v18, v30;
	v2 =	vor.u32 v13, v38;
	[tilespmem:v5+s21+$0x0] =	vst.idx.msk $0xffff, v4;
	v4 =	vld.idx.msk [tilespmem:v6+s13+$0x0], $0xffff  }
0x1ca: {  	v32 =	vor.u32 v19, v41;
	v56 =	vor.u32 v10, v49;
	v6 =	vld.idx.msk [tilespmem:v8+s13+$0x0], $0xffff;
	v8 =	vor.u32 v9, v49  }
0x1cb: {  	[tilespmem:$0x1FF10] =	vst v60;
	v60 =	vor.u32 v11, v49;
	v34 =	vor.u32 v12, v49;
	v46 =	vor.u32 v9, v48  }
0x1cc: {  	v43 =	vmov v62;
	v57 =	vor.u32 v10, v48;
	v62 =	vor.u32 v11, v48;
	[tilespmem:v0+s21+$0x0] =	vst.idx.msk $0xffff, v27  }
0x1cd: {  	v5 =	vor.u32 v16, v40;
	v25 =	vld.idx.msk [tilespmem:v25+s13+$0x0], $0xffff;
	[tilespmem:v29+s21+$0x0] =	vst.idx.msk $0xffff, v7;
	v7 =	vor.u32 v10, v44  }
0x1ce: {  	v47 =	vor.u32 v21, v41;
	v1 =	vld.idx.msk [tilespmem:v1+s13+$0x0], $0xffff;
	[tilespmem:v2+s21+$0x0] =	vst.idx.msk $0xffff, v3;
	v2 =	vor.u32 $0x30, v28  }
0x1cf: {  	v63 =	vmovc v26;
	v0 =	vor.u32 v21, v51;
	v27 =	vor.u32 $0x10, v35;
	v50 =	vand.u32 $0x3F, v2;
	[tilespmem:v8+s21+$0x0] =	vst.idx.msk $0xffff, v4  }
0x1d0: {  	v29 =	vor.u32 v15, v39;
	v39 =	vand.u32 $0x1F, v27;
	[tilespmem:v46+s21+$0x0] =	vst.idx.msk $0xffff, v6;
	v26 =	vor.u32 v18, v50  }
0x1d1: {  	v37 =	vor.u32 v13, v48;
	v3 =	vor.u32 v20, v53;
	v4 =	vor.u32 v24, v39;
	[tilespmem:$0x1FF30] =	vst v26  }
0x1d2: {  	v5 =	vld.idx.msk [tilespmem:v5+s13+$0x0], $0xffff;
	v8 =	vor.u32 v14, v38;
	[tilespmem:v7+s21+$0x0] =	vst.idx.msk $0xffff, v25;
	v25 =	vor.u32 v16, v50  }
0x1d3: {  	v2 =	vshll.u32 v2, $0x7;
	v59 =	vor.u32 v24, v50;
	v6 =	vld.idx.msk [tilespmem:v47+s13+$0x0], $0xffff;
	v26 =	vshll.u32 v27, $0x7;
	v27 =	vmovc v35;
	[tilespmem:$0x1FF40] =	vst v25  }
0x1d4: {  	v45 =	vor.u32 v19, v50;
	v52 =	vor.u32 v21, v50;
	v0 =	vld.idx.msk [tilespmem:v0+s13+$0x0], $0xffff;
	v7 =	vand.u32 $0xC00, v26;
	[tilespmem:$0x1FF20] =	vst v27  }
0x1d5: {  	v2 =	vand.u32 $0x1C00, v2;
	v27 =	vand.u32 $0x380, v36;
	[tilespmem:v29+s21+$0x0] =	vst.idx.msk $0xffff, v1;
	v1 =	vor.u32 v7, v23  }
0x1d6: {  	v25 =	vor.u32 v20, v51;
	v3 =	vld.idx.msk [tilespmem:v3+s13+$0x0], $0xffff;
	v7 =	vor.u32 v11, v44;
	v40 =	vor.u32 v27, v1  }
0x1d7: {  	v1 =	vor.u32 v19, v53;
	v4 =	vld.idx.msk [tilespmem:v4+s13+$0x0], $0xffff;
	[tilespmem:v8+s21+$0x0] =	vst.idx.msk $0xffff, v5;
	v5 =	vor.u32 v33, v40  }
0x1d8: {  	v29 =	vor.u32 v15, v38;
	v8 =	vld.idx.msk [tilespmem:v55+s13+$0x0], $0xffff;
	[tilespmem:v56+s21+$0x0] =	vst.idx.msk $0xffff, v6;
	v6 =	vor.u32 v22, v39  }
0x1d9: {  	v46 =	vor.u32 v17, v41;
	v26 =	vor.u32 v17, v50;
	[tilespmem:v57+s21+$0x0] =	vst.idx.msk $0xffff, v0;
	v0 =	vld.idx.msk [tilespmem:v58+s13+$0x0], $0xffff  }
0x1da: {  	v47 =	vor.u32 v20, v50;
	v2 =	vor.u32 v2, v23;
	v35 =	vor.u32 v12, v48;
	[tilespmem:$0x1FF60] =	vst v26  }
0x1db: {  	v38 =	vor.u32 v54, v2;
	v54 =	vor.u32 v10, v40;
	v25 =	vld.idx.msk [tilespmem:v25+s13+$0x0], $0xffff;
	[tilespmem:v7+s21+$0x0] =	vst.idx.msk $0xffff, v3  }
0x1dc: {  	v3 =	vor.u32 v19, v51;
	v1 =	vld.idx.msk [tilespmem:v1+s13+$0x0], $0xffff;
	[tilespmem:v5+s21+$0x0] =	vst.idx.msk $0xffff, v4;
	v5 =	vor.u32 v12, v44  }
0x1dd: {  	v57 =	vor.u32 v16, v41;
	v7 =	vor.u32 v17, v53;
	v6 =	vld.idx.msk [tilespmem:v6+s13+$0x0], $0xffff;
	[tilespmem:v29+s21+$0x0] =	vst.idx.msk $0xffff, v8  }
0x1de: {  	v8 =	vor.u32 v9, v40;
	[tilespmem:v60+s21+$0x0] =	vst.idx.msk $0xffff, v0;
	v0 =	vor.u32 v17, v39  }
0x1df: {  	v58 =	vor.u32 v20, v39;
	v29 =	vld.idx.msk [tilespmem:v59+s13+$0x0], $0xffff;
	[tilespmem:$0x1FF70] =	vst v0;
	v0 =	vor.u32 v33, v38  }
0x1e0: {  	v4 =	vor.u32 v22, v50;
	v50 =	vor.u32 v10, v38;
	[tilespmem:v62+s21+$0x0] =	vst.idx.msk $0xffff, v25;
	v2 =	vld.idx.msk [tilespmem:v32+s13+$0x0], $0xffff  }
0x1e1: {  	v25 =	vor.u32 v21, v39;
	v3 =	vld.idx.msk [tilespmem:v3+s13+$0x0], $0xffff;
	[tilespmem:v5+s21+$0x0] =	vst.idx.msk $0xffff, v1;
	v1 =	vmov v27  }
0x1e2: {  	s17 =	sadd.s32 $0x3, s10;
	v60 =	vor.u32 v13, v44;
	v32 =	vor.u32 v18, v53;
	v27 =	vor.u32 v9, v38;
	[tilespmem:$0x1FF50] =	vst v1  }
0x1e3: {  	v1 =	vor.u32 v17, v51;
	v5 =	vld.idx.msk [tilespmem:v7+s13+$0x0], $0xffff;
	[tilespmem:v8+s21+$0x0] =	vst.idx.msk $0xffff, v6;
	v6 =	vadd.s32 s17, v33;
	v7 =	vor.u32 $0x30, v63  }
0x1e4: {  	v63 =	vor.u32 v14, v44;
	v62 =	vshll.u32 v6, $0x7;
	v8 =	vmovc v6;
	v36 =	vand.u32 $0x3F, v7;
	[tilespmem:v0+s21+$0x0] =	vst.idx.msk $0xffff, v29  }
0x1e5: {  	v0 =	vor.u32 v16, v53;
	v42 =	vand.u32 $0xF, v8;
	[tilespmem:v34+s21+$0x0] =	vst.idx.msk $0xffff, v2;
	v2 =	vshll.u32 v7, $0x7  }
0x1e6: {  	[tilespmem:v35+s21+$0x0] =	vst.idx.msk $0xffff, v3;
	v34 =	vand.u32 $0x380, v62;
	v29 =	vor.u32 v13, v49;
	v35 =	vand.u32 $0x400, v62;
	v3 =	vld.idx.msk [tilespmem:v46+s13+$0x0], $0xffff  }
0x1e7: {  	v55 =	vor.u32 v22, v36;
	v59 =	vor.u32 v24, v36;
	v6 =	vor.u32 v24, v42;
	v62 =	vld.idx.msk [tilespmem:v25+s13+$0x0], $0xffff  }
0x1e8: {  	v26 =	vmovc v8;
	v8 =	vor.u32 v22, v42;
	v7 =	vor.u32 v21, v42;
	v2 =	vand.u32 $0x1C00, v2;
	v28 =	vld.idx.msk [tilespmem:v4+s13+$0x0], $0xffff  }
0x1e9: {  	v46 =	vor.u32 v16, v51;
	v2 =	vor.u32 v2, v23;
	v1 =	vld.idx.msk [tilespmem:v1+s13+$0x0], $0xffff;
	[tilespmem:v60+s21+$0x0] =	vst.idx.msk $0xffff, v5  }
0x1ea: {  	v5 =	vor.u32 v35, v23;
	v35 =	vor.u32 v61, v2;
	v61 =	vor.u32 v15, v44;
	v0 =	vld.idx.msk [tilespmem:v0+s13+$0x0], $0xffff  }
0x1eb: {  	p0 =	slt.u32 s10, $0xC;
	v2 =	vor.u32 v18, v51;
	v56 =	vor.u32 v34, v5;
	[tilespmem:v29+s21+$0x0] =	vst.idx.msk $0xffff, v3  }
.Ltmp2:
0x1ec: {  	v25 =	vor.u32 v9, v56;
	v53 =	vld.idx.msk [tilespmem:v6+s13+$0x0], $0xffff;
	v29 =	vor.u32 v33, v56;
	[tilespmem:v54+s21+$0x0] =	vst.idx.msk $0xffff, v62;
	(pc) =	sbr.rel @p0 .LBB2_7-.Ltmp2, $4  }
0x1ed: {  	s18 =	sadd.s32 $0x2, s10;
	v6 =	vor.u32 v14, v48;
	v3 =	vor.u32 v18, v41;
	v5 =	vld.idx.msk [tilespmem:v57+s13+$0x0], $0xffff;
	[tilespmem:v27+s21+$0x0] =	vst.idx.msk $0xffff, v28  }
0x1ee: {  	v57 =	vor.u32 v33, v35;
	[tilespmem:v37+s21+$0x0] =	vst.idx.msk $0xffff, v1;
	v37 =	vadd.s32 s18, v33;
	v1 =	vor.u32 v14, v49  }
0x1ef: {  	v33 =	vor.u32 $0x30, v31;
	v4 =	vld.idx.msk [tilespmem:v46+s13+$0x0], $0xffff;
	v44 =	vand.u32 $0xF, v37;
	v60 =	vshll.u32 v37, $0x7;
	[tilespmem:v63+s21+$0x0] =	vst.idx.msk $0xffff, v0  }
0x1f0: {  	s14 =	sadd.s32 $0x1, s10;
	s10 =	sadd.s32 $0x4, s10;
	v46 =	vmovc v34;
	v41 =	vand.u32 $0x3F, v33;
	v31 =	vmovc v37;
	v34 =	vor.u32 v22, v44;
	v63 =	vshll.u32 v33, $0x7;
	v62 =	vld.idx.msk [tilespmem:v32+s13+$0x0], $0xffff  }
0x1f1: {  	v0 =	vlaneseq.u32  }
0x1f2: {  	v37 =	vadd.s32 s14, v0;
	v0 =	vor.u32 v24, v44  }
0x1f3: {  	v33 =	vand.u32 $0x380, v60;
	v54 =	vand.u32 $0xF, v37  }
0x1f4: {  	v27 =	vand.u32 $0x400, v60;
	[tilespmem:$0x1FEE0] =	vst v33;
	v32 =	vshll.u32 v37, $0x7;
	v28 =	vor.u32 v24, v54  }
0x1f5: {  	v27 =	vor.u32 v27, v23;
	[tilespmem:$0x1FEC0] =	vst v37;
	v51 =	vand.u32 $0x380, v32  }
0x1f6: {  	v60 =	vmovc v37;
	v27 =	vor.u32 v33, v27;
	v33 =	vlaneseq.u32;
	v37 =	vand.u32 $0x400, v32;
	[tilespmem:$0x1FEF0] =	vst v51  }
0x1f7: {  	v32 =	vor.u32 v37, v23;
	v37 =	vor.u32 v33, v27;
	v0 =	vld.idx.msk [tilespmem:v0+s13+$0x0], $0xffff  }
0x1f8: {  	v32 =	vor.u32 v51, v32  }
0x1f9: {  	v51 =	vor.u32 v33, v32;
	v28 =	vld.idx.msk [tilespmem:v28+s13+$0x0], $0xffff  }
0x1fa: {  	[tilespmem:v29+s21+$0x0] =	vst.idx.msk $0xffff, v53;
	v53 =	vor.u32 v22, v54  }
0x1fb: {  	v8 =	vld.idx.msk [tilespmem:v8+s13+$0x0], $0xffff  }
0x1fc: {  	[tilespmem:v37+s21+$0x0] =	vst.idx.msk $0xffff, v0  }
0x1fd: {  	v0 =	vld.idx.msk [tilespmem:v34+s13+$0x0], $0xffff;
	v34 =	vor.u32 v9, v27  }
0x1fe: {  	[tilespmem:v51+s21+$0x0] =	vst.idx.msk $0xffff, v28;
	v28 =	vor.u32 v21, v44  }
0x1ff: {  	v29 =	vld.idx.msk [tilespmem:v53+s13+$0x0], $0xffff;
	v53 =	vor.u32 v9, v32  }
0x200: {  	[tilespmem:v25+s21+$0x0] =	vst.idx.msk $0xffff, v8;
	v8 =	vor.u32 v21, v54  }
0x201: {  	v7 =	vld.idx.msk [tilespmem:v7+s13+$0x0], $0xffff;
	v51 =	vor.u32 v10, v56  }
0x202: {  	[tilespmem:v34+s21+$0x0] =	vst.idx.msk $0xffff, v0;
	v0 =	vor.u32 v20, v42  }
0x203: {  	v34 =	vor.u32 v10, v27;
	v28 =	vld.idx.msk [tilespmem:v28+s13+$0x0], $0xffff  }
0x204: {  	[tilespmem:v53+s21+$0x0] =	vst.idx.msk $0xffff, v29;
	v53 =	vor.u32 v20, v44  }
0x205: {  	v37 =	vor.u32 v10, v32;
	v8 =	vld.idx.msk [tilespmem:v8+s13+$0x0], $0xffff  }
0x206: {  	[tilespmem:v51+s21+$0x0] =	vst.idx.msk $0xffff, v7;
	v51 =	vor.u32 v20, v54  }
0x207: {  	v25 =	vor.u32 v11, v56;
	v0 =	vld.idx.msk [tilespmem:v0+s13+$0x0], $0xffff  }
0x208: {  	[tilespmem:v34+s21+$0x0] =	vst.idx.msk $0xffff, v28;
	v28 =	vor.u32 v19, v42  }
0x209: {  	v29 =	vld.idx.msk [tilespmem:v53+s13+$0x0], $0xffff;
	v53 =	vor.u32 v11, v27  }
0x20a: {  	[tilespmem:v37+s21+$0x0] =	vst.idx.msk $0xffff, v8;
	v8 =	vor.u32 v19, v44  }
0x20b: {  	v7 =	vld.idx.msk [tilespmem:v51+s13+$0x0], $0xffff;
	v51 =	vor.u32 v11, v32  }
0x20c: {  	[tilespmem:v25+s21+$0x0] =	vst.idx.msk $0xffff, v0;
	v0 =	vor.u32 v19, v54  }
0x20d: {  	v25 =	vld.idx.msk [tilespmem:v28+s13+$0x0], $0xffff;
	v28 =	vor.u32 v12, v56  }
0x20e: {  	[tilespmem:v53+s21+$0x0] =	vst.idx.msk $0xffff, v29;
	v53 =	vor.u32 v17, v42  }
0x20f: {  	v34 =	vor.u32 v12, v27;
	v8 =	vld.idx.msk [tilespmem:v8+s13+$0x0], $0xffff  }
0x210: {  	[tilespmem:v51+s21+$0x0] =	vst.idx.msk $0xffff, v7;
	v51 =	vor.u32 v17, v44  }
0x211: {  	v37 =	vor.u32 v12, v32;
	v0 =	vld.idx.msk [tilespmem:v0+s13+$0x0], $0xffff  }
0x212: {  	[tilespmem:v28+s21+$0x0] =	vst.idx.msk $0xffff, v25  }
0x213: {  	v25 =	vor.u32 v17, v54;
	v28 =	vld.idx.msk [tilespmem:v53+s13+$0x0], $0xffff;
	v53 =	vor.u32 v13, v56  }
0x214: {  	[tilespmem:v34+s21+$0x0] =	vst.idx.msk $0xffff, v8;
	v8 =	vor.u32 v16, v42  }
0x215: {  	v7 =	vld.idx.msk [tilespmem:v51+s13+$0x0], $0xffff;
	v51 =	vor.u32 v13, v27  }
0x216: {  	[tilespmem:v37+s21+$0x0] =	vst.idx.msk $0xffff, v0;
	v0 =	vor.u32 v16, v44;
	_ =	sdelay $0x1  }
0x217: {  	v37 =	vor.u32 v13, v32;
	v25 =	vld.idx.msk [tilespmem:v25+s13+$0x0], $0xffff;
	[tilespmem:v53+s21+$0x0] =	vst.idx.msk $0xffff, v28  }
0x218: {  	v28 =	vor.u32 v16, v54;
	v53 =	vor.u32 v14, v56;
	v8 =	vld.idx.msk [tilespmem:v8+s13+$0x0], $0xffff  }
0x219: {  	[tilespmem:v51+s21+$0x0] =	vst.idx.msk $0xffff, v7  }
0x21a: {  	v34 =	vor.u32 v14, v27;
	v51 =	vor.u32 v18, v42;
	v0 =	vld.idx.msk [tilespmem:v0+s13+$0x0], $0xffff;
	_ =	sdelay $0x1  }
0x21b: {  	[tilespmem:v37+s21+$0x0] =	vst.idx.msk $0xffff, v25;
	v25 =	vor.u32 v18, v44  }
0x21c: {  	v37 =	vor.u32 v14, v32;
	v28 =	vld.idx.msk [tilespmem:v28+s13+$0x0], $0xffff;
	[tilespmem:v53+s21+$0x0] =	vst.idx.msk $0xffff, v8  }
0x21d: {  	v29 =	vor.u32 v18, v54;
	[tilespmem:$0x1FEA0] =	vst v26  }
0x21e: {  	v56 =	vor.u32 v15, v56;
	v53 =	vld.idx.msk [tilespmem:v51+s13+$0x0], $0xffff;
	[tilespmem:v34+s21+$0x0] =	vst.idx.msk $0xffff, v0  }
0x21f: {  	[tilespmem:$0x1FEB0] =	vst v31  }
0x220: {  	v33 =	vmov v54;
	v54 =	vld.idx.msk [tilespmem:v25+s13+$0x0], $0xffff;
	v25 =	vor.u32 v15, v27  }
0x221: {  	[tilespmem:v37+s21+$0x0] =	vst.idx.msk $0xffff, v28  }
0x222: {  	v32 =	vor.u32 v15, v32;
	v8 =	vor.u32 $0x10, v26;
	v29 =	vld.idx.msk [tilespmem:v29+s13+$0x0], $0xffff  }
0x223: {  	v7 =	vand.u32 $0x1F, v8;
	[tilespmem:v56+s21+$0x0] =	vst.idx.msk $0xffff, v53  }
0x224: {  	v0 =	vor.u32 v24, v7;
	v37 =	vor.u32 $0x10, v60;
	[tilespmem:$0x1FED0] =	vst v46  }
0x225: {  	v34 =	vor.u32 $0x10, v31;
	v27 =	vand.u32 $0x1F, v37;
	v37 =	vshll.u32 v37, $0x7;
	[tilespmem:v25+s21+$0x0] =	vst.idx.msk $0xffff, v54  }
0x226: {  	v8 =	vshll.u32 v8, $0x7;
	v51 =	vand.u32 $0x1F, v34;
	v54 =	vand.u32 $0xC00, v37;
	v37 =	vld [tilespmem:$0x1FEE0]  }
0x227: {  	v8 =	vand.u32 $0xC00, v8;
	v60 =	vor.u32 v24, v51;
	[tilespmem:v32+s21+$0x0] =	vst.idx.msk $0xffff, v29  }
0x228: {  	v34 =	vshll.u32 v34, $0x7;
	v31 =	vlaneseq.u32;
	v28 =	vor.u32 v8, v23;
	v29 =	vld [tilespmem:$0x1FEF0]  }
0x229: {  	v56 =	vor.u32 v46, v28;
	v53 =	vand.u32 $0xC00, v34;
	v34 =	vor.u32 v24, v27  }
0x22a: {  	v28 =	vor.u32 v53, v23;
	v8 =	vld.idx.msk [tilespmem:v0+s13+$0x0], $0xffff;
	v0 =	vor.u32 v31, v56  }
0x22b: {  	v26 =	vor.u32 v37, v28  }
0x22c: {  	v25 =	vor.u32 v54, v23;
	v28 =	vor.u32 v22, v7;
	v37 =	vld.idx.msk [tilespmem:v60+s13+$0x0], $0xffff;
	v54 =	vor.u32 v31, v26  }
0x22d: {  	v46 =	vor.u32 v22, v51;
	v25 =	vor.u32 v29, v25  }
0x22e: {  	v32 =	vld.idx.msk [tilespmem:v34+s13+$0x0], $0xffff;
	v60 =	vor.u32 v31, v25  }
0x22f: {  	[tilespmem:v0+s21+$0x0] =	vst.idx.msk $0xffff, v8;
	v0 =	vor.u32 v22, v27;
	_ =	sdelay $0x1  }
0x230: {  	v53 =	vld.idx.msk [tilespmem:v28+s13+$0x0], $0xffff;
	v28 =	vor.u32 v9, v56;
	[tilespmem:v54+s21+$0x0] =	vst.idx.msk $0xffff, v37  }
0x231: {  	v37 =	vor.u32 v21, v7;
	v54 =	vor.u32 v9, v26;
	v29 =	vld.idx.msk [tilespmem:v46+s13+$0x0], $0xffff  }
0x232: {  	v34 =	vor.u32 v11, v40;
	[tilespmem:v60+s21+$0x0] =	vst.idx.msk $0xffff, v32;
	v32 =	vld.idx.msk [tilespmem:v58+s13+$0x0], $0xffff;
	v58 =	vor.u32 v21, v51  }
0x233: {  	v46 =	vor.u32 v19, v39;
	v8 =	vld.idx.msk [tilespmem:v0+s13+$0x0], $0xffff;
	v0 =	vor.u32 v9, v25;
	_ =	sdelay $0x1  }
0x234: {  	[tilespmem:v28+s21+$0x0] =	vst.idx.msk $0xffff, v53  }
0x235: {  	v53 =	vor.u32 v10, v56;
	v37 =	vld.idx.msk [tilespmem:v37+s13+$0x0], $0xffff;
	[tilespmem:v54+s21+$0x0] =	vst.idx.msk $0xffff, v29  }
0x236: {  	v28 =	vor.u32 v21, v27;
	[tilespmem:v34+s21+$0x0] =	vst.idx.msk $0xffff, v32;
	v34 =	vor.u32 v10, v26;
	v32 =	vld.idx.msk [tilespmem:v58+s13+$0x0], $0xffff  }
0x237: {  	[tilespmem:v0+s21+$0x0] =	vst.idx.msk $0xffff, v8;
	v0 =	vld.idx.msk [tilespmem:v46+s13+$0x0], $0xffff;
	v8 =	vor.u32 v12, v40;
	v46 =	vor.u32 v20, v51  }
0x238: {  	[tilespmem:v1+s21+$0x0] =	vst.idx.msk $0xffff, v5  }
0x239: {  	[tilespmem:v6+s21+$0x0] =	vst.idx.msk $0xffff, v4;
	v29 =	vor.u32 v20, v7  }
0x23a: {  	[tilespmem:v53+s21+$0x0] =	vst.idx.msk $0xffff, v37  }
0x23b: {  	v1 =	vld.idx.msk [tilespmem:v28+s13+$0x0], $0xffff;
	[tilespmem:v34+s21+$0x0] =	vst.idx.msk $0xffff, v32  }
0x23c: {  	v5 =	vor.u32 v10, v25;
	[tilespmem:v8+s21+$0x0] =	vst.idx.msk $0xffff, v0;
	v0 =	vld.idx.msk [tilespmem:v46+s13+$0x0], $0xffff  }
0x23d: {  	v28 =	vor.u32 v20, v27;
	v46 =	vld [tilespmem:$0x1FF70]  }
0x23e: {  	v60 =	vor.u32 v11, v56;
	v58 =	vld.idx.msk [tilespmem:v29+s13+$0x0], $0xffff  }
0x23f: {  	v3 =	vld.idx.msk [tilespmem:v3+s13+$0x0], $0xffff;
	v29 =	vor.u32 v15, v49;
	v32 =	vor.u32 v19, v7;
	_ =	sdelay $0x1  }
0x240: {  	v8 =	vor.u32 v11, v26;
	[tilespmem:v5+s21+$0x0] =	vst.idx.msk $0xffff, v1  }
0x241: {  	v54 =	vor.u32 v11, v25;
	[tilespmem:v61+s21+$0x0] =	vst.idx.msk $0xffff, v62;
	v28 =	vld.idx.msk [tilespmem:v28+s13+$0x0], $0xffff  }
0x242: {  	v2 =	vld.idx.msk [tilespmem:v2+s13+$0x0], $0xffff;
	[tilespmem:v60+s21+$0x0] =	vst.idx.msk $0xffff, v58;
	v58 =	vor.u32 v15, v48  }
0x243: {  	v61 =	vor.u32 v12, v56;
	v60 =	vor.u32 v19, v27;
	[tilespmem:v29+s21+$0x0] =	vst.idx.msk $0xffff, v3;
	v3 =	vld.idx.msk [tilespmem:v32+s13+$0x0], $0xffff  }
0x244: {  	v49 =	vor.u32 v19, v51;
	v1 =	vor.u32 v13, v40;
	v34 =	vld.idx.msk [tilespmem:v46+s13+$0x0], $0xffff  }
0x245: {  	v53 =	vor.u32 v16, v39;
	[tilespmem:v8+s21+$0x0] =	vst.idx.msk $0xffff, v0  }
0x246: {  	[tilespmem:v54+s21+$0x0] =	vst.idx.msk $0xffff, v28  }
0x247: {  	v0 =	vld.idx.msk [tilespmem:v59+s13+$0x0], $0xffff;
	v8 =	vor.u32 v17, v7;
	[tilespmem:v58+s21+$0x0] =	vst.idx.msk $0xffff, v2  }
0x248: {  	v54 =	vor.u32 v12, v25;
	v2 =	vld.idx.msk [tilespmem:v60+s13+$0x0], $0xffff;
	[tilespmem:v61+s21+$0x0] =	vst.idx.msk $0xffff, v3  }
0x249: {  	v62 =	vor.u32 v12, v26;
	v3 =	vor.u32 v17, v27;
	[tilespmem:v1+s21+$0x0] =	vst.idx.msk $0xffff, v34;
	v1 =	vld.idx.msk [tilespmem:v49+s13+$0x0], $0xffff  }
0x24a: {  	v49 =	vor.u32 v14, v40;
	v48 =	vld.idx.msk [tilespmem:v53+s13+$0x0], $0xffff;
	v53 =	vor.u32 v17, v51;
	_ =	sdelay $0x1  }
0x24b: {  	[tilespmem:v57+s21+$0x0] =	vst.idx.msk $0xffff, v0;
	v0 =	vld.idx.msk [tilespmem:v8+s13+$0x0], $0xffff  }
0x24c: {  	v58 =	vor.u32 v13, v56;
	v29 =	vld [tilespmem:$0x1FF00];
	[tilespmem:v54+s21+$0x0] =	vst.idx.msk $0xffff, v2  }
0x24d: {  	v3 =	vld.idx.msk [tilespmem:v3+s13+$0x0], $0xffff;
	[tilespmem:v62+s21+$0x0] =	vst.idx.msk $0xffff, v1;
	v1 =	vor.u32 v16, v7;
	v62 =	vor.u32 v13, v25  }
0x24e: {  	v60 =	vor.u32 v13, v26;
	[tilespmem:v49+s21+$0x0] =	vst.idx.msk $0xffff, v48;
	v5 =	vld.idx.msk [tilespmem:v53+s13+$0x0], $0xffff;
	v49 =	vor.u32 v16, v27  }
0x24f: {  	v2 =	vor.u32 v16, v51;
	_ =	sdelay $0x1  }
0x250: {  	v8 =	vand.u32 $0x1C00, v63;
	[tilespmem:v58+s21+$0x0] =	vst.idx.msk $0xffff, v0  }
0x251: {  	v57 =	vor.u32 v18, v39;
	v0 =	vor.u32 v8, v23;
	v8 =	vld.idx.msk [tilespmem:v1+s13+$0x0], $0xffff;
	[tilespmem:v62+s21+$0x0] =	vst.idx.msk $0xffff, v3  }
0x252: {  	v63 =	vor.u32 v14, v56;
	v39 =	vor.u32 v15, v40;
	[tilespmem:v60+s21+$0x0] =	vst.idx.msk $0xffff, v5;
	v6 =	vld.idx.msk [tilespmem:v49+s13+$0x0], $0xffff  }
0x253: {  	v51 =	vor.u32 v18, v51;
	v59 =	vor.u32 $0x30, v29;
	v49 =	vor.u32 v14, v25;
	v28 =	vld.idx.msk [tilespmem:v2+s13+$0x0], $0xffff  }
0x254: {  	v7 =	vor.u32 v18, v7;
	v48 =	vor.u32 v14, v26;
	v61 =	vshll.u32 v59, $0x7;
	v31 =	vld [tilespmem:$0x1FF50]  }
0x255: {  	v53 =	vor.u32 v43, v0;
	v4 =	vand.u32 $0x1C00, v61;
	v1 =	vor.u32 $0x20, v30  }
0x256: {  	v0 =	vor.u32 v4, v23;
	v4 =	vld.idx.msk [tilespmem:v57+s13+$0x0], $0xffff;
	v3 =	vand.u32 $0x28, v1;
	v1 =	vshll.u32 v1, $0x7  }
0x257: {  	v54 =	vld [tilespmem:$0x1FF20];
	v1 =	vand.u32 $0x1400, v1;
	[tilespmem:v63+s21+$0x0] =	vst.idx.msk $0xffff, v8  }
0x258: {  	v1 =	vor.u32 v1, v23;
	v8 =	vor.u32 v18, v27;
	v60 =	vld [tilespmem:$0x1FEA0];
	[tilespmem:v49+s21+$0x0] =	vst.idx.msk $0xffff, v6  }
0x259: {  	v58 =	vlaneseq.u32;
	v7 =	vld.idx.msk [tilespmem:v7+s13+$0x0], $0xffff;
	v1 =	vor.u32 v31, v1;
	[tilespmem:v48+s21+$0x0] =	vst.idx.msk $0xffff, v28  }
0x25a: {  	v37 =	vor.u32 v58, v53;
	v30 =	vor.u32 v58, v1;
	v58 =	vld [tilespmem:$0x1FEB0]  }
0x25b: {  	v46 =	vand.u32 $0x3F, v59;
	v59 =	vor.u32 $0x20, v42;
	v61 =	vor.u32 v15, v56;
	v40 =	vld.idx.msk [tilespmem:v51+s13+$0x0], $0xffff;
	[tilespmem:v39+s21+$0x0] =	vst.idx.msk $0xffff, v4  }
0x25c: {  	v42 =	vand.u32 $0x28, v59;
	v5 =	vshll.u32 v59, $0x7;
	v48 =	vor.u32 v15, v26;
	v59 =	vld [tilespmem:$0x1FEC0]  }
0x25d: {  	v25 =	vor.u32 v15, v25;
	v8 =	vld.idx.msk [tilespmem:v8+s13+$0x0], $0xffff  }
0x25e: {  	v2 =	vand.u32 $0x7, v54  }
0x25f: {  	v2 =	vor.u32 v2, v3  }
0x260: {  	v29 =	vor.u32 v24, v41;
	v43 =	vor.u32 $0x20, v33;
	v28 =	vor.u32 v24, v2;
	[tilespmem:v61+s21+$0x0] =	vst.idx.msk $0xffff, v7  }
0x261: {  	v49 =	vld.idx.msk [tilespmem:v52+s13+$0x0], $0xffff;
	v3 =	vand.u32 $0x7, v60;
	v61 =	vand.u32 $0x28, v43;
	[tilespmem:v48+s21+$0x0] =	vst.idx.msk $0xffff, v40;
	v57 =	vand.u32 $0x7, v59  }
0x262: {  	v44 =	vor.u32 $0x20, v44;
	v3 =	vor.u32 v3, v42;
	v4 =	vor.u32 v57, v61;
	v57 =	vld [tilespmem:$0x1FED0];
	[tilespmem:v25+s21+$0x0] =	vst.idx.msk $0xffff, v8  }
0x263: {  	v63 =	vand.u32 $0x28, v44;
	v34 =	vor.u32 v24, v3;
	v62 =	vand.u32 $0x7, v58;
	v56 =	vld [tilespmem:$0x1FEE0]  }
0x264: {  	v33 =	vlaneseq.u32;
	v5 =	vand.u32 $0x1400, v5;
	v6 =	vor.u32 v62, v63;
	v61 =	vld [tilespmem:$0x1FF10]  }
0x265: {  	v32 =	vor.u32 v24, v46;
	v5 =	vor.u32 v5, v23;
	v7 =	vor.u32 v24, v6;
	v52 =	vld [tilespmem:$0x1FEF0]  }
0x266: {  	v39 =	vshll.u32 v43, $0x7;
	v63 =	vshll.u32 v44, $0x7;
	v62 =	vor.u32 v24, v4  }
0x267: {  	v42 =	vor.u32 v22, v2;
	v28 =	vld.idx.msk [tilespmem:v28+s13+$0x0], $0xffff;
	v27 =	vand.u32 $0x1400, v63;
	v5 =	vor.u32 v57, v5  }
0x268: {  	v8 =	vand.u32 $0x1400, v39;
	v27 =	vor.u32 v27, v23;
	v34 =	vld.idx.msk [tilespmem:v34+s13+$0x0], $0xffff;
	v25 =	vor.u32 v33, v5  }
0x269: {  	v29 =	vld.idx.msk [tilespmem:v29+s13+$0x0], $0xffff;
	v39 =	vor.u32 v22, v3;
	v48 =	vor.u32 v8, v23;
	v8 =	vor.u32 v56, v27  }
0x26a: {  	v27 =	vor.u32 v61, v0;
	v0 =	vld.idx.msk [tilespmem:v7+s13+$0x0], $0xffff;
	v7 =	vor.u32 v52, v48;
	v40 =	vor.u32 v33, v8  }
0x26b: {  	v63 =	vor.u32 v22, v6;
	[tilespmem:v50+s21+$0x0] =	vst.idx.msk $0xffff, v49;
	v44 =	vld.idx.msk [tilespmem:v62+s13+$0x0], $0xffff;
	v62 =	vlaneseq.u32;
	v48 =	vor.u32 v33, v7  }
0x26c: {  	v32 =	vld.idx.msk [tilespmem:v32+s13+$0x0], $0xffff;
	[tilespmem:v30+s21+$0x0] =	vst.idx.msk $0xffff, v28;
	v30 =	vor.u32 v22, v4;
	v28 =	vor.u32 v62, v27  }
0x26d: {  	v26 =	vor.u32 v9, v1;
	[tilespmem:v25+s21+$0x0] =	vst.idx.msk $0xffff, v34;
	v25 =	vld.idx.msk [tilespmem:v42+s13+$0x0], $0xffff  }
0x26e: {  	[tilespmem:v37+s21+$0x0] =	vst.idx.msk $0xffff, v29;
	v29 =	vor.u32 v21, v2;
	v62 =	vor.u32 v9, v5;
	v61 =	vld.idx.msk [tilespmem:v39+s13+$0x0], $0xffff  }
0x26f: {  	v42 =	vld.idx.msk [tilespmem:v55+s13+$0x0], $0xffff;
	[tilespmem:v40+s21+$0x0] =	vst.idx.msk $0xffff, v0;
	v0 =	vor.u32 v9, v35;
	v40 =	vor.u32 v21, v3  }
0x270: {  	[tilespmem:v48+s21+$0x0] =	vst.idx.msk $0xffff, v44;
	v44 =	vor.u32 v22, v41;
	v48 =	vld.idx.msk [tilespmem:v63+s13+$0x0], $0xffff;
	v63 =	vor.u32 v9, v8  }
0x271: {  	[tilespmem:v28+s21+$0x0] =	vst.idx.msk $0xffff, v32;
	v32 =	vor.u32 v21, v6;
	v28 =	vld.idx.msk [tilespmem:v30+s13+$0x0], $0xffff;
	v30 =	vor.u32 v9, v7  }
0x272: {  	v47 =	vld.idx.msk [tilespmem:v47+s13+$0x0], $0xffff;
	v55 =	vor.u32 v21, v4;
	[tilespmem:v26+s21+$0x0] =	vst.idx.msk $0xffff, v25;
	v25 =	vor.u32 v11, v38  }
0x273: {  	[tilespmem:v62+s21+$0x0] =	vst.idx.msk $0xffff, v61;
	v61 =	vor.u32 v22, v46;
	v29 =	vld.idx.msk [tilespmem:v29+s13+$0x0], $0xffff;
	v62 =	vor.u32 v10, v1  }
0x274: {  	[tilespmem:v0+s21+$0x0] =	vst.idx.msk $0xffff, v42;
	v0 =	vor.u32 v20, v2;
	v42 =	vor.u32 v10, v5;
	v40 =	vld.idx.msk [tilespmem:v40+s13+$0x0], $0xffff  }
0x275: {  	v44 =	vld.idx.msk [tilespmem:v44+s13+$0x0], $0xffff;
	[tilespmem:v63+s21+$0x0] =	vst.idx.msk $0xffff, v48;
	v48 =	vor.u32 v9, v53;
	v63 =	vor.u32 v20, v3  }
0x276: {  	[tilespmem:v30+s21+$0x0] =	vst.idx.msk $0xffff, v28;
	v28 =	vor.u32 v21, v36;
	v30 =	vld.idx.msk [tilespmem:v32+s13+$0x0], $0xffff;
	v32 =	vor.u32 v10, v8  }
0x277: {  	v26 =	vor.u32 v10, v7;
	[tilespmem:v25+s21+$0x0] =	vst.idx.msk $0xffff, v47;
	v25 =	vld.idx.msk [tilespmem:v55+s13+$0x0], $0xffff;
	v55 =	vor.u32 v20, v6  }
0x278: {  	v37 =	vld.idx.msk [tilespmem:v61+s13+$0x0], $0xffff;
	[tilespmem:v62+s21+$0x0] =	vst.idx.msk $0xffff, v29;
	v61 =	vor.u32 v9, v27;
	v62 =	vor.u32 v20, v4  }
0x279: {  	[tilespmem:v42+s21+$0x0] =	vst.idx.msk $0xffff, v40;
	v40 =	vor.u32 v11, v1;
	v0 =	vld.idx.msk [tilespmem:v0+s13+$0x0], $0xffff  }
0x27a: {  	[tilespmem:v48+s21+$0x0] =	vst.idx.msk $0xffff, v44;
	v42 =	vor.u32 v19, v2;
	v44 =	vld.idx.msk [tilespmem:v63+s13+$0x0], $0xffff;
	v63 =	vor.u32 v11, v5  }
0x27b: {  	v28 =	vld.idx.msk [tilespmem:v28+s13+$0x0], $0xffff;
	[tilespmem:v32+s21+$0x0] =	vst.idx.msk $0xffff, v30;
	v30 =	vor.u32 v10, v35;
	v32 =	vor.u32 v19, v3  }
0x27c: {  	[tilespmem:v26+s21+$0x0] =	vst.idx.msk $0xffff, v25;
	v25 =	vor.u32 v21, v41;
	v34 =	vld.idx.msk [tilespmem:v55+s13+$0x0], $0xffff;
	v55 =	vor.u32 v11, v8  }
0x27d: {  	[tilespmem:v61+s21+$0x0] =	vst.idx.msk $0xffff, v37;
	v29 =	vld.idx.msk [tilespmem:v62+s13+$0x0], $0xffff;
	v61 =	vor.u32 v11, v7;
	v62 =	vor.u32 v19, v6  }
0x27e: {  	v45 =	vld.idx.msk [tilespmem:v45+s13+$0x0], $0xffff;
	[tilespmem:v40+s21+$0x0] =	vst.idx.msk $0xffff, v0;
	v0 =	vor.u32 v12, v38;
	v40 =	vor.u32 v19, v4  }
0x27f: {  	[tilespmem:v63+s21+$0x0] =	vst.idx.msk $0xffff, v44;
	v44 =	vor.u32 v21, v46;
	v63 =	vor.u32 v12, v1;
	v42 =	vld.idx.msk [tilespmem:v42+s13+$0x0], $0xffff  }
0x280: {  	[tilespmem:v30+s21+$0x0] =	vst.idx.msk $0xffff, v28;
	v30 =	vld.idx.msk [tilespmem:v32+s13+$0x0], $0xffff;
	v32 =	vor.u32 v12, v5  }
0x281: {  	v26 =	vor.u32 v10, v53;
	v28 =	vor.u32 v17, v2;
	v25 =	vld.idx.msk [tilespmem:v25+s13+$0x0], $0xffff;
	[tilespmem:v55+s21+$0x0] =	vst.idx.msk $0xffff, v34  }
0x282: {  	v55 =	vor.u32 v17, v3;
	[tilespmem:v61+s21+$0x0] =	vst.idx.msk $0xffff, v29;
	v61 =	vld.idx.msk [tilespmem:v62+s13+$0x0], $0xffff;
	v62 =	vor.u32 v12, v8  }
0x283: {  	v29 =	vor.u32 v20, v36;
	[tilespmem:v0+s21+$0x0] =	vst.idx.msk $0xffff, v45;
	v0 =	vld.idx.msk [tilespmem:v40+s13+$0x0], $0xffff;
	v40 =	vor.u32 v12, v7  }
0x284: {  	v45 =	vor.u32 v17, v6;
	v44 =	vld.idx.msk [tilespmem:v44+s13+$0x0], $0xffff;
	[tilespmem:v63+s21+$0x0] =	vst.idx.msk $0xffff, v42;
	v42 =	vor.u32 v10, v27  }
0x285: {  	[tilespmem:v32+s21+$0x0] =	vst.idx.msk $0xffff, v30  }
0x286: {  	v63 =	vor.u32 v17, v4;
	v28 =	vld.idx.msk [tilespmem:v28+s13+$0x0], $0xffff;
	[tilespmem:v26+s21+$0x0] =	vst.idx.msk $0xffff, v25  }
0x287: {  	v51 =	vor.u32 v13, v1;
	v32 =	vld.idx.msk [tilespmem:v55+s13+$0x0], $0xffff;
	[tilespmem:v62+s21+$0x0] =	vst.idx.msk $0xffff, v61  }
0x288: {  	v55 =	vor.u32 v13, v5;
	v29 =	vld.idx.msk [tilespmem:v29+s13+$0x0], $0xffff;
	[tilespmem:v40+s21+$0x0] =	vst.idx.msk $0xffff, v0  }
0x289: {  	v61 =	vor.u32 v11, v35;
	v0 =	vld.idx.msk [tilespmem:v45+s13+$0x0], $0xffff;
	[tilespmem:v42+s21+$0x0] =	vst.idx.msk $0xffff, v44  }
0x28a: {  	v62 =	vor.u32 v16, v3;
	v40 =	vor.u32 v13, v8;
	v49 =	vld [tilespmem:$0x1FF60]  }
0x28b: {  	v48 =	vor.u32 v16, v6;
	v42 =	vld.idx.msk [tilespmem:v63+s13+$0x0], $0xffff;
	v63 =	vor.u32 v13, v7  }
0x28c: {  	v25 =	vor.u32 v16, v2;
	[tilespmem:v51+s21+$0x0] =	vst.idx.msk $0xffff, v28  }
0x28d: {  	[tilespmem:v55+s21+$0x0] =	vst.idx.msk $0xffff, v32  }
0x28e: {  	v47 =	vor.u32 v20, v41;
	[tilespmem:v61+s21+$0x0] =	vst.idx.msk $0xffff, v29  }
0x28f: {  	v51 =	vor.u32 v16, v4;
	v61 =	vld.idx.msk [tilespmem:v62+s13+$0x0], $0xffff;
	v62 =	vor.u32 v14, v5;
	[tilespmem:v40+s21+$0x0] =	vst.idx.msk $0xffff, v0  }
0x290: {  	v0 =	vor.u32 v18, v2;
	[tilespmem:v63+s21+$0x0] =	vst.idx.msk $0xffff, v42;
	v2 =	vld.idx.msk [tilespmem:v48+s13+$0x0], $0xffff;
	v63 =	vor.u32 v14, v8  }
0x291: {  	v6 =	vor.u32 v18, v6;
	v25 =	vld.idx.msk [tilespmem:v25+s13+$0x0], $0xffff;
	v55 =	vor.u32 v14, v1  }
0x292: {  	v50 =	vor.u32 v13, v38;
	v3 =	vor.u32 v18, v3;
	v43 =	vld.idx.msk [tilespmem:v49+s13+$0x0], $0xffff  }
0x293: {  	v45 =	vor.u32 v14, v7;
	v7 =	vor.u32 v15, v7;
	v4 =	vor.u32 v18, v4  }
0x294: {  	v28 =	vor.u32 v11, v27;
	v32 =	vor.u32 v19, v36;
	v44 =	vld.idx.msk [tilespmem:v51+s13+$0x0], $0xffff;
	[tilespmem:v62+s21+$0x0] =	vst.idx.msk $0xffff, v61  }
0x295: {  	v29 =	vor.u32 v11, v53;
	v48 =	vor.u32 v20, v46;
	v62 =	vld.idx.msk [tilespmem:v47+s13+$0x0], $0xffff;
	[tilespmem:v63+s21+$0x0] =	vst.idx.msk $0xffff, v2  }
0x296: {  	v58 =	vor.u32 $0x30, v58;
	v8 =	vor.u32 v15, v8;
	[tilespmem:v55+s21+$0x0] =	vst.idx.msk $0xffff, v25;
	v49 =	vor.u32 $0x30, v54;
	v6 =	vld.idx.msk [tilespmem:v6+s13+$0x0], $0xffff  }
0x297: {  	v55 =	vor.u32 $0x30, v60;
	v0 =	vld.idx.msk [tilespmem:v0+s13+$0x0], $0xffff;
	v2 =	vand.u32 $0x3F, v49;
	[tilespmem:v50+s21+$0x0] =	vst.idx.msk $0xffff, v43;
	v50 =	vor.u32 v15, v1  }
0x298: {  	v51 =	vor.u32 v15, v5;
	v5 =	vand.u32 $0x3F, v55;
	v54 =	vor.u32 v24, v2  }
0x299: {  	v61 =	vor.u32 $0x30, v59;
	v3 =	vld.idx.msk [tilespmem:v3+s13+$0x0], $0xffff;
	v60 =	vor.u32 v24, v5;
	[tilespmem:v45+s21+$0x0] =	vst.idx.msk $0xffff, v44;
	v1 =	vshll.u32 v49, $0x7  }
0x29a: {  	v47 =	vor.u32 v22, v5;
	v42 =	vld.idx.msk [tilespmem:v4+s13+$0x0], $0xffff;
	v4 =	vand.u32 $0x3F, v58;
	[tilespmem:v29+s21+$0x0] =	vst.idx.msk $0xffff, v62;
	v1 =	vand.u32 $0x1C00, v1  }
0x29b: {  	v25 =	vld.idx.msk [tilespmem:v48+s13+$0x0], $0xffff;
	v43 =	vlaneseq.u32;
	v1 =	vor.u32 v1, v23;
	[tilespmem:v8+s21+$0x0] =	vst.idx.msk $0xffff, v6;
	v8 =	vor.u32 v24, v4  }
0x29c: {  	v6 =	vand.u32 $0x3F, v61;
	v1 =	vor.u32 v31, v1;
	[tilespmem:v50+s21+$0x0] =	vst.idx.msk $0xffff, v0;
	v0 =	vshll.u32 v55, $0x7  }
0x29d: {  	v63 =	vor.u32 v24, v6;
	v44 =	vor.u32 v43, v1;
	v0 =	vand.u32 $0x1C00, v0;
	v30 =	vld.idx.msk [tilespmem:v54+s13+$0x0], $0xffff  }
0x29e: {  	v40 =	vor.u32 v22, v2;
	[tilespmem:v51+s21+$0x0] =	vst.idx.msk $0xffff, v3;
	v31 =	vshll.u32 v58, $0x7;
	v0 =	vor.u32 v0, v23  }
0x29f: {  	[tilespmem:v7+s21+$0x0] =	vst.idx.msk $0xffff, v42;
	v42 =	vshll.u32 v61, $0x7;
	v3 =	vor.u32 v57, v0;
	v0 =	vand.u32 $0x1C00, v31  }
0x2a0: {  	v33 =	vld.idx.msk [tilespmem:v60+s13+$0x0], $0xffff;
	[tilespmem:v28+s21+$0x0] =	vst.idx.msk $0xffff, v25;
	v34 =	vand.u32 $0x1C00, v42;
	v0 =	vor.u32 v0, v23  }
0x2a1: {  	v45 =	vor.u32 v34, v23;
	v8 =	vld.idx.msk [tilespmem:v8+s13+$0x0], $0xffff;
	v7 =	vor.u32 v56, v0;
	v0 =	vor.u32 v43, v3  }
0x2a2: {  	v49 =	vlaneseq.u32;
	v24 =	vld.idx.msk [tilespmem:v63+s13+$0x0], $0xffff;
	v23 =	vor.u32 v52, v45;
	v48 =	vor.u32 v43, v7;
	[tilespmem:v44+s21+$0x0] =	vst.idx.msk $0xffff, v30  }
0x2a3: {  	v51 =	vor.u32 v22, v4;
	v50 =	vor.u32 v49, v23;
	v58 =	vld [tilespmem:$0x1FF40]  }
0x2a4: {  	v55 =	vor.u32 v22, v6  }
0x2a5: {  	v54 =	vor.u32 v12, v35;
	v57 =	vor.u32 v19, v41;
	v52 =	vld.idx.msk [tilespmem:v32+s13+$0x0], $0xffff  }
0x2a6: {  	v60 =	vor.u32 v9, v1;
	v40 =	vld.idx.msk [tilespmem:v40+s13+$0x0], $0xffff;
	[tilespmem:v0+s21+$0x0] =	vst.idx.msk $0xffff, v33  }
0x2a7: {  	v61 =	vor.u32 v9, v3;
	v0 =	vor.u32 v19, v46;
	[tilespmem:v48+s21+$0x0] =	vst.idx.msk $0xffff, v8;
	v34 =	vld.idx.msk [tilespmem:v47+s13+$0x0], $0xffff  }
0x2a8: {  	v42 =	vor.u32 v9, v7;
	[tilespmem:v50+s21+$0x0] =	vst.idx.msk $0xffff, v24;
	v8 =	vor.u32 v21, v2;
	v63 =	vld.idx.msk [tilespmem:v51+s13+$0x0], $0xffff  }
0x2a9: {  	v43 =	vor.u32 v9, v23;
	v44 =	vor.u32 v21, v4;
	v22 =	vld.idx.msk [tilespmem:v55+s13+$0x0], $0xffff  }
0x2aa: {  	v62 =	vor.u32 v21, v5;
	v45 =	vld.idx.msk [tilespmem:v57+s13+$0x0], $0xffff;
	[tilespmem:v54+s21+$0x0] =	vst.idx.msk $0xffff, v52;
	v47 =	vor.u32 v12, v53  }
0x2ab: {  	v56 =	vor.u32 v14, v38;
	v48 =	vor.u32 v21, v6;
	[tilespmem:v60+s21+$0x0] =	vst.idx.msk $0xffff, v40;
	v59 =	vld.idx.msk [tilespmem:v58+s13+$0x0], $0xffff  }
0x2ac: {  	v49 =	vor.u32 v17, v36;
	v50 =	vor.u32 v12, v27;
	v0 =	vld.idx.msk [tilespmem:v0+s13+$0x0], $0xffff;
	[tilespmem:v61+s21+$0x0] =	vst.idx.msk $0xffff, v34  }
0x2ad: {  	v52 =	vor.u32 v10, v1;
	v51 =	vor.u32 v17, v41;
	v8 =	vld.idx.msk [tilespmem:v8+s13+$0x0], $0xffff;
	[tilespmem:v42+s21+$0x0] =	vst.idx.msk $0xffff, v63  }
0x2ae: {  	v54 =	vor.u32 v20, v2;
	v58 =	vor.u32 v10, v7;
	[tilespmem:v43+s21+$0x0] =	vst.idx.msk $0xffff, v22;
	v57 =	vld.idx.msk [tilespmem:v44+s13+$0x0], $0xffff  }
0x2af: {  	v55 =	vor.u32 v10, v3;
	v60 =	vor.u32 v20, v4;
	[tilespmem:v47+s21+$0x0] =	vst.idx.msk $0xffff, v45;
	v24 =	vld.idx.msk [tilespmem:v62+s13+$0x0], $0xffff  }
0x2b0: {  	v21 =	vld.idx.msk [tilespmem:v48+s13+$0x0], $0xffff;
	[tilespmem:v56+s21+$0x0] =	vst.idx.msk $0xffff, v59;
	v56 =	vor.u32 v20, v5;
	v59 =	vor.u32 v10, v23  }
0x2b1: {  	v61 =	vor.u32 v13, v35;
	v62 =	vor.u32 v20, v6;
	[tilespmem:v50+s21+$0x0] =	vst.idx.msk $0xffff, v0;
	v0 =	vld.idx.msk [tilespmem:v49+s13+$0x0], $0xffff  }
0x2b2: {  	v40 =	vor.u32 v13, v53;
	v63 =	vld.idx.msk [tilespmem:v51+s13+$0x0], $0xffff;
	[tilespmem:v52+s21+$0x0] =	vst.idx.msk $0xffff, v8;
	v8 =	vor.u32 v17, v46  }
0x2b3: {  	v43 =	vor.u32 v11, v1;
	v42 =	vor.u32 v16, v36;
	v29 =	vld.idx.msk [tilespmem:v54+s13+$0x0], $0xffff;
	[tilespmem:v58+s21+$0x0] =	vst.idx.msk $0xffff, v57  }
0x2b4: {  	v44 =	vor.u32 v19, v2;
	v49 =	vor.u32 v11, v7;
	[tilespmem:v55+s21+$0x0] =	vst.idx.msk $0xffff, v24;
	v48 =	vld.idx.msk [tilespmem:v60+s13+$0x0], $0xffff  }
0x2b5: {  	v45 =	vor.u32 v11, v3;
	v51 =	vor.u32 v19, v4;
	v22 =	vld.idx.msk [tilespmem:v56+s13+$0x0], $0xffff;
	[tilespmem:v59+s21+$0x0] =	vst.idx.msk $0xffff, v21  }
0x2b6: {  	v47 =	vor.u32 v19, v5;
	v50 =	vor.u32 v11, v23;
	[tilespmem:v61+s21+$0x0] =	vst.idx.msk $0xffff, v0;
	v0 =	vld.idx.msk [tilespmem:v62+s13+$0x0], $0xffff  }
0x2b7: {  	v52 =	vor.u32 v13, v27;
	[tilespmem:v40+s21+$0x0] =	vst.idx.msk $0xffff, v63;
	v56 =	vor.u32 v16, v41;
	v8 =	vld.idx.msk [tilespmem:v8+s13+$0x0], $0xffff  }
0x2b8: {  	v54 =	vor.u32 v19, v6;
	v55 =	vor.u32 v14, v35;
	v24 =	vld.idx.msk [tilespmem:v42+s13+$0x0], $0xffff;
	[tilespmem:v43+s21+$0x0] =	vst.idx.msk $0xffff, v29  }
0x2b9: {  	v57 =	vor.u32 v12, v1;
	v25 =	vld.idx.msk [tilespmem:v44+s13+$0x0], $0xffff;
	[tilespmem:v49+s21+$0x0] =	vst.idx.msk $0xffff, v48  }
0x2ba: {  	v37 =	vor.u32 v15, v38;
	v58 =	vor.u32 v17, v2;
	[tilespmem:v45+s21+$0x0] =	vst.idx.msk $0xffff, v22;
	v60 =	vld.idx.msk [tilespmem:v51+s13+$0x0], $0xffff  }
0x2bb: {  	v40 =	vor.u32 v16, v46;
	v59 =	vor.u32 v12, v3;
	v21 =	vld.idx.msk [tilespmem:v47+s13+$0x0], $0xffff;
	[tilespmem:v50+s21+$0x0] =	vst.idx.msk $0xffff, v0  }
0x2bc: {  	v61 =	vor.u32 v12, v7;
	v22 =	vld.idx.msk [tilespmem:v56+s13+$0x0], $0xffff;
	v0 =	vor.u32 v17, v5;
	[tilespmem:v52+s21+$0x0] =	vst.idx.msk $0xffff, v8  }
0x2bd: {  	v63 =	vor.u32 v17, v4;
	v62 =	vor.u32 v12, v23;
	[tilespmem:v55+s21+$0x0] =	vst.idx.msk $0xffff, v24;
	v8 =	vld.idx.msk [tilespmem:v54+s13+$0x0], $0xffff  }
0x2be: {  	v42 =	vor.u32 v14, v53;
	v17 =	vor.u32 v17, v6;
	v38 =	vld [tilespmem:$0x1FF30];
	[tilespmem:v57+s21+$0x0] =	vst.idx.msk $0xffff, v25  }
0x2bf: {  	v43 =	vor.u32 v18, v36;
	v44 =	vor.u32 v13, v1;
	v30 =	vld.idx.msk [tilespmem:v58+s13+$0x0], $0xffff  }
0x2c0: {  	v45 =	vor.u32 v16, v2;
	v52 =	vld.idx.msk [tilespmem:v40+s13+$0x0], $0xffff;
	v54 =	vor.u32 v14, v27;
	[tilespmem:v59+s21+$0x0] =	vst.idx.msk $0xffff, v21  }
0x2c1: {  	v47 =	vor.u32 v13, v3;
	v55 =	vor.u32 v18, v41;
	[tilespmem:v61+s21+$0x0] =	vst.idx.msk $0xffff, v60;
	v0 =	vld.idx.msk [tilespmem:v0+s13+$0x0], $0xffff  }
0x2c2: {  	v49 =	vor.u32 v13, v7;
	v48 =	vld.idx.msk [tilespmem:v63+s13+$0x0], $0xffff;
	[tilespmem:v62+s21+$0x0] =	vst.idx.msk $0xffff, v8;
	v8 =	vor.u32 v16, v5  }
0x2c3: {  	v51 =	vor.u32 v16, v4;
	v50 =	vor.u32 v13, v23;
	[tilespmem:v42+s21+$0x0] =	vst.idx.msk $0xffff, v22;
	v17 =	vld.idx.msk [tilespmem:v17+s13+$0x0], $0xffff  }
0x2c4: {  	v56 =	vor.u32 v15, v35;
	v21 =	vld.idx.msk [tilespmem:v43+s13+$0x0], $0xffff;
	v16 =	vor.u32 v16, v6;
	[tilespmem:v44+s21+$0x0] =	vst.idx.msk $0xffff, v30  }
0x2c5: {  	v57 =	vor.u32 v14, v1;
	[tilespmem:v54+s21+$0x0] =	vst.idx.msk $0xffff, v52;
	v20 =	vld.idx.msk [tilespmem:v45+s13+$0x0], $0xffff  }
0x2c6: {  	v2 =	vor.u32 v18, v2;
	v61 =	vld.idx.msk [tilespmem:v55+s13+$0x0], $0xffff;
	v62 =	vor.u32 v15, v53;
	[tilespmem:v47+s21+$0x0] =	vst.idx.msk $0xffff, v0  }
0x2c7: {  	v58 =	vor.u32 v14, v3;
	[tilespmem:v49+s21+$0x0] =	vst.idx.msk $0xffff, v48;
	v0 =	vor.u32 v18, v46;
	v8 =	vld.idx.msk [tilespmem:v8+s13+$0x0], $0xffff  }
0x2c8: {  	v59 =	vor.u32 v14, v7;
	v5 =	vor.u32 v18, v5;
	[tilespmem:v50+s21+$0x0] =	vst.idx.msk $0xffff, v17;
	v17 =	vld.idx.msk [tilespmem:v51+s13+$0x0], $0xffff  }
0x2c9: {  	v4 =	vor.u32 v18, v4;
	v60 =	vor.u32 v14, v23;
	[tilespmem:v56+s21+$0x0] =	vst.idx.msk $0xffff, v21;
	v16 =	vld.idx.msk [tilespmem:v16+s13+$0x0], $0xffff  }
0x2ca: {  	v6 =	vor.u32 v18, v6;
	v39 =	vld.idx.msk [tilespmem:v38+s13+$0x0], $0xffff;
	[tilespmem:v57+s21+$0x0] =	vst.idx.msk $0xffff, v20  }
0x2cb: {  	v1 =	vor.u32 v15, v1;
	[tilespmem:v62+s21+$0x0] =	vst.idx.msk $0xffff, v61;
	v2 =	vld.idx.msk [tilespmem:v2+s13+$0x0], $0xffff  }
0x2cc: {  	v63 =	vor.u32 v15, v27;
	v0 =	vld.idx.msk [tilespmem:v0+s13+$0x0], $0xffff;
	[tilespmem:v58+s21+$0x0] =	vst.idx.msk $0xffff, v8  }
0x2cd: {  	v3 =	vor.u32 v15, v3;
	[tilespmem:v59+s21+$0x0] =	vst.idx.msk $0xffff, v17;
	v5 =	vld.idx.msk [tilespmem:v5+s13+$0x0], $0xffff  }
0x2ce: {  	v7 =	vor.u32 v15, v7;
	[tilespmem:v60+s21+$0x0] =	vst.idx.msk $0xffff, v16;
	v4 =	vld.idx.msk [tilespmem:v4+s13+$0x0], $0xffff  }
0x2cf: {  	[tilespmem:v37+s21+$0x0] =	vst.idx.msk $0xffff, v39;
	v8 =	vor.u32 v15, v23;
	v6 =	vld.idx.msk [tilespmem:v6+s13+$0x0], $0xffff  }
0x2d0: {  	[tilespmem:v1+s21+$0x0] =	vst.idx.msk $0xffff, v2  }
0x2d1: {  	p0 =	sgt.u32 s29, $0x2D;
	[tilespmem:v63+s21+$0x0] =	vst.idx.msk $0xffff, v0  }
0x2d2: {  	s10 =	sshll.u32 @!p0 s29, $0x7;
	[tilespmem:v3+s21+$0x0] =	vst.idx.msk $0xffff, v5  }
0x2d3: {  	s1 =	sshll.u32 @!p0 s1, $0xD;
	s10 =	sand.u32 @!p0 $0x3FFFFF80, s10;
	[tilespmem:v7+s21+$0x0] =	vst.idx.msk $0xffff, v4  }
0x2d4: {  	s14 =	simm.s32 @!p0 $0x80;
	s1 =	sor.u32 @!p0 $0x1E00, s1;
	s10 =	sadd.s32 @!p0 $0x200, s10;
	[tilespmem:v8+s21+$0x0] =	vst.idx.msk $0xffff, v6  }
0x2d5: {  	[tilespmem:s1], [sflag:s30] =	stream.indirect.gather @!p0 [hbm4b:s3+s14], $0x40, s10, s14, $0xb8;
	[tilespmem:$0x11E00] =	vst v63  }
0x2d6: {  	s30 =	sshll.u32 s29, $0xF;
	s29 =	sadd.s32 $0x1, s29  }
0x2d7: {  	p0 =	sne.s32 s29, $0x32  }
.Ltmp3:
0x2d8: {  	_ = 	snop;
	(pc) =	sbr.rel @p0 .LBB2_6-.Ltmp3, $3  }
0x2d9: {  	_ =	sdelay $0x1  }
0x2da: {  	s31 =	sadd.s32 $0x5, s31;
	s0 =	sor.u32 $0x9E00, s0;
	s1 =	sadd.s32 s30, s7  }
0x2db: {  	v0 =	vlaneseq.u32;
	[hbm4b:s1+s19] =	stream.strided.scatter [tilespmem:s0], [sflag:s31], $0x2000, s20, s19, $0x38;
	[tilespmem:$0x11E00] =	vst v63  }
0x2dc: {  	_ =	swait.ge [sflag:s22], $0x2000  }
0x2dd: {  	[sflag:s22] =	ssyncset.done $0x0  }
0x2de: {  	[sflag:s22] =	ssyncadd.s32 $0xFFFFE000  }
0x2df: {  	_ =	swait.ge [sflag:s23], $0x2000  }
0x2e0: {  	[sflag:s23] =	ssyncset.done $0x0  }
0x2e1: {  	s26 =	sadd.s32 $0x1, s26;
	[sflag:s23] =	ssyncadd.s32 $0xFFFFE000  }
0x2e2: {  	p0 =	sne.s32 s26, s8;
	_ =	swait.ge [sflag:s24], $0x2000  }
.Ltmp4:
0x2e3: {  	[sflag:s24] =	ssyncset.done $0x0;
	(pc) =	sbr.rel @p0 .LBB2_1-.Ltmp4, $4  }
0x2e4: {  	[sflag:s24] =	ssyncadd.s32 $0xFFFFE000  }
0x2e5: {  	_ =	swait.ge [sflag:s25], $0x2000  }
0x2e6: {  	[sflag:s25] =	ssyncset.done $0x0  }
0x2e7: {  	[sflag:s25] =	ssyncadd.s32 $0xFFFFE000  }
0x2e8: {  	_ =	sfence.sel $0x180000  }
0x2e9: {  	[bflag:$0x0] =	sbarrier.arrive $0xFFFF  }
0x2ea: {  	_ =	strace $0x90000047  }
0x2eb: {  	s0 =	stileid.u32;
	[bflag:$0x2] =	sbarrier.arrive $0xFFFF  }
0x2ec: {  	p0 =	sne.s32 s0, $0x0;
	s0 =	rddreg [dreg:$0x2]  }
0x2ed: {  	s0 =	sadd.s32 @!p0 $0x100000, s0  }
0x2ee: {  	[sflag:s0] =	ssyncadd.tile.s32 @!p0 $0x1;
	_ =	shalt  }
.Lfunc_end2:
_tile_overlayer_lowered:
.L_overlay_start_2:
0x2ef: {  	(tag) =	ssettag $0x2  }
0x2f0: {  	s0 =	rddreg [dreg:$0x0];
	s2 =	stileid.u32  }
0x2f1: {  	s1 =	rddreg [dreg:$0x1];
	p0 =	sne.s32 s2, $0x0  }
0x2f2: {  	s3 =	rddreg [dreg:$0x2];
	[bflag:$0x3] =	sbarrier.arrive $0xFFFF;
	s2 =	simm.s32 @!p0 $0x1C09  }
0x2f3: {  	[timem:s3], [sflag:s2] =	dma.local @!p0 [hbm:s0], s1  }
0x2f4: {  	s0 =	simm.s32 @!p0 $0x9  }
0x2f5: {  	_ =	swait.ge @!p0 [sflag:s0], s1  }
0x2f6: {  	s1 =	ssub.s32 @!p0 $0x0, s1;
	[sflag:s0] =	ssyncset.done @!p0 $0x0  }
0x2f7: {  	[sflag:s0] =	ssyncadd.s32 @!p0 s1  }
0x2f8: {  	[bflag:$0x3] =	sbarrier.arrive $0xFFFF  }
0x2f9: {  	_ =	shalt  }

</sc_bundles>
